<compile_context>
chip_gen: v7x
topology: tpu7x:2x2x1
jax: 0.10.2.dev20260603
libtpu: 0.0.44.dev20260713+nightly
codegen_flags: <defaults>
</compile_context>

<pallas_src>
import functools

import jax
import jax.numpy as jnp
from jax import lax
from jax.experimental import pallas as pl
from jax.experimental.pallas import tpu as pltpu
from jax.experimental.pallas import tpu_sc as plsc

B, S, L = 1024, 200, 4
BS = B * S
HID = 128
E_DIM, W_DIM, SKU_DIM, CAT_DIM, PRICE_DIM, URL_DIM = 16, 64, 64, 16, 16, 64

NW = 32
CHUNK = 64
PER_W = BS // NW
N_CHUNKS = PER_W // CHUNK
NSTREAM = 9
IDS_ROW = NSTREAM * CHUNK


def _sc_gather(ids_flat, word_table, sku_table, cat_table, price_table,
               url_table):
    mesh = plsc.VectorSubcoreMesh(core_axis_name="c", subcore_axis_name="s")
    out_type = (
        jax.ShapeDtypeStruct((BS, 128), jnp.float32),
        jax.ShapeDtypeStruct((BS, 128), jnp.float32),
        jax.ShapeDtypeStruct((BS,), jnp.float32),
    )

    @functools.partial(
        pl.kernel,
        out_type=out_type,
        mesh=mesh,
        compiler_params=pltpu.CompilerParams(use_tc_tiling_on_sc=False,
                                             needs_layout_passes=False),
        scratch_types=[
            pltpu.VMEM((2, IDS_ROW), jnp.int32),
            pltpu.VMEM((2, CHUNK, SKU_DIM), jnp.float32),
            pltpu.VMEM((2, CHUNK, URL_DIM), jnp.float32),
            pltpu.VMEM((2, 4, CHUNK, W_DIM), jnp.float32),
            pltpu.VMEM((2, CHUNK, CAT_DIM), jnp.float32),
            pltpu.VMEM((2, CHUNK, PRICE_DIM), jnp.float32),
            pltpu.VMEM((2, CHUNK, 128), jnp.float32),
            pltpu.VMEM((2, CHUNK, 128), jnp.float32),
            pltpu.VMEM((2, CHUNK), jnp.float32),
            pltpu.SemaphoreType.DMA((2,)),
            pltpu.SemaphoreType.DMA((2,)),
            pltpu.SemaphoreType.DMA((2,)),
        ],
    )
    def k(ids_hbm, word_t, sku_t, cat_t, price_t, url_t,
          out1, out2, mask_o,
          idx_v, sku_v, url_v, w_v, cat_v, price_v, p1_v, p2_v, mask_v,
          sem_i, sem_g, sem_w):
        wid = lax.axis_index("s") * 2 + lax.axis_index("c")
        lane = lax.iota(jnp.int32, 16)
        zeros16 = jnp.zeros((16,), jnp.float32)
        ones16 = jnp.ones((16,), jnp.float32)

        def idx_pair(ci, b):
            g = wid * N_CHUNKS + ci
            return (ids_hbm.at[pl.ds(g * IDS_ROW, IDS_ROW)], idx_v.at[b],
                    sem_i.at[b])

        def gather_pairs(b):
            idx = lambda j: idx_v.at[b, pl.ds(j * CHUNK, CHUNK)]
            return [
                (sku_t.at[idx(0)], sku_v.at[b], sem_g.at[b]),
                (url_t.at[idx(1)], url_v.at[b], sem_g.at[b]),
                (cat_t.at[idx(2)], cat_v.at[b], sem_g.at[b]),
                (price_t.at[idx(3)], price_v.at[b], sem_g.at[b]),
                (word_t.at[idx(4)], w_v.at[b, 0], sem_g.at[b]),
                (word_t.at[idx(5)], w_v.at[b, 1], sem_g.at[b]),
                (word_t.at[idx(6)], w_v.at[b, 2], sem_g.at[b]),
                (word_t.at[idx(7)], w_v.at[b, 3], sem_g.at[b]),
            ]

        def write_pairs(ci, b):
            g = wid * N_CHUNKS + ci
            base = pl.multiple_of(g * CHUNK, CHUNK)
            rows = pl.ds(base, CHUNK)
            return [
                (p1_v.at[b], out1.at[rows], sem_w.at[b]),
                (p2_v.at[b], out2.at[rows], sem_w.at[b]),
                (mask_v.at[b], mask_o.at[rows], sem_w.at[b]),
            ]

        def fire(pairs):
            for s, d, m in pairs:
                pltpu.async_copy(s, d, m)

        def drain(pairs):
            for s, d, m in pairs:
                pltpu.make_async_copy(s, d, m).wait()

        def compute(b):
            for grp in range(CHUNK // 16):
                et16 = idx_v[b, pl.ds(8 * CHUNK + grp * 16, 16)]
                mask_v[b, pl.ds(grp * 16, 16)] = jnp.where(
                    et16 == 0, 1.0, 0.0).astype(jnp.float32)

            @plsc.parallel_loop(0, CHUNK, step=1, unroll=2)
            def _(r):
                for c in range(W_DIM // 16):
                    s = pl.ds(c * 16, 16)
                    p1_v[b, r, s] = sku_v[b, r, s]
                    p1_v[b, r, pl.ds(64 + c * 16, 16)] = url_v[b, r, s]
                    p2_v[b, r, s] = (w_v[b, 0, r, s] + w_v[b, 1, r, s]
                                     + w_v[b, 2, r, s] + w_v[b, 3, r, s])
                p2_v[b, r, pl.ds(64, 16)] = cat_v[b, r, pl.ds(0, 16)]
                p2_v[b, r, pl.ds(80, 16)] = price_v[b, r, pl.ds(0, 16)]
                p2_v[b, r, pl.ds(96, 16)] = zeros16

            for grp in range(CHUNK // 16):
                et16 = idx_v[b, pl.ds(8 * CHUNK + grp * 16, 16)]
                plsc.store_scatter(
                    p2_v.at[b], [lane + grp * 16, et16 + 96], ones16)

        src0, dst0, _s0 = idx_pair(0, 0)
        pltpu.sync_copy(src0, dst0)
        fire(gather_pairs(0))

        def body(i, carry):
            for b in (0, 1):
                ci = 2 * i + b
                nb = 1 - b
                have_next = ci + 1 < N_CHUNKS

                @pl.when(have_next)
                def _():
                    fire([idx_pair(ci + 1, nb)])

                drain(gather_pairs(b))
                compute(b)

                @pl.when(have_next)
                def _():
                    drain([idx_pair(ci + 1, nb)])

                    @pl.when(ci >= 1)
                    def _():
                        drain(write_pairs(ci - 1, nb))

                    fire(gather_pairs(nb))

                fire(write_pairs(ci, b))
            return carry

        lax.fori_loop(0, N_CHUNKS // 2, body, 0)

        drain(write_pairs(N_CHUNKS - 2, 0))
        drain(write_pairs(N_CHUNKS - 1, 1))

    return k(ids_flat, word_table, sku_table, cat_table, price_table,
             url_table)


_TC_BLK = 2048


def _tc_body(in1_r, in2_r, evt_r,
             Ws_r, Wu_r, Wq_r, sb_r, ub_r, qb_r, agg_r):
    dot = lambda a, b: lax.dot_general(
        a, b, (((1,), (0,)), ((), ())), preferred_element_type=jnp.float32)
    in1 = in1_r[...]
    in2 = in2_r[...]
    sku = in1[:, 0:64]
    url = in1[:, 64:128]
    wavg = in2[:, 0:64] * 0.25
    cat = in2[:, 64:80]
    price = in2[:, 80:96]
    onehot = in2[:, 96:104]
    ev = dot(onehot, evt_r[...])
    sku_pre = (dot(ev, Ws_r[0:16]) + dot(sku, Ws_r[16:80])
               + dot(cat, Ws_r[80:96]) + dot(price, Ws_r[96:112])
               + dot(wavg, Ws_r[112:176]) + sb_r[...])
    url_pre = dot(url, Wu_r[0:64]) + dot(ev, Wu_r[64:80]) + ub_r[...]
    q_pre = dot(ev, Wq_r[0:16]) + dot(wavg, Wq_r[16:80]) + qb_r[...]
    sku_e = jnp.maximum(sku_pre, 0.0)
    url_e = jnp.maximum(url_pre, 0.0)
    q_e = jnp.maximum(q_pre, 0.0)
    is_sku = jnp.sum(in2[:, 97:100], axis=1, keepdims=True)
    is_url = in2[:, 100:101]
    is_q = in2[:, 101:102]
    agg_r[...] = sku_e * is_sku + url_e * is_url + q_e * is_q


def _tc_fuse(in1, in2, evt8, WsT, WuT, WqT, sb, ub, qb):
    grid = (BS // _TC_BLK,)
    row_spec = lambda d: pl.BlockSpec((_TC_BLK, d), lambda i: (i, 0))
    full_spec = lambda a: pl.BlockSpec(a.shape, lambda i: (0, 0))
    return pl.pallas_call(
        _tc_body,
        grid=grid,
        in_specs=[
            row_spec(128), row_spec(128),
            full_spec(evt8),
            full_spec(WsT), full_spec(WuT), full_spec(WqT),
            full_spec(sb), full_spec(ub), full_spec(qb),
        ],
        out_specs=[row_spec(HID)],
        out_shape=[jax.ShapeDtypeStruct((BS, HID), jnp.float32)],
    )(in1, in2, evt8, WsT, WuT, WqT, sb, ub, qb)


def kernel(event_type, sku_id, url_id, cat_id, price_id, word_id,
           event_table, word_table, sku_table, cat_table, price_table,
           url_table, sku_W, sku_b, url_W, url_b, query_W, query_b):
    ev_f = event_type.reshape(BS)
    wrd = word_id.reshape(BS, L)
    streams = jnp.stack([
        sku_id.reshape(BS), url_id.reshape(BS), cat_id.reshape(BS),
        price_id.reshape(BS), wrd[:, 0], wrd[:, 1], wrd[:, 2], wrd[:, 3],
        ev_f,
    ]).astype(jnp.int32)
    ids_flat = (streams.reshape(NSTREAM, BS // CHUNK, CHUNK)
                .transpose(1, 0, 2).reshape(-1))

    out1, out2, mask_flat = _sc_gather(ids_flat, word_table, sku_table,
                                       cat_table, price_table, url_table)

    evt8 = jnp.zeros((8, E_DIM), jnp.float32).at[0:6].set(event_table)

    agg = _tc_fuse(out1, out2, evt8, sku_W.T, url_W.T, query_W.T,
                   sku_b.reshape(1, HID), url_b.reshape(1, HID),
                   query_b.reshape(1, HID))[0]

    return agg.reshape(B, S, HID), mask_flat.reshape(B, S)

# --- scband reference (transcript-rebuilt; emitter-appended) ---
"""Pipeline reference for scband-behavior-sequence-transformer-41308995453233 (READ-ONLY COPY).

The authoritative reference and input builder live on the scoring server;
editing this copy changes nothing except your own understanding.
"""

import jax, jax.numpy as jnp
import numpy as np

B, S, L = 1024, 200, 4
NUM_EVENT, NUM_WORD, NUM_SKU, NUM_CAT, NUM_PRICE, NUM_URL = 6, 100000, 1000000, 1000, 100, 100000
E_DIM, W_DIM, SKU_DIM, CAT_DIM, PRICE_DIM, URL_DIM, HID = 16, 64, 64, 16, 16, 64, 128


def _table(k, n, d):
    t = jax.random.normal(k, (n, d), jnp.float32) * 0.02
    return t.at[0].set(0.0)  # padding_idx=0 row zeroed like nn.Embedding


def _linear(k, out_dim, in_dim):
    bound = 1.0 / np.sqrt(in_dim)
    kw, kb = jax.random.split(k)
    W = jax.random.uniform(kw, (out_dim, in_dim), jnp.float32, -bound, bound)
    b = jax.random.uniform(kb, (out_dim,), jnp.float32, -bound, bound)
    return W, b


def setup_inputs(seed: int = 0) -> dict:
    key = jax.random.key(seed)
    ks = jax.random.split(key, 16)
    event_type = jax.random.randint(ks[0], (B, S), 0, NUM_EVENT)
    sku_id = jax.random.randint(ks[1], (B, S), 0, NUM_SKU)
    url_id = jax.random.randint(ks[2], (B, S), 0, NUM_URL)
    cat_id = jax.random.randint(ks[3], (B, S), 0, NUM_CAT)
    price_id = jax.random.randint(ks[4], (B, S), 0, NUM_PRICE)
    word_id = jax.random.randint(ks[5], (B, S, L), 0, NUM_WORD)
    event_table = _table(ks[6], NUM_EVENT, E_DIM)
    word_table = _table(ks[7], NUM_WORD, W_DIM)
    sku_table = _table(ks[8], NUM_SKU, SKU_DIM)
    cat_table = _table(ks[9], NUM_CAT, CAT_DIM)
    price_table = _table(ks[10], NUM_PRICE, PRICE_DIM)
    url_table = _table(ks[11], NUM_URL, URL_DIM)
    sku_in = E_DIM + SKU_DIM + CAT_DIM + PRICE_DIM + W_DIM
    sku_W, sku_b = _linear(ks[12], HID, sku_in)
    url_W, url_b = _linear(ks[13], HID, E_DIM + URL_DIM)
    query_W, query_b = _linear(ks[14], HID, E_DIM + W_DIM)
    return {
        'event_type': event_type, 'sku_id': sku_id, 'url_id': url_id,
        'cat_id': cat_id, 'price_id': price_id, 'word_id': word_id,
        'event_table': event_table, 'word_table': word_table, 'sku_table': sku_table,
        'cat_table': cat_table, 'price_table': price_table, 'url_table': url_table,
        'sku_W': sku_W, 'sku_b': sku_b, 'url_W': url_W, 'url_b': url_b,
        'query_W': query_W, 'query_b': query_b,
    }


def reference(event_type, sku_id, url_id, cat_id, price_id, word_id,
              event_table, word_table, sku_table, cat_table, price_table, url_table,
              sku_W, sku_b, url_W, url_b, query_W, query_b):
    event_emb = jnp.take(event_table, event_type, axis=0)          # [B,S,E]
    word_avg = jnp.mean(jnp.take(word_table, word_id, axis=0), axis=-2)  # [B,S,W]
    # SkuEmbedding branch
    sku_x = jnp.concatenate([event_emb,
                             jnp.take(sku_table, sku_id, axis=0),
                             jnp.take(cat_table, cat_id, axis=0),
                             jnp.take(price_table, price_id, axis=0),
                             word_avg], axis=-1)
    sku_e = jax.nn.relu(sku_x @ sku_W.T + sku_b)
    # UrlEmbedding branch (url emb first, then event emb, per module)
    url_x = jnp.concatenate([jnp.take(url_table, url_id, axis=0), event_emb], axis=-1)
    url_e = jax.nn.relu(url_x @ url_W.T + url_b)
    # QueryEmbedding branch
    q_x = jnp.concatenate([event_emb, word_avg], axis=-1)
    q_e = jax.nn.relu(q_x @ query_W.T + query_b)
    # masked scatter into zero-initialized [B,S,H] buffer (expressed as selects)
    sku_mask = (event_type == 1) | (event_type == 2) | (event_type == 3)
    agg = jnp.where(sku_mask[..., None], sku_e, jnp.zeros_like(sku_e))
    agg = jnp.where((event_type == 4)[..., None], url_e, agg)
    agg = jnp.where((event_type == 5)[..., None], q_e, agg)
    src_padding_mask = (event_type == 0).astype(jnp.float32)
    return (agg, src_padding_mask)

if __name__ == "__main__":
    import jax
    _d = setup_inputs()
    print(jax.jit(kernel)(*tuple(_d.values())))

</pallas_src>

<mosaic_0001>
#map = affine_map<(d0, d1) -> (0)>
#map1 = affine_map<(d0, d1) -> (0, 0)>
module attributes {stable_mosaic.version = 14 : i64} {
  func.func @k(%arg0: i32, %arg1: i32, %arg2: memref<1843200xi32, #tpu.memory_space<hbm>>, %arg3: memref<100000x64xf32, #tpu.memory_space<hbm>>, %arg4: memref<1000000x64xf32, #tpu.memory_space<hbm>>, %arg5: memref<1000x16xf32, #tpu.memory_space<hbm>>, %arg6: memref<100x16xf32, #tpu.memory_space<hbm>>, %arg7: memref<100000x64xf32, #tpu.memory_space<hbm>>, %arg8: memref<204800x128xf32, #tpu.memory_space<hbm>>, %arg9: memref<204800x128xf32, #tpu.memory_space<hbm>>, %arg10: memref<204800xf32, #tpu.memory_space<hbm>>, %arg11: memref<2x576xi32, #tpu.memory_space<vmem>>, %arg12: memref<2x64x64xf32, #tpu.memory_space<vmem>>, %arg13: memref<2x64x64xf32, #tpu.memory_space<vmem>>, %arg14: memref<2x4x64x64xf32, #tpu.memory_space<vmem>>, %arg15: memref<2x64x16xf32, #tpu.memory_space<vmem>>, %arg16: memref<2x64x16xf32, #tpu.memory_space<vmem>>, %arg17: memref<2x64x128xf32, #tpu.memory_space<vmem>>, %arg18: memref<2x64x128xf32, #tpu.memory_space<vmem>>, %arg19: memref<2x64xf32, #tpu.memory_space<vmem>>, %arg20: memref<2x!tpu.dma_semaphore, #tpu.memory_space<semaphore_mem>>, %arg21: memref<2x!tpu.dma_semaphore, #tpu.memory_space<semaphore_mem>>, %arg22: memref<2x!tpu.dma_semaphore, #tpu.memory_space<semaphore_mem>>) attributes {dimension_semantics = [#tpu.dimension_semantics<core_parallel>, #tpu.dimension_semantics<subcore_parallel>], iteration_bounds = array<i64: 2, 16>, scalar_prefetch = 0 : i64, scratch_operands = 12 : i64, tpu.core_type = #tpu.core_type<sc_vector_subcore>, window_params = [{transform_indices = #map}, {transform_indices = #map1}, {transform_indices = #map1}, {transform_indices = #map1}, {transform_indices = #map1}, {transform_indices = #map1}, {transform_indices = #map1}, {transform_indices = #map1}, {transform_indices = #map}]} {
    %mul3A = arith.constant 2 : i32
    %mul3A_0 = arith.muli %arg1, %mul3A : i32
    %add3A = arith.addi %mul3A_0, %arg0 : i32
    %iota3A = tpu.iota {dimensions = array<i32: 0>} : vector<16xi32>
    %broadcast_in_dim3A = arith.constant 0.000000e+00 : f32
    %broadcast_in_dim3A_1 = vector.broadcast %broadcast_in_dim3A : f32 to vector<16xf32>
    %broadcast_in_dim3A_2 = arith.constant 1.000000e+00 : f32
    %broadcast_in_dim3A_3 = vector.broadcast %broadcast_in_dim3A_2 : f32 to vector<16xf32>
    %mul3A_4 = arith.constant 100 : i32
    %mul3A_5 = arith.muli %add3A, %mul3A_4 : i32
    %add3A_6 = arith.constant 0 : i32
    %add3A_7 = arith.addi %mul3A_5, %add3A_6 : i32
    %mul3A_8 = arith.constant 576 : i32
    %mul3A_9 = arith.muli %add3A_7, %mul3A_8 : i32
    %run_scoped3A = arith.constant 0 : i32
    "tpu.region"() ({
      %run_scoped3A_238 = tpu.sem_alloc : memref<!tpu.dma_semaphore, #tpu.memory_space<semaphore_mem>>
      %dma_start3A_239 = arith.constant 0 : i32
      %dma_start3A_240 = tpu.memref_slice %arg11[%run_scoped3A, %dma_start3A_239] : memref<2x576xi32, #tpu.memory_space<vmem>> -> memref<1x576xi32, #tpu.memory_space<vmem>>
      %dma_start3A_241 = tpu.memref_squeeze %dma_start3A_240 : memref<1x576xi32, #tpu.memory_space<vmem>> -> memref<576xi32, #tpu.memory_space<vmem>>
      %dma_start3A_242 = tpu.memref_slice %arg2[%mul3A_9] : memref<1843200xi32, #tpu.memory_space<hbm>> -> memref<576xi32, #tpu.memory_space<hbm>>
      %dma_start3A_243 = arith.constant 0 : i32
      %dma_start3A_244 = tpu.memref_slice %arg11[%run_scoped3A, %dma_start3A_243] : memref<2x576xi32, #tpu.memory_space<vmem>> -> memref<1x576xi32, #tpu.memory_space<vmem>>
      %dma_start3A_245 = tpu.memref_squeeze %dma_start3A_244 : memref<1x576xi32, #tpu.memory_space<vmem>> -> memref<576xi32, #tpu.memory_space<vmem>>
      %dma_start3A_246 = tpu.memref_slice %arg2[%mul3A_9] : memref<1843200xi32, #tpu.memory_space<hbm>> -> memref<576xi32, #tpu.memory_space<hbm>>
      tpu.enqueue_dma source(%dma_start3A_246 : memref<576xi32, #tpu.memory_space<hbm>>) target(%dma_start3A_245 : memref<576xi32, #tpu.memory_space<vmem>>) target_semaphore(%run_scoped3A_238 : memref<!tpu.dma_semaphore, #tpu.memory_space<semaphore_mem>>)
      %dma_wait3A_247 = arith.constant 0 : i32
      %dma_wait3A_248 = tpu.memref_slice %arg11[%run_scoped3A, %dma_wait3A_247] : memref<2x576xi32, #tpu.memory_space<vmem>> -> memref<1x576xi32, #tpu.memory_space<vmem>>
      %dma_wait3A_249 = tpu.memref_squeeze %dma_wait3A_248 : memref<1x576xi32, #tpu.memory_space<vmem>> -> memref<576xi32, #tpu.memory_space<vmem>>
      %dma_wait3A_250 = tpu.memref_slice %arg2[%mul3A_9] : memref<1843200xi32, #tpu.memory_space<hbm>> -> memref<576xi32, #tpu.memory_space<hbm>>
      %dma_wait3A_251 = arith.constant 0 : i32
      %dma_wait3A_252 = tpu.memref_slice %arg11[%run_scoped3A, %dma_wait3A_251] : memref<2x576xi32, #tpu.memory_space<vmem>> -> memref<1x576xi32, #tpu.memory_space<vmem>>
      %dma_wait3A_253 = tpu.memref_squeeze %dma_wait3A_252 : memref<1x576xi32, #tpu.memory_space<vmem>> -> memref<576xi32, #tpu.memory_space<vmem>>
      %dma_wait3A_254 = tpu.memref_slice %arg2[%mul3A_9] : memref<1843200xi32, #tpu.memory_space<hbm>> -> memref<576xi32, #tpu.memory_space<hbm>>
      tpu.wait_dma2 semaphore(%run_scoped3A_238 : memref<!tpu.dma_semaphore, #tpu.memory_space<semaphore_mem>>) src(%dma_wait3A_254 : memref<576xi32, #tpu.memory_space<hbm>>) dst(%dma_wait3A_253 : memref<576xi32, #tpu.memory_space<vmem>>)
      tpu.yield
    }) : () -> ()
    %dma_start3A = arith.constant 0 : i32
    %dma_start3A_10 = arith.constant 0 : i32
    %dma_start3A_11 = arith.constant 0 : i32
    %dma_start3A_12 = arith.constant 0 : i32
    %dma_start3A_13 = arith.constant 0 : i32
    %dma_start3A_14 = tpu.memref_slice %arg12[%dma_start3A_10, %dma_start3A_12, %dma_start3A_13] : memref<2x64x64xf32, #tpu.memory_space<vmem>> -> memref<1x64x64xf32, #tpu.memory_space<vmem>>
    %dma_start3A_15 = tpu.memref_squeeze %dma_start3A_14 : memref<1x64x64xf32, #tpu.memory_space<vmem>> -> memref<64x64xf32, #tpu.memory_space<vmem>>
    %dma_start3A_16 = arith.constant 0 : i32
    %dma_start3A_17 = tpu.memref_slice %arg11[%dma_start3A, %dma_start3A_16] : memref<2x576xi32, #tpu.memory_space<vmem>> -> memref<1x64xi32, #tpu.memory_space<vmem>>
    %dma_start3A_18 = tpu.memref_squeeze %dma_start3A_17 : memref<1x64xi32, #tpu.memory_space<vmem>> -> memref<64xi32, #tpu.memory_space<vmem>>
    %dma_start3A_19 = arith.constant 0 : i32
    %dma_start3A_20 = arith.constant 0 : i32
    %dma_start3A_21 = tpu.memref_slice %arg4[%dma_start3A_19, %dma_start3A_20] : memref<1000000x64xf32, #tpu.memory_space<hbm>> -> memref<1000000x64xf32, #tpu.memory_space<hbm>>
    %dma_start3A_22 = tpu.memref_slice %arg21[%dma_start3A_11] : memref<2x!tpu.dma_semaphore, #tpu.memory_space<semaphore_mem>> -> memref<1x!tpu.dma_semaphore, #tpu.memory_space<semaphore_mem>>
    %dma_start3A_23 = tpu.memref_squeeze %dma_start3A_22 : memref<1x!tpu.dma_semaphore, #tpu.memory_space<semaphore_mem>> -> memref<!tpu.dma_semaphore, #tpu.memory_space<semaphore_mem>>
    tpu.enqueue_indirect_dma source(%dma_start3A_21 : memref<1000000x64xf32, #tpu.memory_space<hbm>>) target(%dma_start3A_15 : memref<64x64xf32, #tpu.memory_space<vmem>>) offsets(%dma_start3A_18 : memref<64xi32, #tpu.memory_space<vmem>>) semaphore(%dma_start3A_23 : memref<!tpu.dma_semaphore, #tpu.memory_space<semaphore_mem>>)
    %dma_start3A_24 = arith.constant 0 : i32
    %dma_start3A_25 = arith.constant 0 : i32
    %dma_start3A_26 = arith.constant 0 : i32
    %dma_start3A_27 = arith.constant 0 : i32
    %dma_start3A_28 = arith.constant 0 : i32
    %dma_start3A_29 = tpu.memref_slice %arg13[%dma_start3A_25, %dma_start3A_27, %dma_start3A_28] : memref<2x64x64xf32, #tpu.memory_space<vmem>> -> memref<1x64x64xf32, #tpu.memory_space<vmem>>
    %dma_start3A_30 = tpu.memref_squeeze %dma_start3A_29 : memref<1x64x64xf32, #tpu.memory_space<vmem>> -> memref<64x64xf32, #tpu.memory_space<vmem>>
    %dma_start3A_31 = arith.constant 64 : i32
    %dma_start3A_32 = tpu.memref_slice %arg11[%dma_start3A_24, %dma_start3A_31] : memref<2x576xi32, #tpu.memory_space<vmem>> -> memref<1x64xi32, #tpu.memory_space<vmem>>
    %dma_start3A_33 = tpu.memref_squeeze %dma_start3A_32 : memref<1x64xi32, #tpu.memory_space<vmem>> -> memref<64xi32, #tpu.memory_space<vmem>>
    %dma_start3A_34 = arith.constant 0 : i32
    %dma_start3A_35 = arith.constant 0 : i32
    %dma_start3A_36 = tpu.memref_slice %arg7[%dma_start3A_34, %dma_start3A_35] : memref<100000x64xf32, #tpu.memory_space<hbm>> -> memref<100000x64xf32, #tpu.memory_space<hbm>>
    %dma_start3A_37 = tpu.memref_slice %arg21[%dma_start3A_26] : memref<2x!tpu.dma_semaphore, #tpu.memory_space<semaphore_mem>> -> memref<1x!tpu.dma_semaphore, #tpu.memory_space<semaphore_mem>>
    %dma_start3A_38 = tpu.memref_squeeze %dma_start3A_37 : memref<1x!tpu.dma_semaphore, #tpu.memory_space<semaphore_mem>> -> memref<!tpu.dma_semaphore, #tpu.memory_space<semaphore_mem>>
    tpu.enqueue_indirect_dma source(%dma_start3A_36 : memref<100000x64xf32, #tpu.memory_space<hbm>>) target(%dma_start3A_30 : memref<64x64xf32, #tpu.memory_space<vmem>>) offsets(%dma_start3A_33 : memref<64xi32, #tpu.memory_space<vmem>>) semaphore(%dma_start3A_38 : memref<!tpu.dma_semaphore, #tpu.memory_space<semaphore_mem>>)
    %dma_start3A_39 = arith.constant 0 : i32
    %dma_start3A_40 = arith.constant 0 : i32
    %dma_start3A_41 = arith.constant 0 : i32
    %dma_start3A_42 = arith.constant 0 : i32
    %dma_start3A_43 = arith.constant 0 : i32
    %dma_start3A_44 = tpu.memref_slice %arg15[%dma_start3A_40, %dma_start3A_42, %dma_start3A_43] : memref<2x64x16xf32, #tpu.memory_space<vmem>> -> memref<1x64x16xf32, #tpu.memory_space<vmem>>
    %dma_start3A_45 = tpu.memref_squeeze %dma_start3A_44 : memref<1x64x16xf32, #tpu.memory_space<vmem>> -> memref<64x16xf32, #tpu.memory_space<vmem>>
    %dma_start3A_46 = arith.constant 128 : i32
    %dma_start3A_47 = tpu.memref_slice %arg11[%dma_start3A_39, %dma_start3A_46] : memref<2x576xi32, #tpu.memory_space<vmem>> -> memref<1x64xi32, #tpu.memory_space<vmem>>
    %dma_start3A_48 = tpu.memref_squeeze %dma_start3A_47 : memref<1x64xi32, #tpu.memory_space<vmem>> -> memref<64xi32, #tpu.memory_space<vmem>>
    %dma_start3A_49 = arith.constant 0 : i32
    %dma_start3A_50 = arith.constant 0 : i32
    %dma_start3A_51 = tpu.memref_slice %arg5[%dma_start3A_49, %dma_start3A_50] : memref<1000x16xf32, #tpu.memory_space<hbm>> -> memref<1000x16xf32, #tpu.memory_space<hbm>>
    %dma_start3A_52 = tpu.memref_slice %arg21[%dma_start3A_41] : memref<2x!tpu.dma_semaphore, #tpu.memory_space<semaphore_mem>> -> memref<1x!tpu.dma_semaphore, #tpu.memory_space<semaphore_mem>>
    %dma_start3A_53 = tpu.memref_squeeze %dma_start3A_52 : memref<1x!tpu.dma_semaphore, #tpu.memory_space<semaphore_mem>> -> memref<!tpu.dma_semaphore, #tpu.memory_space<semaphore_mem>>
    tpu.enqueue_indirect_dma source(%dma_start3A_51 : memref<1000x16xf32, #tpu.memory_space<hbm>>) target(%dma_start3A_45 : memref<64x16xf32, #tpu.memory_space<vmem>>) offsets(%dma_start3A_48 : memref<64xi32, #tpu.memory_space<vmem>>) semaphore(%dma_start3A_53 : memref<!tpu.dma_semaphore, #tpu.memory_space<semaphore_mem>>)
    %dma_start3A_54 = arith.constant 0 : i32
    %dma_start3A_55 = arith.constant 0 : i32
    %dma_start3A_56 = arith.constant 0 : i32
    %dma_start3A_57 = arith.constant 0 : i32
    %dma_start3A_58 = arith.constant 0 : i32
    %dma_start3A_59 = tpu.memref_slice %arg16[%dma_start3A_55, %dma_start3A_57, %dma_start3A_58] : memref<2x64x16xf32, #tpu.memory_space<vmem>> -> memref<1x64x16xf32, #tpu.memory_space<vmem>>
    %dma_start3A_60 = tpu.memref_squeeze %dma_start3A_59 : memref<1x64x16xf32, #tpu.memory_space<vmem>> -> memref<64x16xf32, #tpu.memory_space<vmem>>
    %dma_start3A_61 = arith.constant 192 : i32
    %dma_start3A_62 = tpu.memref_slice %arg11[%dma_start3A_54, %dma_start3A_61] : memref<2x576xi32, #tpu.memory_space<vmem>> -> memref<1x64xi32, #tpu.memory_space<vmem>>
    %dma_start3A_63 = tpu.memref_squeeze %dma_start3A_62 : memref<1x64xi32, #tpu.memory_space<vmem>> -> memref<64xi32, #tpu.memory_space<vmem>>
    %dma_start3A_64 = arith.constant 0 : i32
    %dma_start3A_65 = arith.constant 0 : i32
    %dma_start3A_66 = tpu.memref_slice %arg6[%dma_start3A_64, %dma_start3A_65] : memref<100x16xf32, #tpu.memory_space<hbm>> -> memref<100x16xf32, #tpu.memory_space<hbm>>
    %dma_start3A_67 = tpu.memref_slice %arg21[%dma_start3A_56] : memref<2x!tpu.dma_semaphore, #tpu.memory_space<semaphore_mem>> -> memref<1x!tpu.dma_semaphore, #tpu.memory_space<semaphore_mem>>
    %dma_start3A_68 = tpu.memref_squeeze %dma_start3A_67 : memref<1x!tpu.dma_semaphore, #tpu.memory_space<semaphore_mem>> -> memref<!tpu.dma_semaphore, #tpu.memory_space<semaphore_mem>>
    tpu.enqueue_indirect_dma source(%dma_start3A_66 : memref<100x16xf32, #tpu.memory_space<hbm>>) target(%dma_start3A_60 : memref<64x16xf32, #tpu.memory_space<vmem>>) offsets(%dma_start3A_63 : memref<64xi32, #tpu.memory_space<vmem>>) semaphore(%dma_start3A_68 : memref<!tpu.dma_semaphore, #tpu.memory_space<semaphore_mem>>)
    %dma_start3A_69 = arith.constant 0 : i32
    %dma_start3A_70 = arith.constant 0 : i32
    %dma_start3A_71 = arith.constant 0 : i32
    %dma_start3A_72 = arith.constant 0 : i32
    %dma_start3A_73 = arith.constant 0 : i32
    %dma_start3A_74 = arith.constant 0 : i32
    %dma_start3A_75 = tpu.memref_slice %arg14[%dma_start3A_70, %dma_start3A_71, %dma_start3A_73, %dma_start3A_74] : memref<2x4x64x64xf32, #tpu.memory_space<vmem>> -> memref<1x1x64x64xf32, #tpu.memory_space<vmem>>
    %dma_start3A_76 = tpu.memref_squeeze %dma_start3A_75 : memref<1x1x64x64xf32, #tpu.memory_space<vmem>> -> memref<64x64xf32, #tpu.memory_space<vmem>>
    %dma_start3A_77 = arith.constant 256 : i32
    %dma_start3A_78 = tpu.memref_slice %arg11[%dma_start3A_69, %dma_start3A_77] : memref<2x576xi32, #tpu.memory_space<vmem>> -> memref<1x64xi32, #tpu.memory_space<vmem>>
    %dma_start3A_79 = tpu.memref_squeeze %dma_start3A_78 : memref<1x64xi32, #tpu.memory_space<vmem>> -> memref<64xi32, #tpu.memory_space<vmem>>
    %dma_start3A_80 = arith.constant 0 : i32
    %dma_start3A_81 = arith.constant 0 : i32
    %dma_start3A_82 = tpu.memref_slice %arg3[%dma_start3A_80, %dma_start3A_81] : memref<100000x64xf32, #tpu.memory_space<hbm>> -> memref<100000x64xf32, #tpu.memory_space<hbm>>
    %dma_start3A_83 = tpu.memref_slice %arg21[%dma_start3A_72] : memref<2x!tpu.dma_semaphore, #tpu.memory_space<semaphore_mem>> -> memref<1x!tpu.dma_semaphore, #tpu.memory_space<semaphore_mem>>
    %dma_start3A_84 = tpu.memref_squeeze %dma_start3A_83 : memref<1x!tpu.dma_semaphore, #tpu.memory_space<semaphore_mem>> -> memref<!tpu.dma_semaphore, #tpu.memory_space<semaphore_mem>>
    tpu.enqueue_indirect_dma source(%dma_start3A_82 : memref<100000x64xf32, #tpu.memory_space<hbm>>) target(%dma_start3A_76 : memref<64x64xf32, #tpu.memory_space<vmem>>) offsets(%dma_start3A_79 : memref<64xi32, #tpu.memory_space<vmem>>) semaphore(%dma_start3A_84 : memref<!tpu.dma_semaphore, #tpu.memory_space<semaphore_mem>>)
    %dma_start3A_85 = arith.constant 0 : i32
    %dma_start3A_86 = arith.constant 0 : i32
    %dma_start3A_87 = arith.constant 1 : i32
    %dma_start3A_88 = arith.constant 0 : i32
    %dma_start3A_89 = arith.constant 0 : i32
    %dma_start3A_90 = arith.constant 0 : i32
    %dma_start3A_91 = tpu.memref_slice %arg14[%dma_start3A_86, %dma_start3A_87, %dma_start3A_89, %dma_start3A_90] : memref<2x4x64x64xf32, #tpu.memory_space<vmem>> -> memref<1x1x64x64xf32, #tpu.memory_space<vmem>>
    %dma_start3A_92 = tpu.memref_squeeze %dma_start3A_91 : memref<1x1x64x64xf32, #tpu.memory_space<vmem>> -> memref<64x64xf32, #tpu.memory_space<vmem>>
    %dma_start3A_93 = arith.constant 320 : i32
    %dma_start3A_94 = tpu.memref_slice %arg11[%dma_start3A_85, %dma_start3A_93] : memref<2x576xi32, #tpu.memory_space<vmem>> -> memref<1x64xi32, #tpu.memory_space<vmem>>
    %dma_start3A_95 = tpu.memref_squeeze %dma_start3A_94 : memref<1x64xi32, #tpu.memory_space<vmem>> -> memref<64xi32, #tpu.memory_space<vmem>>
    %dma_start3A_96 = arith.constant 0 : i32
    %dma_start3A_97 = arith.constant 0 : i32
    %dma_start3A_98 = tpu.memref_slice %arg3[%dma_start3A_96, %dma_start3A_97] : memref<100000x64xf32, #tpu.memory_space<hbm>> -> memref<100000x64xf32, #tpu.memory_space<hbm>>
    %dma_start3A_99 = tpu.memref_slice %arg21[%dma_start3A_88] : memref<2x!tpu.dma_semaphore, #tpu.memory_space<semaphore_mem>> -> memref<1x!tpu.dma_semaphore, #tpu.memory_space<semaphore_mem>>
    %dma_start3A_100 = tpu.memref_squeeze %dma_start3A_99 : memref<1x!tpu.dma_semaphore, #tpu.memory_space<semaphore_mem>> -> memref<!tpu.dma_semaphore, #tpu.memory_space<semaphore_mem>>
    tpu.enqueue_indirect_dma source(%dma_start3A_98 : memref<100000x64xf32, #tpu.memory_space<hbm>>) target(%dma_start3A_92 : memref<64x64xf32, #tpu.memory_space<vmem>>) offsets(%dma_start3A_95 : memref<64xi32, #tpu.memory_space<vmem>>) semaphore(%dma_start3A_100 : memref<!tpu.dma_semaphore, #tpu.memory_space<semaphore_mem>>)
    %dma_start3A_101 = arith.constant 0 : i32
    %dma_start3A_102 = arith.constant 0 : i32
    %dma_start3A_103 = arith.constant 2 : i32
    %dma_start3A_104 = arith.constant 0 : i32
    %dma_start3A_105 = arith.constant 0 : i32
    %dma_start3A_106 = arith.constant 0 : i32
    %dma_start3A_107 = tpu.memref_slice %arg14[%dma_start3A_102, %dma_start3A_103, %dma_start3A_105, %dma_start3A_106] : memref<2x4x64x64xf32, #tpu.memory_space<vmem>> -> memref<1x1x64x64xf32, #tpu.memory_space<vmem>>
    %dma_start3A_108 = tpu.memref_squeeze %dma_start3A_107 : memref<1x1x64x64xf32, #tpu.memory_space<vmem>> -> memref<64x64xf32, #tpu.memory_space<vmem>>
    %dma_start3A_109 = arith.constant 384 : i32
    %dma_start3A_110 = tpu.memref_slice %arg11[%dma_start3A_101, %dma_start3A_109] : memref<2x576xi32, #tpu.memory_space<vmem>> -> memref<1x64xi32, #tpu.memory_space<vmem>>
    %dma_start3A_111 = tpu.memref_squeeze %dma_start3A_110 : memref<1x64xi32, #tpu.memory_space<vmem>> -> memref<64xi32, #tpu.memory_space<vmem>>
    %dma_start3A_112 = arith.constant 0 : i32
    %dma_start3A_113 = arith.constant 0 : i32
    %dma_start3A_114 = tpu.memref_slice %arg3[%dma_start3A_112, %dma_start3A_113] : memref<100000x64xf32, #tpu.memory_space<hbm>> -> memref<100000x64xf32, #tpu.memory_space<hbm>>
    %dma_start3A_115 = tpu.memref_slice %arg21[%dma_start3A_104] : memref<2x!tpu.dma_semaphore, #tpu.memory_space<semaphore_mem>> -> memref<1x!tpu.dma_semaphore, #tpu.memory_space<semaphore_mem>>
    %dma_start3A_116 = tpu.memref_squeeze %dma_start3A_115 : memref<1x!tpu.dma_semaphore, #tpu.memory_space<semaphore_mem>> -> memref<!tpu.dma_semaphore, #tpu.memory_space<semaphore_mem>>
    tpu.enqueue_indirect_dma source(%dma_start3A_114 : memref<100000x64xf32, #tpu.memory_space<hbm>>) target(%dma_start3A_108 : memref<64x64xf32, #tpu.memory_space<vmem>>) offsets(%dma_start3A_111 : memref<64xi32, #tpu.memory_space<vmem>>) semaphore(%dma_start3A_116 : memref<!tpu.dma_semaphore, #tpu.memory_space<semaphore_mem>>)
    %dma_start3A_117 = arith.constant 0 : i32
    %dma_start3A_118 = arith.constant 0 : i32
    %dma_start3A_119 = arith.constant 3 : i32
    %dma_start3A_120 = arith.constant 0 : i32
    %dma_start3A_121 = arith.constant 0 : i32
    %dma_start3A_122 = arith.constant 0 : i32
    %dma_start3A_123 = tpu.memref_slice %arg14[%dma_start3A_118, %dma_start3A_119, %dma_start3A_121, %dma_start3A_122] : memref<2x4x64x64xf32, #tpu.memory_space<vmem>> -> memref<1x1x64x64xf32, #tpu.memory_space<vmem>>
    %dma_start3A_124 = tpu.memref_squeeze %dma_start3A_123 : memref<1x1x64x64xf32, #tpu.memory_space<vmem>> -> memref<64x64xf32, #tpu.memory_space<vmem>>
    %dma_start3A_125 = arith.constant 448 : i32
    %dma_start3A_126 = tpu.memref_slice %arg11[%dma_start3A_117, %dma_start3A_125] : memref<2x576xi32, #tpu.memory_space<vmem>> -> memref<1x64xi32, #tpu.memory_space<vmem>>
    %dma_start3A_127 = tpu.memref_squeeze %dma_start3A_126 : memref<1x64xi32, #tpu.memory_space<vmem>> -> memref<64xi32, #tpu.memory_space<vmem>>
    %dma_start3A_128 = arith.constant 0 : i32
    %dma_start3A_129 = arith.constant 0 : i32
    %dma_start3A_130 = tpu.memref_slice %arg3[%dma_start3A_128, %dma_start3A_129] : memref<100000x64xf32, #tpu.memory_space<hbm>> -> memref<100000x64xf32, #tpu.memory_space<hbm>>
    %dma_start3A_131 = tpu.memref_slice %arg21[%dma_start3A_120] : memref<2x!tpu.dma_semaphore, #tpu.memory_space<semaphore_mem>> -> memref<1x!tpu.dma_semaphore, #tpu.memory_space<semaphore_mem>>
    %dma_start3A_132 = tpu.memref_squeeze %dma_start3A_131 : memref<1x!tpu.dma_semaphore, #tpu.memory_space<semaphore_mem>> -> memref<!tpu.dma_semaphore, #tpu.memory_space<semaphore_mem>>
    tpu.enqueue_indirect_dma source(%dma_start3A_130 : memref<100000x64xf32, #tpu.memory_space<hbm>>) target(%dma_start3A_124 : memref<64x64xf32, #tpu.memory_space<vmem>>) offsets(%dma_start3A_127 : memref<64xi32, #tpu.memory_space<vmem>>) semaphore(%dma_start3A_132 : memref<!tpu.dma_semaphore, #tpu.memory_space<semaphore_mem>>)
    %scan3A = arith.constant 0 : i32
    %scan3A_133 = arith.constant 0 : i32
    %scan3A_134 = arith.constant 50 : i32
    %scan3A_135 = arith.addi %scan3A_133, %scan3A_134 : i32
    %scan3A_136 = arith.constant 1 : i32
    scf.for %scan3A_238 = %scan3A_133 to %scan3A_135 step %scan3A_136  : i32 {
      %mul3A_239 = arith.constant 2 : i32
      %mul3A_240 = arith.muli %mul3A_239, %scan3A_238 : i32
      %add3A_241 = arith.constant 0 : i32
      %add3A_242 = arith.addi %mul3A_240, %add3A_241 : i32
      %add3A_243 = arith.constant 1 : i32
      %add3A_244 = arith.addi %add3A_242, %add3A_243 : i32
      %lt3A = arith.constant 100 : i32
      %lt3A_245 = arith.cmpi slt, %add3A_244, %lt3A : i32
      %convert_element_type3A = arith.extui %lt3A_245 : i1 to i32
      %cond3A = arith.constant 0 : i32
      %cond3A_246 = arith.cmpi ne, %convert_element_type3A, %cond3A : i32
      scf.if %cond3A_246 {
        %add3A_859 = arith.constant 1 : i32
        %add3A_860 = arith.addi %add3A_242, %add3A_859 : i32
        %mul3A_861 = arith.constant 100 : i32
        %mul3A_862 = arith.muli %add3A, %mul3A_861 : i32
        %add3A_863 = arith.addi %mul3A_862, %add3A_860 : i32
        %mul3A_864 = arith.constant 576 : i32
        %mul3A_865 = arith.muli %add3A_863, %mul3A_864 : i32
        %dma_start3A_866 = arith.constant 1 : i32
        %dma_start3A_867 = arith.constant 1 : i32
        %dma_start3A_868 = arith.constant 0 : i32
        %dma_start3A_869 = tpu.memref_slice %arg11[%dma_start3A_866, %dma_start3A_868] : memref<2x576xi32, #tpu.memory_space<vmem>> -> memref<1x576xi32, #tpu.memory_space<vmem>>
        %dma_start3A_870 = tpu.memref_squeeze %dma_start3A_869 : memref<1x576xi32, #tpu.memory_space<vmem>> -> memref<576xi32, #tpu.memory_space<vmem>>
        %dma_start3A_871 = tpu.memref_slice %arg2[%mul3A_865] : memref<1843200xi32, #tpu.memory_space<hbm>> -> memref<576xi32, #tpu.memory_space<hbm>>
        %dma_start3A_872 = tpu.memref_slice %arg20[%dma_start3A_867] : memref<2x!tpu.dma_semaphore, #tpu.memory_space<semaphore_mem>> -> memref<1x!tpu.dma_semaphore, #tpu.memory_space<semaphore_mem>>
        %dma_start3A_873 = tpu.memref_squeeze %dma_start3A_872 : memref<1x!tpu.dma_semaphore, #tpu.memory_space<semaphore_mem>> -> memref<!tpu.dma_semaphore, #tpu.memory_space<semaphore_mem>>
        %dma_start3A_874 = arith.constant 0 : i32
        %dma_start3A_875 = tpu.memref_slice %arg11[%dma_start3A_866, %dma_start3A_874] : memref<2x576xi32, #tpu.memory_space<vmem>> -> memref<1x576xi32, #tpu.memory_space<vmem>>
        %dma_start3A_876 = tpu.memref_squeeze %dma_start3A_875 : memref<1x576xi32, #tpu.memory_space<vmem>> -> memref<576xi32, #tpu.memory_space<vmem>>
        %dma_start3A_877 = tpu.memref_slice %arg2[%mul3A_865] : memref<1843200xi32, #tpu.memory_space<hbm>> -> memref<576xi32, #tpu.memory_space<hbm>>
        tpu.enqueue_dma source(%dma_start3A_877 : memref<576xi32, #tpu.memory_space<hbm>>) target(%dma_start3A_876 : memref<576xi32, #tpu.memory_space<vmem>>) target_semaphore(%dma_start3A_873 : memref<!tpu.dma_semaphore, #tpu.memory_space<semaphore_mem>>)
      } else {
      }
      %dma_wait3A_247 = arith.constant 0 : i32
      %dma_wait3A_248 = arith.constant 0 : i32
      %dma_wait3A_249 = arith.constant 0 : i32
      %dma_wait3A_250 = arith.constant 0 : i32
      %dma_wait3A_251 = arith.constant 0 : i32
      %dma_wait3A_252 = tpu.memref_slice %arg12[%dma_wait3A_248, %dma_wait3A_250, %dma_wait3A_251] : memref<2x64x64xf32, #tpu.memory_space<vmem>> -> memref<1x64x64xf32, #tpu.memory_space<vmem>>
      %dma_wait3A_253 = tpu.memref_squeeze %dma_wait3A_252 : memref<1x64x64xf32, #tpu.memory_space<vmem>> -> memref<64x64xf32, #tpu.memory_space<vmem>>
      %dma_wait3A_254 = arith.constant 0 : i32
      %dma_wait3A_255 = tpu.memref_slice %arg11[%dma_wait3A_247, %dma_wait3A_254] : memref<2x576xi32, #tpu.memory_space<vmem>> -> memref<1x64xi32, #tpu.memory_space<vmem>>
      %dma_wait3A_256 = tpu.memref_squeeze %dma_wait3A_255 : memref<1x64xi32, #tpu.memory_space<vmem>> -> memref<64xi32, #tpu.memory_space<vmem>>
      %dma_wait3A_257 = arith.constant 0 : i32
      %dma_wait3A_258 = arith.constant 0 : i32
      %dma_wait3A_259 = tpu.memref_slice %arg4[%dma_wait3A_257, %dma_wait3A_258] : memref<1000000x64xf32, #tpu.memory_space<hbm>> -> memref<1000000x64xf32, #tpu.memory_space<hbm>>
      %dma_wait3A_260 = tpu.memref_slice %arg21[%dma_wait3A_249] : memref<2x!tpu.dma_semaphore, #tpu.memory_space<semaphore_mem>> -> memref<1x!tpu.dma_semaphore, #tpu.memory_space<semaphore_mem>>
      %dma_wait3A_261 = tpu.memref_squeeze %dma_wait3A_260 : memref<1x!tpu.dma_semaphore, #tpu.memory_space<semaphore_mem>> -> memref<!tpu.dma_semaphore, #tpu.memory_space<semaphore_mem>>
      tpu.wait_indirect_dma semaphore(%dma_wait3A_261 : memref<!tpu.dma_semaphore, #tpu.memory_space<semaphore_mem>>) src(%dma_wait3A_259 : memref<1000000x64xf32, #tpu.memory_space<hbm>>) dst(%dma_wait3A_253 : memref<64x64xf32, #tpu.memory_space<vmem>>)
      %dma_wait3A_262 = arith.constant 0 : i32
      %dma_wait3A_263 = arith.constant 0 : i32
      %dma_wait3A_264 = arith.constant 0 : i32
      %dma_wait3A_265 = arith.constant 0 : i32
      %dma_wait3A_266 = arith.constant 0 : i32
      %dma_wait3A_267 = tpu.memref_slice %arg13[%dma_wait3A_263, %dma_wait3A_265, %dma_wait3A_266] : memref<2x64x64xf32, #tpu.memory_space<vmem>> -> memref<1x64x64xf32, #tpu.memory_space<vmem>>
      %dma_wait3A_268 = tpu.memref_squeeze %dma_wait3A_267 : memref<1x64x64xf32, #tpu.memory_space<vmem>> -> memref<64x64xf32, #tpu.memory_space<vmem>>
      %dma_wait3A_269 = arith.constant 64 : i32
      %dma_wait3A_270 = tpu.memref_slice %arg11[%dma_wait3A_262, %dma_wait3A_269] : memref<2x576xi32, #tpu.memory_space<vmem>> -> memref<1x64xi32, #tpu.memory_space<vmem>>
      %dma_wait3A_271 = tpu.memref_squeeze %dma_wait3A_270 : memref<1x64xi32, #tpu.memory_space<vmem>> -> memref<64xi32, #tpu.memory_space<vmem>>
      %dma_wait3A_272 = arith.constant 0 : i32
      %dma_wait3A_273 = arith.constant 0 : i32
      %dma_wait3A_274 = tpu.memref_slice %arg7[%dma_wait3A_272, %dma_wait3A_273] : memref<100000x64xf32, #tpu.memory_space<hbm>> -> memref<100000x64xf32, #tpu.memory_space<hbm>>
      %dma_wait3A_275 = tpu.memref_slice %arg21[%dma_wait3A_264] : memref<2x!tpu.dma_semaphore, #tpu.memory_space<semaphore_mem>> -> memref<1x!tpu.dma_semaphore, #tpu.memory_space<semaphore_mem>>
      %dma_wait3A_276 = tpu.memref_squeeze %dma_wait3A_275 : memref<1x!tpu.dma_semaphore, #tpu.memory_space<semaphore_mem>> -> memref<!tpu.dma_semaphore, #tpu.memory_space<semaphore_mem>>
      tpu.wait_indirect_dma semaphore(%dma_wait3A_276 : memref<!tpu.dma_semaphore, #tpu.memory_space<semaphore_mem>>) src(%dma_wait3A_274 : memref<100000x64xf32, #tpu.memory_space<hbm>>) dst(%dma_wait3A_268 : memref<64x64xf32, #tpu.memory_space<vmem>>)
      %dma_wait3A_277 = arith.constant 0 : i32
      %dma_wait3A_278 = arith.constant 0 : i32
      %dma_wait3A_279 = arith.constant 0 : i32
      %dma_wait3A_280 = arith.constant 0 : i32
      %dma_wait3A_281 = arith.constant 0 : i32
      %dma_wait3A_282 = tpu.memref_slice %arg15[%dma_wait3A_278, %dma_wait3A_280, %dma_wait3A_281] : memref<2x64x16xf32, #tpu.memory_space<vmem>> -> memref<1x64x16xf32, #tpu.memory_space<vmem>>
      %dma_wait3A_283 = tpu.memref_squeeze %dma_wait3A_282 : memref<1x64x16xf32, #tpu.memory_space<vmem>> -> memref<64x16xf32, #tpu.memory_space<vmem>>
      %dma_wait3A_284 = arith.constant 128 : i32
      %dma_wait3A_285 = tpu.memref_slice %arg11[%dma_wait3A_277, %dma_wait3A_284] : memref<2x576xi32, #tpu.memory_space<vmem>> -> memref<1x64xi32, #tpu.memory_space<vmem>>
      %dma_wait3A_286 = tpu.memref_squeeze %dma_wait3A_285 : memref<1x64xi32, #tpu.memory_space<vmem>> -> memref<64xi32, #tpu.memory_space<vmem>>
      %dma_wait3A_287 = arith.constant 0 : i32
      %dma_wait3A_288 = arith.constant 0 : i32
      %dma_wait3A_289 = tpu.memref_slice %arg5[%dma_wait3A_287, %dma_wait3A_288] : memref<1000x16xf32, #tpu.memory_space<hbm>> -> memref<1000x16xf32, #tpu.memory_space<hbm>>
      %dma_wait3A_290 = tpu.memref_slice %arg21[%dma_wait3A_279] : memref<2x!tpu.dma_semaphore, #tpu.memory_space<semaphore_mem>> -> memref<1x!tpu.dma_semaphore, #tpu.memory_space<semaphore_mem>>
      %dma_wait3A_291 = tpu.memref_squeeze %dma_wait3A_290 : memref<1x!tpu.dma_semaphore, #tpu.memory_space<semaphore_mem>> -> memref<!tpu.dma_semaphore, #tpu.memory_space<semaphore_mem>>
      tpu.wait_indirect_dma semaphore(%dma_wait3A_291 : memref<!tpu.dma_semaphore, #tpu.memory_space<semaphore_mem>>) src(%dma_wait3A_289 : memref<1000x16xf32, #tpu.memory_space<hbm>>) dst(%dma_wait3A_283 : memref<64x16xf32, #tpu.memory_space<vmem>>)
      %dma_wait3A_292 = arith.constant 0 : i32
      %dma_wait3A_293 = arith.constant 0 : i32
      %dma_wait3A_294 = arith.constant 0 : i32
      %dma_wait3A_295 = arith.constant 0 : i32
      %dma_wait3A_296 = arith.constant 0 : i32
      %dma_wait3A_297 = tpu.memref_slice %arg16[%dma_wait3A_293, %dma_wait3A_295, %dma_wait3A_296] : memref<2x64x16xf32, #tpu.memory_space<vmem>> -> memref<1x64x16xf32, #tpu.memory_space<vmem>>
      %dma_wait3A_298 = tpu.memref_squeeze %dma_wait3A_297 : memref<1x64x16xf32, #tpu.memory_space<vmem>> -> memref<64x16xf32, #tpu.memory_space<vmem>>
      %dma_wait3A_299 = arith.constant 192 : i32
      %dma_wait3A_300 = tpu.memref_slice %arg11[%dma_wait3A_292, %dma_wait3A_299] : memref<2x576xi32, #tpu.memory_space<vmem>> -> memref<1x64xi32, #tpu.memory_space<vmem>>
      %dma_wait3A_301 = tpu.memref_squeeze %dma_wait3A_300 : memref<1x64xi32, #tpu.memory_space<vmem>> -> memref<64xi32, #tpu.memory_space<vmem>>
      %dma_wait3A_302 = arith.constant 0 : i32
      %dma_wait3A_303 = arith.constant 0 : i32
      %dma_wait3A_304 = tpu.memref_slice %arg6[%dma_wait3A_302, %dma_wait3A_303] : memref<100x16xf32, #tpu.memory_space<hbm>> -> memref<100x16xf32, #tpu.memory_space<hbm>>
      %dma_wait3A_305 = tpu.memref_slice %arg21[%dma_wait3A_294] : memref<2x!tpu.dma_semaphore, #tpu.memory_space<semaphore_mem>> -> memref<1x!tpu.dma_semaphore, #tpu.memory_space<semaphore_mem>>
      %dma_wait3A_306 = tpu.memref_squeeze %dma_wait3A_305 : memref<1x!tpu.dma_semaphore, #tpu.memory_space<semaphore_mem>> -> memref<!tpu.dma_semaphore, #tpu.memory_space<semaphore_mem>>
      tpu.wait_indirect_dma semaphore(%dma_wait3A_306 : memref<!tpu.dma_semaphore, #tpu.memory_space<semaphore_mem>>) src(%dma_wait3A_304 : memref<100x16xf32, #tpu.memory_space<hbm>>) dst(%dma_wait3A_298 : memref<64x16xf32, #tpu.memory_space<vmem>>)
      %dma_wait3A_307 = arith.constant 0 : i32
      %dma_wait3A_308 = arith.constant 0 : i32
      %dma_wait3A_309 = arith.constant 0 : i32
      %dma_wait3A_310 = arith.constant 0 : i32
      %dma_wait3A_311 = arith.constant 0 : i32
      %dma_wait3A_312 = arith.constant 0 : i32
      %dma_wait3A_313 = tpu.memref_slice %arg14[%dma_wait3A_308, %dma_wait3A_309, %dma_wait3A_311, %dma_wait3A_312] : memref<2x4x64x64xf32, #tpu.memory_space<vmem>> -> memref<1x1x64x64xf32, #tpu.memory_space<vmem>>
      %dma_wait3A_314 = tpu.memref_squeeze %dma_wait3A_313 : memref<1x1x64x64xf32, #tpu.memory_space<vmem>> -> memref<64x64xf32, #tpu.memory_space<vmem>>
      %dma_wait3A_315 = arith.constant 256 : i32
      %dma_wait3A_316 = tpu.memref_slice %arg11[%dma_wait3A_307, %dma_wait3A_315] : memref<2x576xi32, #tpu.memory_space<vmem>> -> memref<1x64xi32, #tpu.memory_space<vmem>>
      %dma_wait3A_317 = tpu.memref_squeeze %dma_wait3A_316 : memref<1x64xi32, #tpu.memory_space<vmem>> -> memref<64xi32, #tpu.memory_space<vmem>>
      %dma_wait3A_318 = arith.constant 0 : i32
      %dma_wait3A_319 = arith.constant 0 : i32
      %dma_wait3A_320 = tpu.memref_slice %arg3[%dma_wait3A_318, %dma_wait3A_319] : memref<100000x64xf32, #tpu.memory_space<hbm>> -> memref<100000x64xf32, #tpu.memory_space<hbm>>
      %dma_wait3A_321 = tpu.memref_slice %arg21[%dma_wait3A_310] : memref<2x!tpu.dma_semaphore, #tpu.memory_space<semaphore_mem>> -> memref<1x!tpu.dma_semaphore, #tpu.memory_space<semaphore_mem>>
      %dma_wait3A_322 = tpu.memref_squeeze %dma_wait3A_321 : memref<1x!tpu.dma_semaphore, #tpu.memory_space<semaphore_mem>> -> memref<!tpu.dma_semaphore, #tpu.memory_space<semaphore_mem>>
      tpu.wait_indirect_dma semaphore(%dma_wait3A_322 : memref<!tpu.dma_semaphore, #tpu.memory_space<semaphore_mem>>) src(%dma_wait3A_320 : memref<100000x64xf32, #tpu.memory_space<hbm>>) dst(%dma_wait3A_314 : memref<64x64xf32, #tpu.memory_space<vmem>>)
      %dma_wait3A_323 = arith.constant 0 : i32
      %dma_wait3A_324 = arith.constant 0 : i32
      %dma_wait3A_325 = arith.constant 1 : i32
      %dma_wait3A_326 = arith.constant 0 : i32
      %dma_wait3A_327 = arith.constant 0 : i32
      %dma_wait3A_328 = arith.constant 0 : i32
      %dma_wait3A_329 = tpu.memref_slice %arg14[%dma_wait3A_324, %dma_wait3A_325, %dma_wait3A_327, %dma_wait3A_328] : memref<2x4x64x64xf32, #tpu.memory_space<vmem>> -> memref<1x1x64x64xf32, #tpu.memory_space<vmem>>
      %dma_wait3A_330 = tpu.memref_squeeze %dma_wait3A_329 : memref<1x1x64x64xf32, #tpu.memory_space<vmem>> -> memref<64x64xf32, #tpu.memory_space<vmem>>
      %dma_wait3A_331 = arith.constant 320 : i32
      %dma_wait3A_332 = tpu.memref_slice %arg11[%dma_wait3A_323, %dma_wait3A_331] : memref<2x576xi32, #tpu.memory_space<vmem>> -> memref<1x64xi32, #tpu.memory_space<vmem>>
      %dma_wait3A_333 = tpu.memref_squeeze %dma_wait3A_332 : memref<1x64xi32, #tpu.memory_space<vmem>> -> memref<64xi32, #tpu.memory_space<vmem>>
      %dma_wait3A_334 = arith.constant 0 : i32
      %dma_wait3A_335 = arith.constant 0 : i32
      %dma_wait3A_336 = tpu.memref_slice %arg3[%dma_wait3A_334, %dma_wait3A_335] : memref<100000x64xf32, #tpu.memory_space<hbm>> -> memref<100000x64xf32, #tpu.memory_space<hbm>>
      %dma_wait3A_337 = tpu.memref_slice %arg21[%dma_wait3A_326] : memref<2x!tpu.dma_semaphore, #tpu.memory_space<semaphore_mem>> -> memref<1x!tpu.dma_semaphore, #tpu.memory_space<semaphore_mem>>
      %dma_wait3A_338 = tpu.memref_squeeze %dma_wait3A_337 : memref<1x!tpu.dma_semaphore, #tpu.memory_space<semaphore_mem>> -> memref<!tpu.dma_semaphore, #tpu.memory_space<semaphore_mem>>
      tpu.wait_indirect_dma semaphore(%dma_wait3A_338 : memref<!tpu.dma_semaphore, #tpu.memory_space<semaphore_mem>>) src(%dma_wait3A_336 : memref<100000x64xf32, #tpu.memory_space<hbm>>) dst(%dma_wait3A_330 : memref<64x64xf32, #tpu.memory_space<vmem>>)
      %dma_wait3A_339 = arith.constant 0 : i32
      %dma_wait3A_340 = arith.constant 0 : i32
      %dma_wait3A_341 = arith.constant 2 : i32
      %dma_wait3A_342 = arith.constant 0 : i32
      %dma_wait3A_343 = arith.constant 0 : i32
      %dma_wait3A_344 = arith.constant 0 : i32
      %dma_wait3A_345 = tpu.memref_slice %arg14[%dma_wait3A_340, %dma_wait3A_341, %dma_wait3A_343, %dma_wait3A_344] : memref<2x4x64x64xf32, #tpu.memory_space<vmem>> -> memref<1x1x64x64xf32, #tpu.memory_space<vmem>>
      %dma_wait3A_346 = tpu.memref_squeeze %dma_wait3A_345 : memref<1x1x64x64xf32, #tpu.memory_space<vmem>> -> memref<64x64xf32, #tpu.memory_space<vmem>>
      %dma_wait3A_347 = arith.constant 384 : i32
      %dma_wait3A_348 = tpu.memref_slice %arg11[%dma_wait3A_339, %dma_wait3A_347] : memref<2x576xi32, #tpu.memory_space<vmem>> -> memref<1x64xi32, #tpu.memory_space<vmem>>
      %dma_wait3A_349 = tpu.memref_squeeze %dma_wait3A_348 : memref<1x64xi32, #tpu.memory_space<vmem>> -> memref<64xi32, #tpu.memory_space<vmem>>
      %dma_wait3A_350 = arith.constant 0 : i32
      %dma_wait3A_351 = arith.constant 0 : i32
      %dma_wait3A_352 = tpu.memref_slice %arg3[%dma_wait3A_350, %dma_wait3A_351] : memref<100000x64xf32, #tpu.memory_space<hbm>> -> memref<100000x64xf32, #tpu.memory_space<hbm>>
      %dma_wait3A_353 = tpu.memref_slice %arg21[%dma_wait3A_342] : memref<2x!tpu.dma_semaphore, #tpu.memory_space<semaphore_mem>> -> memref<1x!tpu.dma_semaphore, #tpu.memory_space<semaphore_mem>>
      %dma_wait3A_354 = tpu.memref_squeeze %dma_wait3A_353 : memref<1x!tpu.dma_semaphore, #tpu.memory_space<semaphore_mem>> -> memref<!tpu.dma_semaphore, #tpu.memory_space<semaphore_mem>>
      tpu.wait_indirect_dma semaphore(%dma_wait3A_354 : memref<!tpu.dma_semaphore, #tpu.memory_space<semaphore_mem>>) src(%dma_wait3A_352 : memref<100000x64xf32, #tpu.memory_space<hbm>>) dst(%dma_wait3A_346 : memref<64x64xf32, #tpu.memory_space<vmem>>)
      %dma_wait3A_355 = arith.constant 0 : i32
      %dma_wait3A_356 = arith.constant 0 : i32
      %dma_wait3A_357 = arith.constant 3 : i32
      %dma_wait3A_358 = arith.constant 0 : i32
      %dma_wait3A_359 = arith.constant 0 : i32
      %dma_wait3A_360 = arith.constant 0 : i32
      %dma_wait3A_361 = tpu.memref_slice %arg14[%dma_wait3A_356, %dma_wait3A_357, %dma_wait3A_359, %dma_wait3A_360] : memref<2x4x64x64xf32, #tpu.memory_space<vmem>> -> memref<1x1x64x64xf32, #tpu.memory_space<vmem>>
      %dma_wait3A_362 = tpu.memref_squeeze %dma_wait3A_361 : memref<1x1x64x64xf32, #tpu.memory_space<vmem>> -> memref<64x64xf32, #tpu.memory_space<vmem>>
      %dma_wait3A_363 = arith.constant 448 : i32
      %dma_wait3A_364 = tpu.memref_slice %arg11[%dma_wait3A_355, %dma_wait3A_363] : memref<2x576xi32, #tpu.memory_space<vmem>> -> memref<1x64xi32, #tpu.memory_space<vmem>>
      %dma_wait3A_365 = tpu.memref_squeeze %dma_wait3A_364 : memref<1x64xi32, #tpu.memory_space<vmem>> -> memref<64xi32, #tpu.memory_space<vmem>>
      %dma_wait3A_366 = arith.constant 0 : i32
      %dma_wait3A_367 = arith.constant 0 : i32
      %dma_wait3A_368 = tpu.memref_slice %arg3[%dma_wait3A_366, %dma_wait3A_367] : memref<100000x64xf32, #tpu.memory_space<hbm>> -> memref<100000x64xf32, #tpu.memory_space<hbm>>
      %dma_wait3A_369 = tpu.memref_slice %arg21[%dma_wait3A_358] : memref<2x!tpu.dma_semaphore, #tpu.memory_space<semaphore_mem>> -> memref<1x!tpu.dma_semaphore, #tpu.memory_space<semaphore_mem>>
      %dma_wait3A_370 = tpu.memref_squeeze %dma_wait3A_369 : memref<1x!tpu.dma_semaphore, #tpu.memory_space<semaphore_mem>> -> memref<!tpu.dma_semaphore, #tpu.memory_space<semaphore_mem>>
      tpu.wait_indirect_dma semaphore(%dma_wait3A_370 : memref<!tpu.dma_semaphore, #tpu.memory_space<semaphore_mem>>) src(%dma_wait3A_368 : memref<100000x64xf32, #tpu.memory_space<hbm>>) dst(%dma_wait3A_362 : memref<64x64xf32, #tpu.memory_space<vmem>>)
      %get3A = arith.constant 0 : i32
      %get3A_371 = arith.index_cast %get3A : i32 to index
      %get3A_372 = arith.constant 512 : index
      %get3A_373 = tpu.vector_load %arg11[%get3A_371, %get3A_372] {strides = array<i32>} : memref<2x576xi32, #tpu.memory_space<vmem>>, vector<16xi32>,
      %eq3A = arith.constant 0 : i32
      %eq3A_374 = vector.broadcast %eq3A : i32 to vector<16xi32>
      %eq3A_375 = arith.cmpi eq, %get3A_373, %eq3A_374 : vector<16xi32>
      %jit3A = arith.constant 1.000000e+00 : f32
      %jit3A_376 = arith.constant 0.000000e+00 : f32
      %broadcast_in_dim3A_377 = vector.broadcast %jit3A : f32 to vector<16xf32>
      %broadcast_in_dim3A_378 = vector.broadcast %jit3A_376 : f32 to vector<16xf32>
      %select_n3A = arith.select %eq3A_375, %broadcast_in_dim3A_377, %broadcast_in_dim3A_378 : vector<16xi1>, vector<16xf32>
      %swap3A = arith.constant 0 : i32
      %swap3A_379 = arith.index_cast %swap3A : i32 to index
      %swap3A_380 = arith.constant 0 : index
      %swap3A_381 = tpu.vector_load %arg19[%swap3A_379, %swap3A_380] {strides = array<i32>} : memref<2x64xf32, #tpu.memory_space<vmem>>, vector<16xf32>,
      tpu.vector_store %arg19[%swap3A_379, %swap3A_380], %select_n3A {strides = array<i32>} : memref<2x64xf32, #tpu.memory_space<vmem>>, vector<16xf32>,
      %get3A_382 = arith.constant 0 : i32
      %get3A_383 = arith.index_cast %get3A_382 : i32 to index
      %get3A_384 = arith.constant 528 : index
      %get3A_385 = tpu.vector_load %arg11[%get3A_383, %get3A_384] {strides = array<i32>} : memref<2x576xi32, #tpu.memory_space<vmem>>, vector<16xi32>,
      %eq3A_386 = arith.constant 0 : i32
      %eq3A_387 = vector.broadcast %eq3A_386 : i32 to vector<16xi32>
      %eq3A_388 = arith.cmpi eq, %get3A_385, %eq3A_387 : vector<16xi32>
      %jit3A_389 = arith.constant 1.000000e+00 : f32
      %jit3A_390 = arith.constant 0.000000e+00 : f32
      %broadcast_in_dim3A_391 = vector.broadcast %jit3A_389 : f32 to vector<16xf32>
      %broadcast_in_dim3A_392 = vector.broadcast %jit3A_390 : f32 to vector<16xf32>
      %select_n3A_393 = arith.select %eq3A_388, %broadcast_in_dim3A_391, %broadcast_in_dim3A_392 : vector<16xi1>, vector<16xf32>
      %swap3A_394 = arith.constant 0 : i32
      %swap3A_395 = arith.index_cast %swap3A_394 : i32 to index
      %swap3A_396 = arith.constant 16 : index
      %swap3A_397 = tpu.vector_load %arg19[%swap3A_395, %swap3A_396] {strides = array<i32>} : memref<2x64xf32, #tpu.memory_space<vmem>>, vector<16xf32>,
      tpu.vector_store %arg19[%swap3A_395, %swap3A_396], %select_n3A_393 {strides = array<i32>} : memref<2x64xf32, #tpu.memory_space<vmem>>, vector<16xf32>,
      %get3A_398 = arith.constant 0 : i32
      %get3A_399 = arith.index_cast %get3A_398 : i32 to index
      %get3A_400 = arith.constant 544 : index
      %get3A_401 = tpu.vector_load %arg11[%get3A_399, %get3A_400] {strides = array<i32>} : memref<2x576xi32, #tpu.memory_space<vmem>>, vector<16xi32>,
      %eq3A_402 = arith.constant 0 : i32
      %eq3A_403 = vector.broadcast %eq3A_402 : i32 to vector<16xi32>
      %eq3A_404 = arith.cmpi eq, %get3A_401, %eq3A_403 : vector<16xi32>
      %jit3A_405 = arith.constant 1.000000e+00 : f32
      %jit3A_406 = arith.constant 0.000000e+00 : f32
      %broadcast_in_dim3A_407 = vector.broadcast %jit3A_405 : f32 to vector<16xf32>
      %broadcast_in_dim3A_408 = vector.broadcast %jit3A_406 : f32 to vector<16xf32>
      %select_n3A_409 = arith.select %eq3A_404, %broadcast_in_dim3A_407, %broadcast_in_dim3A_408 : vector<16xi1>, vector<16xf32>
      %swap3A_410 = arith.constant 0 : i32
      %swap3A_411 = arith.index_cast %swap3A_410 : i32 to index
      %swap3A_412 = arith.constant 32 : index
      %swap3A_413 = tpu.vector_load %arg19[%swap3A_411, %swap3A_412] {strides = array<i32>} : memref<2x64xf32, #tpu.memory_space<vmem>>, vector<16xf32>,
      tpu.vector_store %arg19[%swap3A_411, %swap3A_412], %select_n3A_409 {strides = array<i32>} : memref<2x64xf32, #tpu.memory_space<vmem>>, vector<16xf32>,
      %get3A_414 = arith.constant 0 : i32
      %get3A_415 = arith.index_cast %get3A_414 : i32 to index
      %get3A_416 = arith.constant 560 : index
      %get3A_417 = tpu.vector_load %arg11[%get3A_415, %get3A_416] {strides = array<i32>} : memref<2x576xi32, #tpu.memory_space<vmem>>, vector<16xi32>,
      %eq3A_418 = arith.constant 0 : i32
      %eq3A_419 = vector.broadcast %eq3A_418 : i32 to vector<16xi32>
      %eq3A_420 = arith.cmpi eq, %get3A_417, %eq3A_419 : vector<16xi32>
      %jit3A_421 = arith.constant 1.000000e+00 : f32
      %jit3A_422 = arith.constant 0.000000e+00 : f32
      %broadcast_in_dim3A_423 = vector.broadcast %jit3A_421 : f32 to vector<16xf32>
      %broadcast_in_dim3A_424 = vector.broadcast %jit3A_422 : f32 to vector<16xf32>
      %select_n3A_425 = arith.select %eq3A_420, %broadcast_in_dim3A_423, %broadcast_in_dim3A_424 : vector<16xi1>, vector<16xf32>
      %swap3A_426 = arith.constant 0 : i32
      %swap3A_427 = arith.index_cast %swap3A_426 : i32 to index
      %swap3A_428 = arith.constant 48 : index
      %swap3A_429 = tpu.vector_load %arg19[%swap3A_427, %swap3A_428] {strides = array<i32>} : memref<2x64xf32, #tpu.memory_space<vmem>>, vector<16xf32>,
      tpu.vector_store %arg19[%swap3A_427, %swap3A_428], %select_n3A_425 {strides = array<i32>} : memref<2x64xf32, #tpu.memory_space<vmem>>, vector<16xf32>,
      %parallel_loop3A = arith.constant 0 : i32
      %parallel_loop3A_430 = arith.constant 64 : i32
      %parallel_loop3A_431 = arith.constant 1 : i32
      scf.for %parallel_loop3A_859 = %parallel_loop3A to %parallel_loop3A_430 step %parallel_loop3A_431  : i32 {
        %parallel_loop3A_860 = arith.constant 0 : i32
        %parallel_loop3A_861 = arith.index_cast %parallel_loop3A_860 : i32 to index
        %parallel_loop3A_862 = arith.index_cast %parallel_loop3A_859 : i32 to index
        %parallel_loop3A_863 = arith.constant 0 : index
        %parallel_loop3A_864 = tpu.vector_load %arg12[%parallel_loop3A_861, %parallel_loop3A_862, %parallel_loop3A_863] {strides = array<i32>} : memref<2x64x64xf32, #tpu.memory_space<vmem>>, vector<16xf32>,
        %parallel_loop3A_865 = arith.constant 0 : i32
        %parallel_loop3A_866 = arith.index_cast %parallel_loop3A_865 : i32 to index
        %parallel_loop3A_867 = arith.index_cast %parallel_loop3A_859 : i32 to index
        %parallel_loop3A_868 = arith.constant 0 : index
        %parallel_loop3A_869 = tpu.vector_load %arg17[%parallel_loop3A_866, %parallel_loop3A_867, %parallel_loop3A_868] {strides = array<i32>} : memref<2x64x128xf32, #tpu.memory_space<vmem>>, vector<16xf32>,
        tpu.vector_store %arg17[%parallel_loop3A_866, %parallel_loop3A_867, %parallel_loop3A_868], %parallel_loop3A_864 {strides = array<i32>} : memref<2x64x128xf32, #tpu.memory_space<vmem>>, vector<16xf32>,
        %parallel_loop3A_870 = arith.constant 0 : i32
        %parallel_loop3A_871 = arith.index_cast %parallel_loop3A_870 : i32 to index
        %parallel_loop3A_872 = arith.index_cast %parallel_loop3A_859 : i32 to index
        %parallel_loop3A_873 = arith.constant 0 : index
        %parallel_loop3A_874 = tpu.vector_load %arg13[%parallel_loop3A_871, %parallel_loop3A_872, %parallel_loop3A_873] {strides = array<i32>} : memref<2x64x64xf32, #tpu.memory_space<vmem>>, vector<16xf32>,
        %parallel_loop3A_875 = arith.constant 0 : i32
        %parallel_loop3A_876 = arith.index_cast %parallel_loop3A_875 : i32 to index
        %parallel_loop3A_877 = arith.index_cast %parallel_loop3A_859 : i32 to index
        %parallel_loop3A_878 = arith.constant 64 : index
        %parallel_loop3A_879 = tpu.vector_load %arg17[%parallel_loop3A_876, %parallel_loop3A_877, %parallel_loop3A_878] {strides = array<i32>} : memref<2x64x128xf32, #tpu.memory_space<vmem>>, vector<16xf32>,
        tpu.vector_store %arg17[%parallel_loop3A_876, %parallel_loop3A_877, %parallel_loop3A_878], %parallel_loop3A_874 {strides = array<i32>} : memref<2x64x128xf32, #tpu.memory_space<vmem>>, vector<16xf32>,
        %parallel_loop3A_880 = arith.constant 0 : i32
        %parallel_loop3A_881 = arith.constant 0 : i32
        %parallel_loop3A_882 = arith.index_cast %parallel_loop3A_880 : i32 to index
        %parallel_loop3A_883 = arith.index_cast %parallel_loop3A_881 : i32 to index
        %parallel_loop3A_884 = arith.index_cast %parallel_loop3A_859 : i32 to index
        %parallel_loop3A_885 = arith.constant 0 : index
        %parallel_loop3A_886 = tpu.vector_load %arg14[%parallel_loop3A_882, %parallel_loop3A_883, %parallel_loop3A_884, %parallel_loop3A_885] {strides = array<i32>} : memref<2x4x64x64xf32, #tpu.memory_space<vmem>>, vector<16xf32>,
        %parallel_loop3A_887 = arith.constant 0 : i32
        %parallel_loop3A_888 = arith.constant 1 : i32
        %parallel_loop3A_889 = arith.index_cast %parallel_loop3A_887 : i32 to index
        %parallel_loop3A_890 = arith.index_cast %parallel_loop3A_888 : i32 to index
        %parallel_loop3A_891 = arith.index_cast %parallel_loop3A_859 : i32 to index
        %parallel_loop3A_892 = arith.constant 0 : index
        %parallel_loop3A_893 = tpu.vector_load %arg14[%parallel_loop3A_889, %parallel_loop3A_890, %parallel_loop3A_891, %parallel_loop3A_892] {strides = array<i32>} : memref<2x4x64x64xf32, #tpu.memory_space<vmem>>, vector<16xf32>,
        %parallel_loop3A_894 = arith.addf %parallel_loop3A_886, %parallel_loop3A_893 : vector<16xf32>
        %parallel_loop3A_895 = arith.constant 0 : i32
        %parallel_loop3A_896 = arith.constant 2 : i32
        %parallel_loop3A_897 = arith.index_cast %parallel_loop3A_895 : i32 to index
        %parallel_loop3A_898 = arith.index_cast %parallel_loop3A_896 : i32 to index
        %parallel_loop3A_899 = arith.index_cast %parallel_loop3A_859 : i32 to index
        %parallel_loop3A_900 = arith.constant 0 : index
        %parallel_loop3A_901 = tpu.vector_load %arg14[%parallel_loop3A_897, %parallel_loop3A_898, %parallel_loop3A_899, %parallel_loop3A_900] {strides = array<i32>} : memref<2x4x64x64xf32, #tpu.memory_space<vmem>>, vector<16xf32>,
        %parallel_loop3A_902 = arith.addf %parallel_loop3A_894, %parallel_loop3A_901 : vector<16xf32>
        %parallel_loop3A_903 = arith.constant 0 : i32
        %parallel_loop3A_904 = arith.constant 3 : i32
        %parallel_loop3A_905 = arith.index_cast %parallel_loop3A_903 : i32 to index
        %parallel_loop3A_906 = arith.index_cast %parallel_loop3A_904 : i32 to index
        %parallel_loop3A_907 = arith.index_cast %parallel_loop3A_859 : i32 to index
        %parallel_loop3A_908 = arith.constant 0 : index
        %parallel_loop3A_909 = tpu.vector_load %arg14[%parallel_loop3A_905, %parallel_loop3A_906, %parallel_loop3A_907, %parallel_loop3A_908] {strides = array<i32>} : memref<2x4x64x64xf32, #tpu.memory_space<vmem>>, vector<16xf32>,
        %parallel_loop3A_910 = arith.addf %parallel_loop3A_902, %parallel_loop3A_909 : vector<16xf32>
        %parallel_loop3A_911 = arith.constant 0 : i32
        %parallel_loop3A_912 = arith.index_cast %parallel_loop3A_911 : i32 to index
        %parallel_loop3A_913 = arith.index_cast %parallel_loop3A_859 : i32 to index
        %parallel_loop3A_914 = arith.constant 0 : index
        %parallel_loop3A_915 = tpu.vector_load %arg18[%parallel_loop3A_912, %parallel_loop3A_913, %parallel_loop3A_914] {strides = array<i32>} : memref<2x64x128xf32, #tpu.memory_space<vmem>>, vector<16xf32>,
        tpu.vector_store %arg18[%parallel_loop3A_912, %parallel_loop3A_913, %parallel_loop3A_914], %parallel_loop3A_910 {strides = array<i32>} : memref<2x64x128xf32, #tpu.memory_space<vmem>>, vector<16xf32>,
        %parallel_loop3A_916 = arith.constant 0 : i32
        %parallel_loop3A_917 = arith.index_cast %parallel_loop3A_916 : i32 to index
        %parallel_loop3A_918 = arith.index_cast %parallel_loop3A_859 : i32 to index
        %parallel_loop3A_919 = arith.constant 16 : index
        %parallel_loop3A_920 = tpu.vector_load %arg12[%parallel_loop3A_917, %parallel_loop3A_918, %parallel_loop3A_919] {strides = array<i32>} : memref<2x64x64xf32, #tpu.memory_space<vmem>>, vector<16xf32>,
        %parallel_loop3A_921 = arith.constant 0 : i32
        %parallel_loop3A_922 = arith.index_cast %parallel_loop3A_921 : i32 to index
        %parallel_loop3A_923 = arith.index_cast %parallel_loop3A_859 : i32 to index
        %parallel_loop3A_924 = arith.constant 16 : index
        %parallel_loop3A_925 = tpu.vector_load %arg17[%parallel_loop3A_922, %parallel_loop3A_923, %parallel_loop3A_924] {strides = array<i32>} : memref<2x64x128xf32, #tpu.memory_space<vmem>>, vector<16xf32>,
        tpu.vector_store %arg17[%parallel_loop3A_922, %parallel_loop3A_923, %parallel_loop3A_924], %parallel_loop3A_920 {strides = array<i32>} : memref<2x64x128xf32, #tpu.memory_space<vmem>>, vector<16xf32>,
        %parallel_loop3A_926 = arith.constant 0 : i32
        %parallel_loop3A_927 = arith.index_cast %parallel_loop3A_926 : i32 to index
        %parallel_loop3A_928 = arith.index_cast %parallel_loop3A_859 : i32 to index
        %parallel_loop3A_929 = arith.constant 16 : index
        %parallel_loop3A_930 = tpu.vector_load %arg13[%parallel_loop3A_927, %parallel_loop3A_928, %parallel_loop3A_929] {strides = array<i32>} : memref<2x64x64xf32, #tpu.memory_space<vmem>>, vector<16xf32>,
        %parallel_loop3A_931 = arith.constant 0 : i32
        %parallel_loop3A_932 = arith.index_cast %parallel_loop3A_931 : i32 to index
        %parallel_loop3A_933 = arith.index_cast %parallel_loop3A_859 : i32 to index
        %parallel_loop3A_934 = arith.constant 80 : index
        %parallel_loop3A_935 = tpu.vector_load %arg17[%parallel_loop3A_932, %parallel_loop3A_933, %parallel_loop3A_934] {strides = array<i32>} : memref<2x64x128xf32, #tpu.memory_space<vmem>>, vector<16xf32>,
        tpu.vector_store %arg17[%parallel_loop3A_932, %parallel_loop3A_933, %parallel_loop3A_934], %parallel_loop3A_930 {strides = array<i32>} : memref<2x64x128xf32, #tpu.memory_space<vmem>>, vector<16xf32>,
        %parallel_loop3A_936 = arith.constant 0 : i32
        %parallel_loop3A_937 = arith.constant 0 : i32
        %parallel_loop3A_938 = arith.index_cast %parallel_loop3A_936 : i32 to index
        %parallel_loop3A_939 = arith.index_cast %parallel_loop3A_937 : i32 to index
        %parallel_loop3A_940 = arith.index_cast %parallel_loop3A_859 : i32 to index
        %parallel_loop3A_941 = arith.constant 16 : index
        %parallel_loop3A_942 = tpu.vector_load %arg14[%parallel_loop3A_938, %parallel_loop3A_939, %parallel_loop3A_940, %parallel_loop3A_941] {strides = array<i32>} : memref<2x4x64x64xf32, #tpu.memory_space<vmem>>, vector<16xf32>,
        %parallel_loop3A_943 = arith.constant 0 : i32
        %parallel_loop3A_944 = arith.constant 1 : i32
        %parallel_loop3A_945 = arith.index_cast %parallel_loop3A_943 : i32 to index
        %parallel_loop3A_946 = arith.index_cast %parallel_loop3A_944 : i32 to index
        %parallel_loop3A_947 = arith.index_cast %parallel_loop3A_859 : i32 to index
        %parallel_loop3A_948 = arith.constant 16 : index
        %parallel_loop3A_949 = tpu.vector_load %arg14[%parallel_loop3A_945, %parallel_loop3A_946, %parallel_loop3A_947, %parallel_loop3A_948] {strides = array<i32>} : memref<2x4x64x64xf32, #tpu.memory_space<vmem>>, vector<16xf32>,
        %parallel_loop3A_950 = arith.addf %parallel_loop3A_942, %parallel_loop3A_949 : vector<16xf32>
        %parallel_loop3A_951 = arith.constant 0 : i32
        %parallel_loop3A_952 = arith.constant 2 : i32
        %parallel_loop3A_953 = arith.index_cast %parallel_loop3A_951 : i32 to index
        %parallel_loop3A_954 = arith.index_cast %parallel_loop3A_952 : i32 to index
        %parallel_loop3A_955 = arith.index_cast %parallel_loop3A_859 : i32 to index
        %parallel_loop3A_956 = arith.constant 16 : index
        %parallel_loop3A_957 = tpu.vector_load %arg14[%parallel_loop3A_953, %parallel_loop3A_954, %parallel_loop3A_955, %parallel_loop3A_956] {strides = array<i32>} : memref<2x4x64x64xf32, #tpu.memory_space<vmem>>, vector<16xf32>,
        %parallel_loop3A_958 = arith.addf %parallel_loop3A_950, %parallel_loop3A_957 : vector<16xf32>
        %parallel_loop3A_959 = arith.constant 0 : i32
        %parallel_loop3A_960 = arith.constant 3 : i32
        %parallel_loop3A_961 = arith.index_cast %parallel_loop3A_959 : i32 to index
        %parallel_loop3A_962 = arith.index_cast %parallel_loop3A_960 : i32 to index
        %parallel_loop3A_963 = arith.index_cast %parallel_loop3A_859 : i32 to index
        %parallel_loop3A_964 = arith.constant 16 : index
        %parallel_loop3A_965 = tpu.vector_load %arg14[%parallel_loop3A_961, %parallel_loop3A_962, %parallel_loop3A_963, %parallel_loop3A_964] {strides = array<i32>} : memref<2x4x64x64xf32, #tpu.memory_space<vmem>>, vector<16xf32>,
        %parallel_loop3A_966 = arith.addf %parallel_loop3A_958, %parallel_loop3A_965 : vector<16xf32>
        %parallel_loop3A_967 = arith.constant 0 : i32
        %parallel_loop3A_968 = arith.index_cast %parallel_loop3A_967 : i32 to index
        %parallel_loop3A_969 = arith.index_cast %parallel_loop3A_859 : i32 to index
        %parallel_loop3A_970 = arith.constant 16 : index
        %parallel_loop3A_971 = tpu.vector_load %arg18[%parallel_loop3A_968, %parallel_loop3A_969, %parallel_loop3A_970] {strides = array<i32>} : memref<2x64x128xf32, #tpu.memory_space<vmem>>, vector<16xf32>,
        tpu.vector_store %arg18[%parallel_loop3A_968, %parallel_loop3A_969, %parallel_loop3A_970], %parallel_loop3A_966 {strides = array<i32>} : memref<2x64x128xf32, #tpu.memory_space<vmem>>, vector<16xf32>,
        %parallel_loop3A_972 = arith.constant 0 : i32
        %parallel_loop3A_973 = arith.index_cast %parallel_loop3A_972 : i32 to index
        %parallel_loop3A_974 = arith.index_cast %parallel_loop3A_859 : i32 to index
        %parallel_loop3A_975 = arith.constant 32 : index
        %parallel_loop3A_976 = tpu.vector_load %arg12[%parallel_loop3A_973, %parallel_loop3A_974, %parallel_loop3A_975] {strides = array<i32>} : memref<2x64x64xf32, #tpu.memory_space<vmem>>, vector<16xf32>,
        %parallel_loop3A_977 = arith.constant 0 : i32
        %parallel_loop3A_978 = arith.index_cast %parallel_loop3A_977 : i32 to index
        %parallel_loop3A_979 = arith.index_cast %parallel_loop3A_859 : i32 to index
        %parallel_loop3A_980 = arith.constant 32 : index
        %parallel_loop3A_981 = tpu.vector_load %arg17[%parallel_loop3A_978, %parallel_loop3A_979, %parallel_loop3A_980] {strides = array<i32>} : memref<2x64x128xf32, #tpu.memory_space<vmem>>, vector<16xf32>,
        tpu.vector_store %arg17[%parallel_loop3A_978, %parallel_loop3A_979, %parallel_loop3A_980], %parallel_loop3A_976 {strides = array<i32>} : memref<2x64x128xf32, #tpu.memory_space<vmem>>, vector<16xf32>,
        %parallel_loop3A_982 = arith.constant 0 : i32
        %parallel_loop3A_983 = arith.index_cast %parallel_loop3A_982 : i32 to index
        %parallel_loop3A_984 = arith.index_cast %parallel_loop3A_859 : i32 to index
        %parallel_loop3A_985 = arith.constant 32 : index
        %parallel_loop3A_986 = tpu.vector_load %arg13[%parallel_loop3A_983, %parallel_loop3A_984, %parallel_loop3A_985] {strides = array<i32>} : memref<2x64x64xf32, #tpu.memory_space<vmem>>, vector<16xf32>,
        %parallel_loop3A_987 = arith.constant 0 : i32
        %parallel_loop3A_988 = arith.index_cast %parallel_loop3A_987 : i32 to index
        %parallel_loop3A_989 = arith.index_cast %parallel_loop3A_859 : i32 to index
        %parallel_loop3A_990 = arith.constant 96 : index
        %parallel_loop3A_991 = tpu.vector_load %arg17[%parallel_loop3A_988, %parallel_loop3A_989, %parallel_loop3A_990] {strides = array<i32>} : memref<2x64x128xf32, #tpu.memory_space<vmem>>, vector<16xf32>,
        tpu.vector_store %arg17[%parallel_loop3A_988, %parallel_loop3A_989, %parallel_loop3A_990], %parallel_loop3A_986 {strides = array<i32>} : memref<2x64x128xf32, #tpu.memory_space<vmem>>, vector<16xf32>,
        %parallel_loop3A_992 = arith.constant 0 : i32
        %parallel_loop3A_993 = arith.constant 0 : i32
        %parallel_loop3A_994 = arith.index_cast %parallel_loop3A_992 : i32 to index
        %parallel_loop3A_995 = arith.index_cast %parallel_loop3A_993 : i32 to index
        %parallel_loop3A_996 = arith.index_cast %parallel_loop3A_859 : i32 to index
        %parallel_loop3A_997 = arith.constant 32 : index
        %parallel_loop3A_998 = tpu.vector_load %arg14[%parallel_loop3A_994, %parallel_loop3A_995, %parallel_loop3A_996, %parallel_loop3A_997] {strides = array<i32>} : memref<2x4x64x64xf32, #tpu.memory_space<vmem>>, vector<16xf32>,
        %parallel_loop3A_999 = arith.constant 0 : i32
        %parallel_loop3A_1000 = arith.constant 1 : i32
        %parallel_loop3A_1001 = arith.index_cast %parallel_loop3A_999 : i32 to index
        %parallel_loop3A_1002 = arith.index_cast %parallel_loop3A_1000 : i32 to index
        %parallel_loop3A_1003 = arith.index_cast %parallel_loop3A_859 : i32 to index
        %parallel_loop3A_1004 = arith.constant 32 : index
        %parallel_loop3A_1005 = tpu.vector_load %arg14[%parallel_loop3A_1001, %parallel_loop3A_1002, %parallel_loop3A_1003, %parallel_loop3A_1004] {strides = array<i32>} : memref<2x4x64x64xf32, #tpu.memory_space<vmem>>, vector<16xf32>,
        %parallel_loop3A_1006 = arith.addf %parallel_loop3A_998, %parallel_loop3A_1005 : vector<16xf32>
        %parallel_loop3A_1007 = arith.constant 0 : i32
        %parallel_loop3A_1008 = arith.constant 2 : i32
        %parallel_loop3A_1009 = arith.index_cast %parallel_loop3A_1007 : i32 to index
        %parallel_loop3A_1010 = arith.index_cast %parallel_loop3A_1008 : i32 to index
        %parallel_loop3A_1011 = arith.index_cast %parallel_loop3A_859 : i32 to index
        %parallel_loop3A_1012 = arith.constant 32 : index
        %parallel_loop3A_1013 = tpu.vector_load %arg14[%parallel_loop3A_1009, %parallel_loop3A_1010, %parallel_loop3A_1011, %parallel_loop3A_1012] {strides = array<i32>} : memref<2x4x64x64xf32, #tpu.memory_space<vmem>>, vector<16xf32>,
        %parallel_loop3A_1014 = arith.addf %parallel_loop3A_1006, %parallel_loop3A_1013 : vector<16xf32>
        %parallel_loop3A_1015 = arith.constant 0 : i32
        %parallel_loop3A_1016 = arith.constant 3 : i32
        %parallel_loop3A_1017 = arith.index_cast %parallel_loop3A_1015 : i32 to index
        %parallel_loop3A_1018 = arith.index_cast %parallel_loop3A_1016 : i32 to index
        %parallel_loop3A_1019 = arith.index_cast %parallel_loop3A_859 : i32 to index
        %parallel_loop3A_1020 = arith.constant 32 : index
        %parallel_loop3A_1021 = tpu.vector_load %arg14[%parallel_loop3A_1017, %parallel_loop3A_1018, %parallel_loop3A_1019, %parallel_loop3A_1020] {strides = array<i32>} : memref<2x4x64x64xf32, #tpu.memory_space<vmem>>, vector<16xf32>,
        %parallel_loop3A_1022 = arith.addf %parallel_loop3A_1014, %parallel_loop3A_1021 : vector<16xf32>
        %parallel_loop3A_1023 = arith.constant 0 : i32
        %parallel_loop3A_1024 = arith.index_cast %parallel_loop3A_1023 : i32 to index
        %parallel_loop3A_1025 = arith.index_cast %parallel_loop3A_859 : i32 to index
        %parallel_loop3A_1026 = arith.constant 32 : index
        %parallel_loop3A_1027 = tpu.vector_load %arg18[%parallel_loop3A_1024, %parallel_loop3A_1025, %parallel_loop3A_1026] {strides = array<i32>} : memref<2x64x128xf32, #tpu.memory_space<vmem>>, vector<16xf32>,
        tpu.vector_store %arg18[%parallel_loop3A_1024, %parallel_loop3A_1025, %parallel_loop3A_1026], %parallel_loop3A_1022 {strides = array<i32>} : memref<2x64x128xf32, #tpu.memory_space<vmem>>, vector<16xf32>,
        %parallel_loop3A_1028 = arith.constant 0 : i32
        %parallel_loop3A_1029 = arith.index_cast %parallel_loop3A_1028 : i32 to index
        %parallel_loop3A_1030 = arith.index_cast %parallel_loop3A_859 : i32 to index
        %parallel_loop3A_1031 = arith.constant 48 : index
        %parallel_loop3A_1032 = tpu.vector_load %arg12[%parallel_loop3A_1029, %parallel_loop3A_1030, %parallel_loop3A_1031] {strides = array<i32>} : memref<2x64x64xf32, #tpu.memory_space<vmem>>, vector<16xf32>,
        %parallel_loop3A_1033 = arith.constant 0 : i32
        %parallel_loop3A_1034 = arith.index_cast %parallel_loop3A_1033 : i32 to index
        %parallel_loop3A_1035 = arith.index_cast %parallel_loop3A_859 : i32 to index
        %parallel_loop3A_1036 = arith.constant 48 : index
        %parallel_loop3A_1037 = tpu.vector_load %arg17[%parallel_loop3A_1034, %parallel_loop3A_1035, %parallel_loop3A_1036] {strides = array<i32>} : memref<2x64x128xf32, #tpu.memory_space<vmem>>, vector<16xf32>,
        tpu.vector_store %arg17[%parallel_loop3A_1034, %parallel_loop3A_1035, %parallel_loop3A_1036], %parallel_loop3A_1032 {strides = array<i32>} : memref<2x64x128xf32, #tpu.memory_space<vmem>>, vector<16xf32>,
        %parallel_loop3A_1038 = arith.constant 0 : i32
        %parallel_loop3A_1039 = arith.index_cast %parallel_loop3A_1038 : i32 to index
        %parallel_loop3A_1040 = arith.index_cast %parallel_loop3A_859 : i32 to index
        %parallel_loop3A_1041 = arith.constant 48 : index
        %parallel_loop3A_1042 = tpu.vector_load %arg13[%parallel_loop3A_1039, %parallel_loop3A_1040, %parallel_loop3A_1041] {strides = array<i32>} : memref<2x64x64xf32, #tpu.memory_space<vmem>>, vector<16xf32>,
        %parallel_loop3A_1043 = arith.constant 0 : i32
        %parallel_loop3A_1044 = arith.index_cast %parallel_loop3A_1043 : i32 to index
        %parallel_loop3A_1045 = arith.index_cast %parallel_loop3A_859 : i32 to index
        %parallel_loop3A_1046 = arith.constant 112 : index
        %parallel_loop3A_1047 = tpu.vector_load %arg17[%parallel_loop3A_1044, %parallel_loop3A_1045, %parallel_loop3A_1046] {strides = array<i32>} : memref<2x64x128xf32, #tpu.memory_space<vmem>>, vector<16xf32>,
        tpu.vector_store %arg17[%parallel_loop3A_1044, %parallel_loop3A_1045, %parallel_loop3A_1046], %parallel_loop3A_1042 {strides = array<i32>} : memref<2x64x128xf32, #tpu.memory_space<vmem>>, vector<16xf32>,
        %parallel_loop3A_1048 = arith.constant 0 : i32
        %parallel_loop3A_1049 = arith.constant 0 : i32
        %parallel_loop3A_1050 = arith.index_cast %parallel_loop3A_1048 : i32 to index
        %parallel_loop3A_1051 = arith.index_cast %parallel_loop3A_1049 : i32 to index
        %parallel_loop3A_1052 = arith.index_cast %parallel_loop3A_859 : i32 to index
        %parallel_loop3A_1053 = arith.constant 48 : index
        %parallel_loop3A_1054 = tpu.vector_load %arg14[%parallel_loop3A_1050, %parallel_loop3A_1051, %parallel_loop3A_1052, %parallel_loop3A_1053] {strides = array<i32>} : memref<2x4x64x64xf32, #tpu.memory_space<vmem>>, vector<16xf32>,
        %parallel_loop3A_1055 = arith.constant 0 : i32
        %parallel_loop3A_1056 = arith.constant 1 : i32
        %parallel_loop3A_1057 = arith.index_cast %parallel_loop3A_1055 : i32 to index
        %parallel_loop3A_1058 = arith.index_cast %parallel_loop3A_1056 : i32 to index
        %parallel_loop3A_1059 = arith.index_cast %parallel_loop3A_859 : i32 to index
        %parallel_loop3A_1060 = arith.constant 48 : index
        %parallel_loop3A_1061 = tpu.vector_load %arg14[%parallel_loop3A_1057, %parallel_loop3A_1058, %parallel_loop3A_1059, %parallel_loop3A_1060] {strides = array<i32>} : memref<2x4x64x64xf32, #tpu.memory_space<vmem>>, vector<16xf32>,
        %parallel_loop3A_1062 = arith.addf %parallel_loop3A_1054, %parallel_loop3A_1061 : vector<16xf32>
        %parallel_loop3A_1063 = arith.constant 0 : i32
        %parallel_loop3A_1064 = arith.constant 2 : i32
        %parallel_loop3A_1065 = arith.index_cast %parallel_loop3A_1063 : i32 to index
        %parallel_loop3A_1066 = arith.index_cast %parallel_loop3A_1064 : i32 to index
        %parallel_loop3A_1067 = arith.index_cast %parallel_loop3A_859 : i32 to index
        %parallel_loop3A_1068 = arith.constant 48 : index
        %parallel_loop3A_1069 = tpu.vector_load %arg14[%parallel_loop3A_1065, %parallel_loop3A_1066, %parallel_loop3A_1067, %parallel_loop3A_1068] {strides = array<i32>} : memref<2x4x64x64xf32, #tpu.memory_space<vmem>>, vector<16xf32>,
        %parallel_loop3A_1070 = arith.addf %parallel_loop3A_1062, %parallel_loop3A_1069 : vector<16xf32>
        %parallel_loop3A_1071 = arith.constant 0 : i32
        %parallel_loop3A_1072 = arith.constant 3 : i32
        %parallel_loop3A_1073 = arith.index_cast %parallel_loop3A_1071 : i32 to index
        %parallel_loop3A_1074 = arith.index_cast %parallel_loop3A_1072 : i32 to index
        %parallel_loop3A_1075 = arith.index_cast %parallel_loop3A_859 : i32 to index
        %parallel_loop3A_1076 = arith.constant 48 : index
        %parallel_loop3A_1077 = tpu.vector_load %arg14[%parallel_loop3A_1073, %parallel_loop3A_1074, %parallel_loop3A_1075, %parallel_loop3A_1076] {strides = array<i32>} : memref<2x4x64x64xf32, #tpu.memory_space<vmem>>, vector<16xf32>,
        %parallel_loop3A_1078 = arith.addf %parallel_loop3A_1070, %parallel_loop3A_1077 : vector<16xf32>
        %parallel_loop3A_1079 = arith.constant 0 : i32
        %parallel_loop3A_1080 = arith.index_cast %parallel_loop3A_1079 : i32 to index
        %parallel_loop3A_1081 = arith.index_cast %parallel_loop3A_859 : i32 to index
        %parallel_loop3A_1082 = arith.constant 48 : index
        %parallel_loop3A_1083 = tpu.vector_load %arg18[%parallel_loop3A_1080, %parallel_loop3A_1081, %parallel_loop3A_1082] {strides = array<i32>} : memref<2x64x128xf32, #tpu.memory_space<vmem>>, vector<16xf32>,
        tpu.vector_store %arg18[%parallel_loop3A_1080, %parallel_loop3A_1081, %parallel_loop3A_1082], %parallel_loop3A_1078 {strides = array<i32>} : memref<2x64x128xf32, #tpu.memory_space<vmem>>, vector<16xf32>,
        %parallel_loop3A_1084 = arith.constant 0 : i32
        %parallel_loop3A_1085 = arith.index_cast %parallel_loop3A_1084 : i32 to index
        %parallel_loop3A_1086 = arith.index_cast %parallel_loop3A_859 : i32 to index
        %parallel_loop3A_1087 = arith.constant 0 : index
        %parallel_loop3A_1088 = tpu.vector_load %arg15[%parallel_loop3A_1085, %parallel_loop3A_1086, %parallel_loop3A_1087] {strides = array<i32>} : memref<2x64x16xf32, #tpu.memory_space<vmem>>, vector<16xf32>,
        %parallel_loop3A_1089 = arith.constant 0 : i32
        %parallel_loop3A_1090 = arith.index_cast %parallel_loop3A_1089 : i32 to index
        %parallel_loop3A_1091 = arith.index_cast %parallel_loop3A_859 : i32 to index
        %parallel_loop3A_1092 = arith.constant 64 : index
        %parallel_loop3A_1093 = tpu.vector_load %arg18[%parallel_loop3A_1090, %parallel_loop3A_1091, %parallel_loop3A_1092] {strides = array<i32>} : memref<2x64x128xf32, #tpu.memory_space<vmem>>, vector<16xf32>,
        tpu.vector_store %arg18[%parallel_loop3A_1090, %parallel_loop3A_1091, %parallel_loop3A_1092], %parallel_loop3A_1088 {strides = array<i32>} : memref<2x64x128xf32, #tpu.memory_space<vmem>>, vector<16xf32>,
        %parallel_loop3A_1094 = arith.constant 0 : i32
        %parallel_loop3A_1095 = arith.index_cast %parallel_loop3A_1094 : i32 to index
        %parallel_loop3A_1096 = arith.index_cast %parallel_loop3A_859 : i32 to index
        %parallel_loop3A_1097 = arith.constant 0 : index
        %parallel_loop3A_1098 = tpu.vector_load %arg16[%parallel_loop3A_1095, %parallel_loop3A_1096, %parallel_loop3A_1097] {strides = array<i32>} : memref<2x64x16xf32, #tpu.memory_space<vmem>>, vector<16xf32>,
        %parallel_loop3A_1099 = arith.constant 0 : i32
        %parallel_loop3A_1100 = arith.index_cast %parallel_loop3A_1099 : i32 to index
        %parallel_loop3A_1101 = arith.index_cast %parallel_loop3A_859 : i32 to index
        %parallel_loop3A_1102 = arith.constant 80 : index
        %parallel_loop3A_1103 = tpu.vector_load %arg18[%parallel_loop3A_1100, %parallel_loop3A_1101, %parallel_loop3A_1102] {strides = array<i32>} : memref<2x64x128xf32, #tpu.memory_space<vmem>>, vector<16xf32>,
        tpu.vector_store %arg18[%parallel_loop3A_1100, %parallel_loop3A_1101, %parallel_loop3A_1102], %parallel_loop3A_1098 {strides = array<i32>} : memref<2x64x128xf32, #tpu.memory_space<vmem>>, vector<16xf32>,
        %parallel_loop3A_1104 = arith.constant 0 : i32
        %parallel_loop3A_1105 = arith.index_cast %parallel_loop3A_1104 : i32 to index
        %parallel_loop3A_1106 = arith.index_cast %parallel_loop3A_859 : i32 to index
        %parallel_loop3A_1107 = arith.constant 96 : index
        %parallel_loop3A_1108 = tpu.vector_load %arg18[%parallel_loop3A_1105, %parallel_loop3A_1106, %parallel_loop3A_1107] {strides = array<i32>} : memref<2x64x128xf32, #tpu.memory_space<vmem>>, vector<16xf32>,
        tpu.vector_store %arg18[%parallel_loop3A_1105, %parallel_loop3A_1106, %parallel_loop3A_1107], %broadcast_in_dim3A_1 {strides = array<i32>} : memref<2x64x128xf32, #tpu.memory_space<vmem>>, vector<16xf32>,
      } {sc.loop_unroll_factor = 2 : i64, sc.parallel_access}
      %get3A_432 = arith.constant 0 : i32
      %get3A_433 = arith.index_cast %get3A_432 : i32 to index
      %get3A_434 = arith.constant 512 : index
      %get3A_435 = tpu.vector_load %arg11[%get3A_433, %get3A_434] {strides = array<i32>} : memref<2x576xi32, #tpu.memory_space<vmem>>, vector<16xi32>,
      %add3A_436 = arith.constant 0 : i32
      %add3A_437 = vector.broadcast %add3A_436 : i32 to vector<16xi32>
      %add3A_438 = arith.addi %iota3A, %add3A_437 : vector<16xi32>
      %add3A_439 = arith.constant 96 : i32
      %add3A_440 = vector.broadcast %add3A_439 : i32 to vector<16xi32>
      %add3A_441 = arith.addi %get3A_435, %add3A_440 : vector<16xi32>
      %scatter3A = arith.constant 0 : i32
      %scatter3A_442 = arith.constant 0 : i32
      %scatter3A_443 = arith.constant 0 : i32
      %scatter3A_444 = tpu.memref_slice %arg18[%scatter3A, %scatter3A_442, %scatter3A_443] : memref<2x64x128xf32, #tpu.memory_space<vmem>> -> memref<1x64x128xf32, #tpu.memory_space<vmem>>
      %scatter3A_445 = tpu.memref_squeeze %scatter3A_444 : memref<1x64x128xf32, #tpu.memory_space<vmem>> -> memref<64x128xf32, #tpu.memory_space<vmem>>
      tpu.vector_store_idx %scatter3A_445[%add3A_438, %add3A_441], %broadcast_in_dim3A_3 : memref<64x128xf32, #tpu.memory_space<vmem>>[vector<16xi32>, vector<16xi32>], vector<16xf32>,
      %get3A_446 = arith.constant 0 : i32
      %get3A_447 = arith.index_cast %get3A_446 : i32 to index
      %get3A_448 = arith.constant 528 : index
      %get3A_449 = tpu.vector_load %arg11[%get3A_447, %get3A_448] {strides = array<i32>} : memref<2x576xi32, #tpu.memory_space<vmem>>, vector<16xi32>,
      %add3A_450 = arith.constant 16 : i32
      %add3A_451 = vector.broadcast %add3A_450 : i32 to vector<16xi32>
      %add3A_452 = arith.addi %iota3A, %add3A_451 : vector<16xi32>
      %add3A_453 = arith.constant 96 : i32
      %add3A_454 = vector.broadcast %add3A_453 : i32 to vector<16xi32>
      %add3A_455 = arith.addi %get3A_449, %add3A_454 : vector<16xi32>
      %scatter3A_456 = arith.constant 0 : i32
      %scatter3A_457 = arith.constant 0 : i32
      %scatter3A_458 = arith.constant 0 : i32
      %scatter3A_459 = tpu.memref_slice %arg18[%scatter3A_456, %scatter3A_457, %scatter3A_458] : memref<2x64x128xf32, #tpu.memory_space<vmem>> -> memref<1x64x128xf32, #tpu.memory_space<vmem>>
      %scatter3A_460 = tpu.memref_squeeze %scatter3A_459 : memref<1x64x128xf32, #tpu.memory_space<vmem>> -> memref<64x128xf32, #tpu.memory_space<vmem>>
      tpu.vector_store_idx %scatter3A_460[%add3A_452, %add3A_455], %broadcast_in_dim3A_3 : memref<64x128xf32, #tpu.memory_space<vmem>>[vector<16xi32>, vector<16xi32>], vector<16xf32>,
      %get3A_461 = arith.constant 0 : i32
      %get3A_462 = arith.index_cast %get3A_461 : i32 to index
      %get3A_463 = arith.constant 544 : index
      %get3A_464 = tpu.vector_load %arg11[%get3A_462, %get3A_463] {strides = array<i32>} : memref<2x576xi32, #tpu.memory_space<vmem>>, vector<16xi32>,
      %add3A_465 = arith.constant 32 : i32
      %add3A_466 = vector.broadcast %add3A_465 : i32 to vector<16xi32>
      %add3A_467 = arith.addi %iota3A, %add3A_466 : vector<16xi32>
      %add3A_468 = arith.constant 96 : i32
      %add3A_469 = vector.broadcast %add3A_468 : i32 to vector<16xi32>
      %add3A_470 = arith.addi %get3A_464, %add3A_469 : vector<16xi32>
      %scatter3A_471 = arith.constant 0 : i32
      %scatter3A_472 = arith.constant 0 : i32
      %scatter3A_473 = arith.constant 0 : i32
      %scatter3A_474 = tpu.memref_slice %arg18[%scatter3A_471, %scatter3A_472, %scatter3A_473] : memref<2x64x128xf32, #tpu.memory_space<vmem>> -> memref<1x64x128xf32, #tpu.memory_space<vmem>>
      %scatter3A_475 = tpu.memref_squeeze %scatter3A_474 : memref<1x64x128xf32, #tpu.memory_space<vmem>> -> memref<64x128xf32, #tpu.memory_space<vmem>>
      tpu.vector_store_idx %scatter3A_475[%add3A_467, %add3A_470], %broadcast_in_dim3A_3 : memref<64x128xf32, #tpu.memory_space<vmem>>[vector<16xi32>, vector<16xi32>], vector<16xf32>,
      %get3A_476 = arith.constant 0 : i32
      %get3A_477 = arith.index_cast %get3A_476 : i32 to index
      %get3A_478 = arith.constant 560 : index
      %get3A_479 = tpu.vector_load %arg11[%get3A_477, %get3A_478] {strides = array<i32>} : memref<2x576xi32, #tpu.memory_space<vmem>>, vector<16xi32>,
      %add3A_480 = arith.constant 48 : i32
      %add3A_481 = vector.broadcast %add3A_480 : i32 to vector<16xi32>
      %add3A_482 = arith.addi %iota3A, %add3A_481 : vector<16xi32>
      %add3A_483 = arith.constant 96 : i32
      %add3A_484 = vector.broadcast %add3A_483 : i32 to vector<16xi32>
      %add3A_485 = arith.addi %get3A_479, %add3A_484 : vector<16xi32>
      %scatter3A_486 = arith.constant 0 : i32
      %scatter3A_487 = arith.constant 0 : i32
      %scatter3A_488 = arith.constant 0 : i32
      %scatter3A_489 = tpu.memref_slice %arg18[%scatter3A_486, %scatter3A_487, %scatter3A_488] : memref<2x64x128xf32, #tpu.memory_space<vmem>> -> memref<1x64x128xf32, #tpu.memory_space<vmem>>
      %scatter3A_490 = tpu.memref_squeeze %scatter3A_489 : memref<1x64x128xf32, #tpu.memory_space<vmem>> -> memref<64x128xf32, #tpu.memory_space<vmem>>
      tpu.vector_store_idx %scatter3A_490[%add3A_482, %add3A_485], %broadcast_in_dim3A_3 : memref<64x128xf32, #tpu.memory_space<vmem>>[vector<16xi32>, vector<16xi32>], vector<16xf32>,
      %convert_element_type3A_491 = arith.extui %lt3A_245 : i1 to i32
      %cond3A_492 = arith.constant 0 : i32
      %cond3A_493 = arith.cmpi ne, %convert_element_type3A_491, %cond3A_492 : i32
      scf.if %cond3A_493 {
        %add3A_859 = arith.constant 1 : i32
        %add3A_860 = arith.addi %add3A_242, %add3A_859 : i32
        %mul3A_861 = arith.constant 100 : i32
        %mul3A_862 = arith.muli %add3A, %mul3A_861 : i32
        %add3A_863 = arith.addi %mul3A_862, %add3A_860 : i32
        %mul3A_864 = arith.constant 576 : i32
        %mul3A_865 = arith.muli %add3A_863, %mul3A_864 : i32
        %dma_wait3A_866 = arith.constant 1 : i32
        %dma_wait3A_867 = arith.constant 1 : i32
        %dma_wait3A_868 = arith.constant 0 : i32
        %dma_wait3A_869 = tpu.memref_slice %arg11[%dma_wait3A_866, %dma_wait3A_868] : memref<2x576xi32, #tpu.memory_space<vmem>> -> memref<1x576xi32, #tpu.memory_space<vmem>>
        %dma_wait3A_870 = tpu.memref_squeeze %dma_wait3A_869 : memref<1x576xi32, #tpu.memory_space<vmem>> -> memref<576xi32, #tpu.memory_space<vmem>>
        %dma_wait3A_871 = tpu.memref_slice %arg2[%mul3A_865] : memref<1843200xi32, #tpu.memory_space<hbm>> -> memref<576xi32, #tpu.memory_space<hbm>>
        %dma_wait3A_872 = tpu.memref_slice %arg20[%dma_wait3A_867] : memref<2x!tpu.dma_semaphore, #tpu.memory_space<semaphore_mem>> -> memref<1x!tpu.dma_semaphore, #tpu.memory_space<semaphore_mem>>
        %dma_wait3A_873 = tpu.memref_squeeze %dma_wait3A_872 : memref<1x!tpu.dma_semaphore, #tpu.memory_space<semaphore_mem>> -> memref<!tpu.dma_semaphore, #tpu.memory_space<semaphore_mem>>
        %dma_wait3A_874 = arith.constant 0 : i32
        %dma_wait3A_875 = tpu.memref_slice %arg11[%dma_wait3A_866, %dma_wait3A_874] : memref<2x576xi32, #tpu.memory_space<vmem>> -> memref<1x576xi32, #tpu.memory_space<vmem>>
        %dma_wait3A_876 = tpu.memref_squeeze %dma_wait3A_875 : memref<1x576xi32, #tpu.memory_space<vmem>> -> memref<576xi32, #tpu.memory_space<vmem>>
        %dma_wait3A_877 = tpu.memref_slice %arg2[%mul3A_865] : memref<1843200xi32, #tpu.memory_space<hbm>> -> memref<576xi32, #tpu.memory_space<hbm>>
        tpu.wait_dma2 semaphore(%dma_wait3A_873 : memref<!tpu.dma_semaphore, #tpu.memory_space<semaphore_mem>>) src(%dma_wait3A_877 : memref<576xi32, #tpu.memory_space<hbm>>) dst(%dma_wait3A_876 : memref<576xi32, #tpu.memory_space<vmem>>)
        %ge3A = arith.constant 1 : i32
        %ge3A_878 = arith.cmpi sge, %add3A_242, %ge3A : i32
        %convert_element_type3A_879 = arith.extui %ge3A_878 : i1 to i32
        %cond3A_880 = arith.constant 0 : i32
        %cond3A_881 = arith.cmpi ne, %convert_element_type3A_879, %cond3A_880 : i32
        scf.if %cond3A_881 {
          %sub3A = arith.constant 1 : i32
          %sub3A_1006 = arith.subi %add3A_242, %sub3A : i32
          %mul3A_1007 = arith.constant 100 : i32
          %mul3A_1008 = arith.muli %add3A, %mul3A_1007 : i32
          %add3A_1009 = arith.addi %mul3A_1008, %sub3A_1006 : i32
          %mul3A_1010 = arith.constant 64 : i32
          %mul3A_1011 = arith.muli %add3A_1009, %mul3A_1010 : i32
          %multiple_of3A_1012 = tpu.assume_multiple %mul3A_1011, 64 : i32
          %dma_wait3A_1013 = arith.constant 1 : i32
          %dma_wait3A_1014 = arith.constant 1 : i32
          %dma_wait3A_1015 = arith.constant 0 : i32
          %dma_wait3A_1016 = arith.constant 0 : i32
          %dma_wait3A_1017 = tpu.memref_slice %arg17[%dma_wait3A_1013, %dma_wait3A_1015, %dma_wait3A_1016] : memref<2x64x128xf32, #tpu.memory_space<vmem>> -> memref<1x64x128xf32, #tpu.memory_space<vmem>>
          %dma_wait3A_1018 = tpu.memref_squeeze %dma_wait3A_1017 : memref<1x64x128xf32, #tpu.memory_space<vmem>> -> memref<64x128xf32, #tpu.memory_space<vmem>>
          %dma_wait3A_1019 = arith.constant 0 : i32
          %dma_wait3A_1020 = tpu.memref_slice %arg8[%multiple_of3A_1012, %dma_wait3A_1019] : memref<204800x128xf32, #tpu.memory_space<hbm>> -> memref<64x128xf32, #tpu.memory_space<hbm>>
          %dma_wait3A_1021 = tpu.memref_slice %arg22[%dma_wait3A_1014] : memref<2x!tpu.dma_semaphore, #tpu.memory_space<semaphore_mem>> -> memref<1x!tpu.dma_semaphore, #tpu.memory_space<semaphore_mem>>
          %dma_wait3A_1022 = tpu.memref_squeeze %dma_wait3A_1021 : memref<1x!tpu.dma_semaphore, #tpu.memory_space<semaphore_mem>> -> memref<!tpu.dma_semaphore, #tpu.memory_space<semaphore_mem>>
          %dma_wait3A_1023 = arith.constant 0 : i32
          %dma_wait3A_1024 = tpu.memref_slice %arg8[%multiple_of3A_1012, %dma_wait3A_1023] : memref<204800x128xf32, #tpu.memory_space<hbm>> -> memref<64x128xf32, #tpu.memory_space<hbm>>
          %dma_wait3A_1025 = arith.constant 0 : i32
          %dma_wait3A_1026 = arith.constant 0 : i32
          %dma_wait3A_1027 = tpu.memref_slice %arg17[%dma_wait3A_1013, %dma_wait3A_1025, %dma_wait3A_1026] : memref<2x64x128xf32, #tpu.memory_space<vmem>> -> memref<1x64x128xf32, #tpu.memory_space<vmem>>
          %dma_wait3A_1028 = tpu.memref_squeeze %dma_wait3A_1027 : memref<1x64x128xf32, #tpu.memory_space<vmem>> -> memref<64x128xf32, #tpu.memory_space<vmem>>
          tpu.wait_dma2 semaphore(%dma_wait3A_1022 : memref<!tpu.dma_semaphore, #tpu.memory_space<semaphore_mem>>) src(%dma_wait3A_1028 : memref<64x128xf32, #tpu.memory_space<vmem>>) dst(%dma_wait3A_1024 : memref<64x128xf32, #tpu.memory_space<hbm>>)
          %dma_wait3A_1029 = arith.constant 1 : i32
          %dma_wait3A_1030 = arith.constant 1 : i32
          %dma_wait3A_1031 = arith.constant 0 : i32
          %dma_wait3A_1032 = arith.constant 0 : i32
          %dma_wait3A_1033 = tpu.memref_slice %arg18[%dma_wait3A_1029, %dma_wait3A_1031, %dma_wait3A_1032] : memref<2x64x128xf32, #tpu.memory_space<vmem>> -> memref<1x64x128xf32, #tpu.memory_space<vmem>>
          %dma_wait3A_1034 = tpu.memref_squeeze %dma_wait3A_1033 : memref<1x64x128xf32, #tpu.memory_space<vmem>> -> memref<64x128xf32, #tpu.memory_space<vmem>>
          %dma_wait3A_1035 = arith.constant 0 : i32
          %dma_wait3A_1036 = tpu.memref_slice %arg9[%multiple_of3A_1012, %dma_wait3A_1035] : memref<204800x128xf32, #tpu.memory_space<hbm>> -> memref<64x128xf32, #tpu.memory_space<hbm>>
          %dma_wait3A_1037 = tpu.memref_slice %arg22[%dma_wait3A_1030] : memref<2x!tpu.dma_semaphore, #tpu.memory_space<semaphore_mem>> -> memref<1x!tpu.dma_semaphore, #tpu.memory_space<semaphore_mem>>
          %dma_wait3A_1038 = tpu.memref_squeeze %dma_wait3A_1037 : memref<1x!tpu.dma_semaphore, #tpu.memory_space<semaphore_mem>> -> memref<!tpu.dma_semaphore, #tpu.memory_space<semaphore_mem>>
          %dma_wait3A_1039 = arith.constant 0 : i32
          %dma_wait3A_1040 = tpu.memref_slice %arg9[%multiple_of3A_1012, %dma_wait3A_1039] : memref<204800x128xf32, #tpu.memory_space<hbm>> -> memref<64x128xf32, #tpu.memory_space<hbm>>
          %dma_wait3A_1041 = arith.constant 0 : i32
          %dma_wait3A_1042 = arith.constant 0 : i32
          %dma_wait3A_1043 = tpu.memref_slice %arg18[%dma_wait3A_1029, %dma_wait3A_1041, %dma_wait3A_1042] : memref<2x64x128xf32, #tpu.memory_space<vmem>> -> memref<1x64x128xf32, #tpu.memory_space<vmem>>
          %dma_wait3A_1044 = tpu.memref_squeeze %dma_wait3A_1043 : memref<1x64x128xf32, #tpu.memory_space<vmem>> -> memref<64x128xf32, #tpu.memory_space<vmem>>
          tpu.wait_dma2 semaphore(%dma_wait3A_1038 : memref<!tpu.dma_semaphore, #tpu.memory_space<semaphore_mem>>) src(%dma_wait3A_1044 : memref<64x128xf32, #tpu.memory_space<vmem>>) dst(%dma_wait3A_1040 : memref<64x128xf32, #tpu.memory_space<hbm>>)
          %dma_wait3A_1045 = arith.constant 1 : i32
          %dma_wait3A_1046 = arith.constant 1 : i32
          %dma_wait3A_1047 = arith.constant 0 : i32
          %dma_wait3A_1048 = tpu.memref_slice %arg19[%dma_wait3A_1045, %dma_wait3A_1047] : memref<2x64xf32, #tpu.memory_space<vmem>> -> memref<1x64xf32, #tpu.memory_space<vmem>>
          %dma_wait3A_1049 = tpu.memref_squeeze %dma_wait3A_1048 : memref<1x64xf32, #tpu.memory_space<vmem>> -> memref<64xf32, #tpu.memory_space<vmem>>
          %dma_wait3A_1050 = tpu.memref_slice %arg10[%multiple_of3A_1012] : memref<204800xf32, #tpu.memory_space<hbm>> -> memref<64xf32, #tpu.memory_space<hbm>>
          %dma_wait3A_1051 = tpu.memref_slice %arg22[%dma_wait3A_1046] : memref<2x!tpu.dma_semaphore, #tpu.memory_space<semaphore_mem>> -> memref<1x!tpu.dma_semaphore, #tpu.memory_space<semaphore_mem>>
          %dma_wait3A_1052 = tpu.memref_squeeze %dma_wait3A_1051 : memref<1x!tpu.dma_semaphore, #tpu.memory_space<semaphore_mem>> -> memref<!tpu.dma_semaphore, #tpu.memory_space<semaphore_mem>>
          %dma_wait3A_1053 = tpu.memref_slice %arg10[%multiple_of3A_1012] : memref<204800xf32, #tpu.memory_space<hbm>> -> memref<64xf32, #tpu.memory_space<hbm>>
          %dma_wait3A_1054 = arith.constant 0 : i32
          %dma_wait3A_1055 = tpu.memref_slice %arg19[%dma_wait3A_1045, %dma_wait3A_1054] : memref<2x64xf32, #tpu.memory_space<vmem>> -> memref<1x64xf32, #tpu.memory_space<vmem>>
          %dma_wait3A_1056 = tpu.memref_squeeze %dma_wait3A_1055 : memref<1x64xf32, #tpu.memory_space<vmem>> -> memref<64xf32, #tpu.memory_space<vmem>>
          tpu.wait_dma2 semaphore(%dma_wait3A_1052 : memref<!tpu.dma_semaphore, #tpu.memory_space<semaphore_mem>>) src(%dma_wait3A_1056 : memref<64xf32, #tpu.memory_space<vmem>>) dst(%dma_wait3A_1053 : memref<64xf32, #tpu.memory_space<hbm>>)
        } else {
        }
        %dma_start3A_882 = arith.constant 1 : i32
        %dma_start3A_883 = arith.constant 1 : i32
        %dma_start3A_884 = arith.constant 1 : i32
        %dma_start3A_885 = arith.constant 0 : i32
        %dma_start3A_886 = arith.constant 0 : i32
        %dma_start3A_887 = tpu.memref_slice %arg12[%dma_start3A_883, %dma_start3A_885, %dma_start3A_886] : memref<2x64x64xf32, #tpu.memory_space<vmem>> -> memref<1x64x64xf32, #tpu.memory_space<vmem>>
        %dma_start3A_888 = tpu.memref_squeeze %dma_start3A_887 : memref<1x64x64xf32, #tpu.memory_space<vmem>> -> memref<64x64xf32, #tpu.memory_space<vmem>>
        %dma_start3A_889 = arith.constant 0 : i32
        %dma_start3A_890 = tpu.memref_slice %arg11[%dma_start3A_882, %dma_start3A_889] : memref<2x576xi32, #tpu.memory_space<vmem>> -> memref<1x64xi32, #tpu.memory_space<vmem>>
        %dma_start3A_891 = tpu.memref_squeeze %dma_start3A_890 : memref<1x64xi32, #tpu.memory_space<vmem>> -> memref<64xi32, #tpu.memory_space<vmem>>
        %dma_start3A_892 = arith.constant 0 : i32
        %dma_start3A_893 = arith.constant 0 : i32
        %dma_start3A_894 = tpu.memref_slice %arg4[%dma_start3A_892, %dma_start3A_893] : memref<1000000x64xf32, #tpu.memory_space<hbm>> -> memref<1000000x64xf32, #tpu.memory_space<hbm>>
        %dma_start3A_895 = tpu.memref_slice %arg21[%dma_start3A_884] : memref<2x!tpu.dma_semaphore, #tpu.memory_space<semaphore_mem>> -> memref<1x!tpu.dma_semaphore, #tpu.memory_space<semaphore_mem>>
        %dma_start3A_896 = tpu.memref_squeeze %dma_start3A_895 : memref<1x!tpu.dma_semaphore, #tpu.memory_space<semaphore_mem>> -> memref<!tpu.dma_semaphore, #tpu.memory_space<semaphore_mem>>
        tpu.enqueue_indirect_dma source(%dma_start3A_894 : memref<1000000x64xf32, #tpu.memory_space<hbm>>) target(%dma_start3A_888 : memref<64x64xf32, #tpu.memory_space<vmem>>) offsets(%dma_start3A_891 : memref<64xi32, #tpu.memory_space<vmem>>) semaphore(%dma_start3A_896 : memref<!tpu.dma_semaphore, #tpu.memory_space<semaphore_mem>>)
        %dma_start3A_897 = arith.constant 1 : i32
        %dma_start3A_898 = arith.constant 1 : i32
        %dma_start3A_899 = arith.constant 1 : i32
        %dma_start3A_900 = arith.constant 0 : i32
        %dma_start3A_901 = arith.constant 0 : i32
        %dma_start3A_902 = tpu.memref_slice %arg13[%dma_start3A_898, %dma_start3A_900, %dma_start3A_901] : memref<2x64x64xf32, #tpu.memory_space<vmem>> -> memref<1x64x64xf32, #tpu.memory_space<vmem>>
        %dma_start3A_903 = tpu.memref_squeeze %dma_start3A_902 : memref<1x64x64xf32, #tpu.memory_space<vmem>> -> memref<64x64xf32, #tpu.memory_space<vmem>>
        %dma_start3A_904 = arith.constant 64 : i32
        %dma_start3A_905 = tpu.memref_slice %arg11[%dma_start3A_897, %dma_start3A_904] : memref<2x576xi32, #tpu.memory_space<vmem>> -> memref<1x64xi32, #tpu.memory_space<vmem>>
        %dma_start3A_906 = tpu.memref_squeeze %dma_start3A_905 : memref<1x64xi32, #tpu.memory_space<vmem>> -> memref<64xi32, #tpu.memory_space<vmem>>
        %dma_start3A_907 = arith.constant 0 : i32
        %dma_start3A_908 = arith.constant 0 : i32
        %dma_start3A_909 = tpu.memref_slice %arg7[%dma_start3A_907, %dma_start3A_908] : memref<100000x64xf32, #tpu.memory_space<hbm>> -> memref<100000x64xf32, #tpu.memory_space<hbm>>
        %dma_start3A_910 = tpu.memref_slice %arg21[%dma_start3A_899] : memref<2x!tpu.dma_semaphore, #tpu.memory_space<semaphore_mem>> -> memref<1x!tpu.dma_semaphore, #tpu.memory_space<semaphore_mem>>
        %dma_start3A_911 = tpu.memref_squeeze %dma_start3A_910 : memref<1x!tpu.dma_semaphore, #tpu.memory_space<semaphore_mem>> -> memref<!tpu.dma_semaphore, #tpu.memory_space<semaphore_mem>>
        tpu.enqueue_indirect_dma source(%dma_start3A_909 : memref<100000x64xf32, #tpu.memory_space<hbm>>) target(%dma_start3A_903 : memref<64x64xf32, #tpu.memory_space<vmem>>) offsets(%dma_start3A_906 : memref<64xi32, #tpu.memory_space<vmem>>) semaphore(%dma_start3A_911 : memref<!tpu.dma_semaphore, #tpu.memory_space<semaphore_mem>>)
        %dma_start3A_912 = arith.constant 1 : i32
        %dma_start3A_913 = arith.constant 1 : i32
        %dma_start3A_914 = arith.constant 1 : i32
        %dma_start3A_915 = arith.constant 0 : i32
        %dma_start3A_916 = arith.constant 0 : i32
        %dma_start3A_917 = tpu.memref_slice %arg15[%dma_start3A_913, %dma_start3A_915, %dma_start3A_916] : memref<2x64x16xf32, #tpu.memory_space<vmem>> -> memref<1x64x16xf32, #tpu.memory_space<vmem>>
        %dma_start3A_918 = tpu.memref_squeeze %dma_start3A_917 : memref<1x64x16xf32, #tpu.memory_space<vmem>> -> memref<64x16xf32, #tpu.memory_space<vmem>>
        %dma_start3A_919 = arith.constant 128 : i32
        %dma_start3A_920 = tpu.memref_slice %arg11[%dma_start3A_912, %dma_start3A_919] : memref<2x576xi32, #tpu.memory_space<vmem>> -> memref<1x64xi32, #tpu.memory_space<vmem>>
        %dma_start3A_921 = tpu.memref_squeeze %dma_start3A_920 : memref<1x64xi32, #tpu.memory_space<vmem>> -> memref<64xi32, #tpu.memory_space<vmem>>
        %dma_start3A_922 = arith.constant 0 : i32
        %dma_start3A_923 = arith.constant 0 : i32
        %dma_start3A_924 = tpu.memref_slice %arg5[%dma_start3A_922, %dma_start3A_923] : memref<1000x16xf32, #tpu.memory_space<hbm>> -> memref<1000x16xf32, #tpu.memory_space<hbm>>
        %dma_start3A_925 = tpu.memref_slice %arg21[%dma_start3A_914] : memref<2x!tpu.dma_semaphore, #tpu.memory_space<semaphore_mem>> -> memref<1x!tpu.dma_semaphore, #tpu.memory_space<semaphore_mem>>
        %dma_start3A_926 = tpu.memref_squeeze %dma_start3A_925 : memref<1x!tpu.dma_semaphore, #tpu.memory_space<semaphore_mem>> -> memref<!tpu.dma_semaphore, #tpu.memory_space<semaphore_mem>>
        tpu.enqueue_indirect_dma source(%dma_start3A_924 : memref<1000x16xf32, #tpu.memory_space<hbm>>) target(%dma_start3A_918 : memref<64x16xf32, #tpu.memory_space<vmem>>) offsets(%dma_start3A_921 : memref<64xi32, #tpu.memory_space<vmem>>) semaphore(%dma_start3A_926 : memref<!tpu.dma_semaphore, #tpu.memory_space<semaphore_mem>>)
        %dma_start3A_927 = arith.constant 1 : i32
        %dma_start3A_928 = arith.constant 1 : i32
        %dma_start3A_929 = arith.constant 1 : i32
        %dma_start3A_930 = arith.constant 0 : i32
        %dma_start3A_931 = arith.constant 0 : i32
        %dma_start3A_932 = tpu.memref_slice %arg16[%dma_start3A_928, %dma_start3A_930, %dma_start3A_931] : memref<2x64x16xf32, #tpu.memory_space<vmem>> -> memref<1x64x16xf32, #tpu.memory_space<vmem>>
        %dma_start3A_933 = tpu.memref_squeeze %dma_start3A_932 : memref<1x64x16xf32, #tpu.memory_space<vmem>> -> memref<64x16xf32, #tpu.memory_space<vmem>>
        %dma_start3A_934 = arith.constant 192 : i32
        %dma_start3A_935 = tpu.memref_slice %arg11[%dma_start3A_927, %dma_start3A_934] : memref<2x576xi32, #tpu.memory_space<vmem>> -> memref<1x64xi32, #tpu.memory_space<vmem>>
        %dma_start3A_936 = tpu.memref_squeeze %dma_start3A_935 : memref<1x64xi32, #tpu.memory_space<vmem>> -> memref<64xi32, #tpu.memory_space<vmem>>
        %dma_start3A_937 = arith.constant 0 : i32
        %dma_start3A_938 = arith.constant 0 : i32
        %dma_start3A_939 = tpu.memref_slice %arg6[%dma_start3A_937, %dma_start3A_938] : memref<100x16xf32, #tpu.memory_space<hbm>> -> memref<100x16xf32, #tpu.memory_space<hbm>>
        %dma_start3A_940 = tpu.memref_slice %arg21[%dma_start3A_929] : memref<2x!tpu.dma_semaphore, #tpu.memory_space<semaphore_mem>> -> memref<1x!tpu.dma_semaphore, #tpu.memory_space<semaphore_mem>>
        %dma_start3A_941 = tpu.memref_squeeze %dma_start3A_940 : memref<1x!tpu.dma_semaphore, #tpu.memory_space<semaphore_mem>> -> memref<!tpu.dma_semaphore, #tpu.memory_space<semaphore_mem>>
        tpu.enqueue_indirect_dma source(%dma_start3A_939 : memref<100x16xf32, #tpu.memory_space<hbm>>) target(%dma_start3A_933 : memref<64x16xf32, #tpu.memory_space<vmem>>) offsets(%dma_start3A_936 : memref<64xi32, #tpu.memory_space<vmem>>) semaphore(%dma_start3A_941 : memref<!tpu.dma_semaphore, #tpu.memory_space<semaphore_mem>>)
        %dma_start3A_942 = arith.constant 1 : i32
        %dma_start3A_943 = arith.constant 1 : i32
        %dma_start3A_944 = arith.constant 0 : i32
        %dma_start3A_945 = arith.constant 1 : i32
        %dma_start3A_946 = arith.constant 0 : i32
        %dma_start3A_947 = arith.constant 0 : i32
        %dma_start3A_948 = tpu.memref_slice %arg14[%dma_start3A_943, %dma_start3A_944, %dma_start3A_946, %dma_start3A_947] : memref<2x4x64x64xf32, #tpu.memory_space<vmem>> -> memref<1x1x64x64xf32, #tpu.memory_space<vmem>>
        %dma_start3A_949 = tpu.memref_squeeze %dma_start3A_948 : memref<1x1x64x64xf32, #tpu.memory_space<vmem>> -> memref<64x64xf32, #tpu.memory_space<vmem>>
        %dma_start3A_950 = arith.constant 256 : i32
        %dma_start3A_951 = tpu.memref_slice %arg11[%dma_start3A_942, %dma_start3A_950] : memref<2x576xi32, #tpu.memory_space<vmem>> -> memref<1x64xi32, #tpu.memory_space<vmem>>
        %dma_start3A_952 = tpu.memref_squeeze %dma_start3A_951 : memref<1x64xi32, #tpu.memory_space<vmem>> -> memref<64xi32, #tpu.memory_space<vmem>>
        %dma_start3A_953 = arith.constant 0 : i32
        %dma_start3A_954 = arith.constant 0 : i32
        %dma_start3A_955 = tpu.memref_slice %arg3[%dma_start3A_953, %dma_start3A_954] : memref<100000x64xf32, #tpu.memory_space<hbm>> -> memref<100000x64xf32, #tpu.memory_space<hbm>>
        %dma_start3A_956 = tpu.memref_slice %arg21[%dma_start3A_945] : memref<2x!tpu.dma_semaphore, #tpu.memory_space<semaphore_mem>> -> memref<1x!tpu.dma_semaphore, #tpu.memory_space<semaphore_mem>>
        %dma_start3A_957 = tpu.memref_squeeze %dma_start3A_956 : memref<1x!tpu.dma_semaphore, #tpu.memory_space<semaphore_mem>> -> memref<!tpu.dma_semaphore, #tpu.memory_space<semaphore_mem>>
        tpu.enqueue_indirect_dma source(%dma_start3A_955 : memref<100000x64xf32, #tpu.memory_space<hbm>>) target(%dma_start3A_949 : memref<64x64xf32, #tpu.memory_space<vmem>>) offsets(%dma_start3A_952 : memref<64xi32, #tpu.memory_space<vmem>>) semaphore(%dma_start3A_957 : memref<!tpu.dma_semaphore, #tpu.memory_space<semaphore_mem>>)
        %dma_start3A_958 = arith.constant 1 : i32
        %dma_start3A_959 = arith.constant 1 : i32
        %dma_start3A_960 = arith.constant 1 : i32
        %dma_start3A_961 = arith.constant 1 : i32
        %dma_start3A_962 = arith.constant 0 : i32
        %dma_start3A_963 = arith.constant 0 : i32
        %dma_start3A_964 = tpu.memref_slice %arg14[%dma_start3A_959, %dma_start3A_960, %dma_start3A_962, %dma_start3A_963] : memref<2x4x64x64xf32, #tpu.memory_space<vmem>> -> memref<1x1x64x64xf32, #tpu.memory_space<vmem>>
        %dma_start3A_965 = tpu.memref_squeeze %dma_start3A_964 : memref<1x1x64x64xf32, #tpu.memory_space<vmem>> -> memref<64x64xf32, #tpu.memory_space<vmem>>
        %dma_start3A_966 = arith.constant 320 : i32
        %dma_start3A_967 = tpu.memref_slice %arg11[%dma_start3A_958, %dma_start3A_966] : memref<2x576xi32, #tpu.memory_space<vmem>> -> memref<1x64xi32, #tpu.memory_space<vmem>>
        %dma_start3A_968 = tpu.memref_squeeze %dma_start3A_967 : memref<1x64xi32, #tpu.memory_space<vmem>> -> memref<64xi32, #tpu.memory_space<vmem>>
        %dma_start3A_969 = arith.constant 0 : i32
        %dma_start3A_970 = arith.constant 0 : i32
        %dma_start3A_971 = tpu.memref_slice %arg3[%dma_start3A_969, %dma_start3A_970] : memref<100000x64xf32, #tpu.memory_space<hbm>> -> memref<100000x64xf32, #tpu.memory_space<hbm>>
        %dma_start3A_972 = tpu.memref_slice %arg21[%dma_start3A_961] : memref<2x!tpu.dma_semaphore, #tpu.memory_space<semaphore_mem>> -> memref<1x!tpu.dma_semaphore, #tpu.memory_space<semaphore_mem>>
        %dma_start3A_973 = tpu.memref_squeeze %dma_start3A_972 : memref<1x!tpu.dma_semaphore, #tpu.memory_space<semaphore_mem>> -> memref<!tpu.dma_semaphore, #tpu.memory_space<semaphore_mem>>
        tpu.enqueue_indirect_dma source(%dma_start3A_971 : memref<100000x64xf32, #tpu.memory_space<hbm>>) target(%dma_start3A_965 : memref<64x64xf32, #tpu.memory_space<vmem>>) offsets(%dma_start3A_968 : memref<64xi32, #tpu.memory_space<vmem>>) semaphore(%dma_start3A_973 : memref<!tpu.dma_semaphore, #tpu.memory_space<semaphore_mem>>)
        %dma_start3A_974 = arith.constant 1 : i32
        %dma_start3A_975 = arith.constant 1 : i32
        %dma_start3A_976 = arith.constant 2 : i32
        %dma_start3A_977 = arith.constant 1 : i32
        %dma_start3A_978 = arith.constant 0 : i32
        %dma_start3A_979 = arith.constant 0 : i32
        %dma_start3A_980 = tpu.memref_slice %arg14[%dma_start3A_975, %dma_start3A_976, %dma_start3A_978, %dma_start3A_979] : memref<2x4x64x64xf32, #tpu.memory_space<vmem>> -> memref<1x1x64x64xf32, #tpu.memory_space<vmem>>
        %dma_start3A_981 = tpu.memref_squeeze %dma_start3A_980 : memref<1x1x64x64xf32, #tpu.memory_space<vmem>> -> memref<64x64xf32, #tpu.memory_space<vmem>>
        %dma_start3A_982 = arith.constant 384 : i32
        %dma_start3A_983 = tpu.memref_slice %arg11[%dma_start3A_974, %dma_start3A_982] : memref<2x576xi32, #tpu.memory_space<vmem>> -> memref<1x64xi32, #tpu.memory_space<vmem>>
        %dma_start3A_984 = tpu.memref_squeeze %dma_start3A_983 : memref<1x64xi32, #tpu.memory_space<vmem>> -> memref<64xi32, #tpu.memory_space<vmem>>
        %dma_start3A_985 = arith.constant 0 : i32
        %dma_start3A_986 = arith.constant 0 : i32
        %dma_start3A_987 = tpu.memref_slice %arg3[%dma_start3A_985, %dma_start3A_986] : memref<100000x64xf32, #tpu.memory_space<hbm>> -> memref<100000x64xf32, #tpu.memory_space<hbm>>
        %dma_start3A_988 = tpu.memref_slice %arg21[%dma_start3A_977] : memref<2x!tpu.dma_semaphore, #tpu.memory_space<semaphore_mem>> -> memref<1x!tpu.dma_semaphore, #tpu.memory_space<semaphore_mem>>
        %dma_start3A_989 = tpu.memref_squeeze %dma_start3A_988 : memref<1x!tpu.dma_semaphore, #tpu.memory_space<semaphore_mem>> -> memref<!tpu.dma_semaphore, #tpu.memory_space<semaphore_mem>>
        tpu.enqueue_indirect_dma source(%dma_start3A_987 : memref<100000x64xf32, #tpu.memory_space<hbm>>) target(%dma_start3A_981 : memref<64x64xf32, #tpu.memory_space<vmem>>) offsets(%dma_start3A_984 : memref<64xi32, #tpu.memory_space<vmem>>) semaphore(%dma_start3A_989 : memref<!tpu.dma_semaphore, #tpu.memory_space<semaphore_mem>>)
        %dma_start3A_990 = arith.constant 1 : i32
        %dma_start3A_991 = arith.constant 1 : i32
        %dma_start3A_992 = arith.constant 3 : i32
        %dma_start3A_993 = arith.constant 1 : i32
        %dma_start3A_994 = arith.constant 0 : i32
        %dma_start3A_995 = arith.constant 0 : i32
        %dma_start3A_996 = tpu.memref_slice %arg14[%dma_start3A_991, %dma_start3A_992, %dma_start3A_994, %dma_start3A_995] : memref<2x4x64x64xf32, #tpu.memory_space<vmem>> -> memref<1x1x64x64xf32, #tpu.memory_space<vmem>>
        %dma_start3A_997 = tpu.memref_squeeze %dma_start3A_996 : memref<1x1x64x64xf32, #tpu.memory_space<vmem>> -> memref<64x64xf32, #tpu.memory_space<vmem>>
        %dma_start3A_998 = arith.constant 448 : i32
        %dma_start3A_999 = tpu.memref_slice %arg11[%dma_start3A_990, %dma_start3A_998] : memref<2x576xi32, #tpu.memory_space<vmem>> -> memref<1x64xi32, #tpu.memory_space<vmem>>
        %dma_start3A_1000 = tpu.memref_squeeze %dma_start3A_999 : memref<1x64xi32, #tpu.memory_space<vmem>> -> memref<64xi32, #tpu.memory_space<vmem>>
        %dma_start3A_1001 = arith.constant 0 : i32
        %dma_start3A_1002 = arith.constant 0 : i32
        %dma_start3A_1003 = tpu.memref_slice %arg3[%dma_start3A_1001, %dma_start3A_1002] : memref<100000x64xf32, #tpu.memory_space<hbm>> -> memref<100000x64xf32, #tpu.memory_space<hbm>>
        %dma_start3A_1004 = tpu.memref_slice %arg21[%dma_start3A_993] : memref<2x!tpu.dma_semaphore, #tpu.memory_space<semaphore_mem>> -> memref<1x!tpu.dma_semaphore, #tpu.memory_space<semaphore_mem>>
        %dma_start3A_1005 = tpu.memref_squeeze %dma_start3A_1004 : memref<1x!tpu.dma_semaphore, #tpu.memory_space<semaphore_mem>> -> memref<!tpu.dma_semaphore, #tpu.memory_space<semaphore_mem>>
        tpu.enqueue_indirect_dma source(%dma_start3A_1003 : memref<100000x64xf32, #tpu.memory_space<hbm>>) target(%dma_start3A_997 : memref<64x64xf32, #tpu.memory_space<vmem>>) offsets(%dma_start3A_1000 : memref<64xi32, #tpu.memory_space<vmem>>) semaphore(%dma_start3A_1005 : memref<!tpu.dma_semaphore, #tpu.memory_space<semaphore_mem>>)
      } else {
      }
      %mul3A_494 = arith.constant 100 : i32
      %mul3A_495 = arith.muli %add3A, %mul3A_494 : i32
      %add3A_496 = arith.addi %mul3A_495, %add3A_242 : i32
      %mul3A_497 = arith.constant 64 : i32
      %mul3A_498 = arith.muli %add3A_496, %mul3A_497 : i32
      %multiple_of3A_499 = tpu.assume_multiple %mul3A_498, 64 : i32
      %dma_start3A_500 = arith.constant 0 : i32
      %dma_start3A_501 = arith.constant 0 : i32
      %dma_start3A_502 = arith.constant 0 : i32
      %dma_start3A_503 = arith.constant 0 : i32
      %dma_start3A_504 = tpu.memref_slice %arg17[%dma_start3A_500, %dma_start3A_502, %dma_start3A_503] : memref<2x64x128xf32, #tpu.memory_space<vmem>> -> memref<1x64x128xf32, #tpu.memory_space<vmem>>
      %dma_start3A_505 = tpu.memref_squeeze %dma_start3A_504 : memref<1x64x128xf32, #tpu.memory_space<vmem>> -> memref<64x128xf32, #tpu.memory_space<vmem>>
      %dma_start3A_506 = arith.constant 0 : i32
      %dma_start3A_507 = tpu.memref_slice %arg8[%multiple_of3A_499, %dma_start3A_506] : memref<204800x128xf32, #tpu.memory_space<hbm>> -> memref<64x128xf32, #tpu.memory_space<hbm>>
      %dma_start3A_508 = tpu.memref_slice %arg22[%dma_start3A_501] : memref<2x!tpu.dma_semaphore, #tpu.memory_space<semaphore_mem>> -> memref<1x!tpu.dma_semaphore, #tpu.memory_space<semaphore_mem>>
      %dma_start3A_509 = tpu.memref_squeeze %dma_start3A_508 : memref<1x!tpu.dma_semaphore, #tpu.memory_space<semaphore_mem>> -> memref<!tpu.dma_semaphore, #tpu.memory_space<semaphore_mem>>
      %dma_start3A_510 = arith.constant 0 : i32
      %dma_start3A_511 = tpu.memref_slice %arg8[%multiple_of3A_499, %dma_start3A_510] : memref<204800x128xf32, #tpu.memory_space<hbm>> -> memref<64x128xf32, #tpu.memory_space<hbm>>
      %dma_start3A_512 = arith.constant 0 : i32
      %dma_start3A_513 = arith.constant 0 : i32
      %dma_start3A_514 = tpu.memref_slice %arg17[%dma_start3A_500, %dma_start3A_512, %dma_start3A_513] : memref<2x64x128xf32, #tpu.memory_space<vmem>> -> memref<1x64x128xf32, #tpu.memory_space<vmem>>
      %dma_start3A_515 = tpu.memref_squeeze %dma_start3A_514 : memref<1x64x128xf32, #tpu.memory_space<vmem>> -> memref<64x128xf32, #tpu.memory_space<vmem>>
      tpu.enqueue_dma source(%dma_start3A_515 : memref<64x128xf32, #tpu.memory_space<vmem>>) target(%dma_start3A_511 : memref<64x128xf32, #tpu.memory_space<hbm>>) target_semaphore(%dma_start3A_509 : memref<!tpu.dma_semaphore, #tpu.memory_space<semaphore_mem>>)
      %dma_start3A_516 = arith.constant 0 : i32
      %dma_start3A_517 = arith.constant 0 : i32
      %dma_start3A_518 = arith.constant 0 : i32
      %dma_start3A_519 = arith.constant 0 : i32
      %dma_start3A_520 = tpu.memref_slice %arg18[%dma_start3A_516, %dma_start3A_518, %dma_start3A_519] : memref<2x64x128xf32, #tpu.memory_space<vmem>> -> memref<1x64x128xf32, #tpu.memory_space<vmem>>
      %dma_start3A_521 = tpu.memref_squeeze %dma_start3A_520 : memref<1x64x128xf32, #tpu.memory_space<vmem>> -> memref<64x128xf32, #tpu.memory_space<vmem>>
      %dma_start3A_522 = arith.constant 0 : i32
      %dma_start3A_523 = tpu.memref_slice %arg9[%multiple_of3A_499, %dma_start3A_522] : memref<204800x128xf32, #tpu.memory_space<hbm>> -> memref<64x128xf32, #tpu.memory_space<hbm>>
      %dma_start3A_524 = tpu.memref_slice %arg22[%dma_start3A_517] : memref<2x!tpu.dma_semaphore, #tpu.memory_space<semaphore_mem>> -> memref<1x!tpu.dma_semaphore, #tpu.memory_space<semaphore_mem>>
      %dma_start3A_525 = tpu.memref_squeeze %dma_start3A_524 : memref<1x!tpu.dma_semaphore, #tpu.memory_space<semaphore_mem>> -> memref<!tpu.dma_semaphore, #tpu.memory_space<semaphore_mem>>
      %dma_start3A_526 = arith.constant 0 : i32
      %dma_start3A_527 = tpu.memref_slice %arg9[%multiple_of3A_499, %dma_start3A_526] : memref<204800x128xf32, #tpu.memory_space<hbm>> -> memref<64x128xf32, #tpu.memory_space<hbm>>
      %dma_start3A_528 = arith.constant 0 : i32
      %dma_start3A_529 = arith.constant 0 : i32
      %dma_start3A_530 = tpu.memref_slice %arg18[%dma_start3A_516, %dma_start3A_528, %dma_start3A_529] : memref<2x64x128xf32, #tpu.memory_space<vmem>> -> memref<1x64x128xf32, #tpu.memory_space<vmem>>
      %dma_start3A_531 = tpu.memref_squeeze %dma_start3A_530 : memref<1x64x128xf32, #tpu.memory_space<vmem>> -> memref<64x128xf32, #tpu.memory_space<vmem>>
      tpu.enqueue_dma source(%dma_start3A_531 : memref<64x128xf32, #tpu.memory_space<vmem>>) target(%dma_start3A_527 : memref<64x128xf32, #tpu.memory_space<hbm>>) target_semaphore(%dma_start3A_525 : memref<!tpu.dma_semaphore, #tpu.memory_space<semaphore_mem>>)
      %dma_start3A_532 = arith.constant 0 : i32
      %dma_start3A_533 = arith.constant 0 : i32
      %dma_start3A_534 = arith.constant 0 : i32
      %dma_start3A_535 = tpu.memref_slice %arg19[%dma_start3A_532, %dma_start3A_534] : memref<2x64xf32, #tpu.memory_space<vmem>> -> memref<1x64xf32, #tpu.memory_space<vmem>>
      %dma_start3A_536 = tpu.memref_squeeze %dma_start3A_535 : memref<1x64xf32, #tpu.memory_space<vmem>> -> memref<64xf32, #tpu.memory_space<vmem>>
      %dma_start3A_537 = tpu.memref_slice %arg10[%multiple_of3A_499] : memref<204800xf32, #tpu.memory_space<hbm>> -> memref<64xf32, #tpu.memory_space<hbm>>
      %dma_start3A_538 = tpu.memref_slice %arg22[%dma_start3A_533] : memref<2x!tpu.dma_semaphore, #tpu.memory_space<semaphore_mem>> -> memref<1x!tpu.dma_semaphore, #tpu.memory_space<semaphore_mem>>
      %dma_start3A_539 = tpu.memref_squeeze %dma_start3A_538 : memref<1x!tpu.dma_semaphore, #tpu.memory_space<semaphore_mem>> -> memref<!tpu.dma_semaphore, #tpu.memory_space<semaphore_mem>>
      %dma_start3A_540 = tpu.memref_slice %arg10[%multiple_of3A_499] : memref<204800xf32, #tpu.memory_space<hbm>> -> memref<64xf32, #tpu.memory_space<hbm>>
      %dma_start3A_541 = arith.constant 0 : i32
      %dma_start3A_542 = tpu.memref_slice %arg19[%dma_start3A_532, %dma_start3A_541] : memref<2x64xf32, #tpu.memory_space<vmem>> -> memref<1x64xf32, #tpu.memory_space<vmem>>
      %dma_start3A_543 = tpu.memref_squeeze %dma_start3A_542 : memref<1x64xf32, #tpu.memory_space<vmem>> -> memref<64xf32, #tpu.memory_space<vmem>>
      tpu.enqueue_dma source(%dma_start3A_543 : memref<64xf32, #tpu.memory_space<vmem>>) target(%dma_start3A_540 : memref<64xf32, #tpu.memory_space<hbm>>) target_semaphore(%dma_start3A_539 : memref<!tpu.dma_semaphore, #tpu.memory_space<semaphore_mem>>)
      %mul3A_544 = arith.constant 2 : i32
      %mul3A_545 = arith.muli %mul3A_544, %scan3A_238 : i32
      %add3A_546 = arith.constant 1 : i32
      %add3A_547 = arith.addi %mul3A_545, %add3A_546 : i32
      %add3A_548 = arith.constant 1 : i32
      %add3A_549 = arith.addi %add3A_547, %add3A_548 : i32
      %lt3A_550 = arith.constant 100 : i32
      %lt3A_551 = arith.cmpi slt, %add3A_549, %lt3A_550 : i32
      %convert_element_type3A_552 = arith.extui %lt3A_551 : i1 to i32
      %cond3A_553 = arith.constant 0 : i32
      %cond3A_554 = arith.cmpi ne, %convert_element_type3A_552, %cond3A_553 : i32
      scf.if %cond3A_554 {
        %add3A_859 = arith.constant 1 : i32
        %add3A_860 = arith.addi %add3A_547, %add3A_859 : i32
        %mul3A_861 = arith.constant 100 : i32
        %mul3A_862 = arith.muli %add3A, %mul3A_861 : i32
        %add3A_863 = arith.addi %mul3A_862, %add3A_860 : i32
        %mul3A_864 = arith.constant 576 : i32
        %mul3A_865 = arith.muli %add3A_863, %mul3A_864 : i32
        %dma_start3A_866 = arith.constant 0 : i32
        %dma_start3A_867 = arith.constant 0 : i32
        %dma_start3A_868 = arith.constant 0 : i32
        %dma_start3A_869 = tpu.memref_slice %arg11[%dma_start3A_866, %dma_start3A_868] : memref<2x576xi32, #tpu.memory_space<vmem>> -> memref<1x576xi32, #tpu.memory_space<vmem>>
        %dma_start3A_870 = tpu.memref_squeeze %dma_start3A_869 : memref<1x576xi32, #tpu.memory_space<vmem>> -> memref<576xi32, #tpu.memory_space<vmem>>
        %dma_start3A_871 = tpu.memref_slice %arg2[%mul3A_865] : memref<1843200xi32, #tpu.memory_space<hbm>> -> memref<576xi32, #tpu.memory_space<hbm>>
        %dma_start3A_872 = tpu.memref_slice %arg20[%dma_start3A_867] : memref<2x!tpu.dma_semaphore, #tpu.memory_space<semaphore_mem>> -> memref<1x!tpu.dma_semaphore, #tpu.memory_space<semaphore_mem>>
        %dma_start3A_873 = tpu.memref_squeeze %dma_start3A_872 : memref<1x!tpu.dma_semaphore, #tpu.memory_space<semaphore_mem>> -> memref<!tpu.dma_semaphore, #tpu.memory_space<semaphore_mem>>
        %dma_start3A_874 = arith.constant 0 : i32
        %dma_start3A_875 = tpu.memref_slice %arg11[%dma_start3A_866, %dma_start3A_874] : memref<2x576xi32, #tpu.memory_space<vmem>> -> memref<1x576xi32, #tpu.memory_space<vmem>>
        %dma_start3A_876 = tpu.memref_squeeze %dma_start3A_875 : memref<1x576xi32, #tpu.memory_space<vmem>> -> memref<576xi32, #tpu.memory_space<vmem>>
        %dma_start3A_877 = tpu.memref_slice %arg2[%mul3A_865] : memref<1843200xi32, #tpu.memory_space<hbm>> -> memref<576xi32, #tpu.memory_space<hbm>>
        tpu.enqueue_dma source(%dma_start3A_877 : memref<576xi32, #tpu.memory_space<hbm>>) target(%dma_start3A_876 : memref<576xi32, #tpu.memory_space<vmem>>) target_semaphore(%dma_start3A_873 : memref<!tpu.dma_semaphore, #tpu.memory_space<semaphore_mem>>)
      } else {
      }
      %dma_wait3A_555 = arith.constant 1 : i32
      %dma_wait3A_556 = arith.constant 1 : i32
      %dma_wait3A_557 = arith.constant 1 : i32
      %dma_wait3A_558 = arith.constant 0 : i32
      %dma_wait3A_559 = arith.constant 0 : i32
      %dma_wait3A_560 = tpu.memref_slice %arg12[%dma_wait3A_556, %dma_wait3A_558, %dma_wait3A_559] : memref<2x64x64xf32, #tpu.memory_space<vmem>> -> memref<1x64x64xf32, #tpu.memory_space<vmem>>
      %dma_wait3A_561 = tpu.memref_squeeze %dma_wait3A_560 : memref<1x64x64xf32, #tpu.memory_space<vmem>> -> memref<64x64xf32, #tpu.memory_space<vmem>>
      %dma_wait3A_562 = arith.constant 0 : i32
      %dma_wait3A_563 = tpu.memref_slice %arg11[%dma_wait3A_555, %dma_wait3A_562] : memref<2x576xi32, #tpu.memory_space<vmem>> -> memref<1x64xi32, #tpu.memory_space<vmem>>
      %dma_wait3A_564 = tpu.memref_squeeze %dma_wait3A_563 : memref<1x64xi32, #tpu.memory_space<vmem>> -> memref<64xi32, #tpu.memory_space<vmem>>
      %dma_wait3A_565 = arith.constant 0 : i32
      %dma_wait3A_566 = arith.constant 0 : i32
      %dma_wait3A_567 = tpu.memref_slice %arg4[%dma_wait3A_565, %dma_wait3A_566] : memref<1000000x64xf32, #tpu.memory_space<hbm>> -> memref<1000000x64xf32, #tpu.memory_space<hbm>>
      %dma_wait3A_568 = tpu.memref_slice %arg21[%dma_wait3A_557] : memref<2x!tpu.dma_semaphore, #tpu.memory_space<semaphore_mem>> -> memref<1x!tpu.dma_semaphore, #tpu.memory_space<semaphore_mem>>
      %dma_wait3A_569 = tpu.memref_squeeze %dma_wait3A_568 : memref<1x!tpu.dma_semaphore, #tpu.memory_space<semaphore_mem>> -> memref<!tpu.dma_semaphore, #tpu.memory_space<semaphore_mem>>
      tpu.wait_indirect_dma semaphore(%dma_wait3A_569 : memref<!tpu.dma_semaphore, #tpu.memory_space<semaphore_mem>>) src(%dma_wait3A_567 : memref<1000000x64xf32, #tpu.memory_space<hbm>>) dst(%dma_wait3A_561 : memref<64x64xf32, #tpu.memory_space<vmem>>)
      %dma_wait3A_570 = arith.constant 1 : i32
      %dma_wait3A_571 = arith.constant 1 : i32
      %dma_wait3A_572 = arith.constant 1 : i32
      %dma_wait3A_573 = arith.constant 0 : i32
      %dma_wait3A_574 = arith.constant 0 : i32
      %dma_wait3A_575 = tpu.memref_slice %arg13[%dma_wait3A_571, %dma_wait3A_573, %dma_wait3A_574] : memref<2x64x64xf32, #tpu.memory_space<vmem>> -> memref<1x64x64xf32, #tpu.memory_space<vmem>>
      %dma_wait3A_576 = tpu.memref_squeeze %dma_wait3A_575 : memref<1x64x64xf32, #tpu.memory_space<vmem>> -> memref<64x64xf32, #tpu.memory_space<vmem>>
      %dma_wait3A_577 = arith.constant 64 : i32
      %dma_wait3A_578 = tpu.memref_slice %arg11[%dma_wait3A_570, %dma_wait3A_577] : memref<2x576xi32, #tpu.memory_space<vmem>> -> memref<1x64xi32, #tpu.memory_space<vmem>>
      %dma_wait3A_579 = tpu.memref_squeeze %dma_wait3A_578 : memref<1x64xi32, #tpu.memory_space<vmem>> -> memref<64xi32, #tpu.memory_space<vmem>>
      %dma_wait3A_580 = arith.constant 0 : i32
      %dma_wait3A_581 = arith.constant 0 : i32
      %dma_wait3A_582 = tpu.memref_slice %arg7[%dma_wait3A_580, %dma_wait3A_581] : memref<100000x64xf32, #tpu.memory_space<hbm>> -> memref<100000x64xf32, #tpu.memory_space<hbm>>
      %dma_wait3A_583 = tpu.memref_slice %arg21[%dma_wait3A_572] : memref<2x!tpu.dma_semaphore, #tpu.memory_space<semaphore_mem>> -> memref<1x!tpu.dma_semaphore, #tpu.memory_space<semaphore_mem>>
      %dma_wait3A_584 = tpu.memref_squeeze %dma_wait3A_583 : memref<1x!tpu.dma_semaphore, #tpu.memory_space<semaphore_mem>> -> memref<!tpu.dma_semaphore, #tpu.memory_space<semaphore_mem>>
      tpu.wait_indirect_dma semaphore(%dma_wait3A_584 : memref<!tpu.dma_semaphore, #tpu.memory_space<semaphore_mem>>) src(%dma_wait3A_582 : memref<100000x64xf32, #tpu.memory_space<hbm>>) dst(%dma_wait3A_576 : memref<64x64xf32, #tpu.memory_space<vmem>>)
      %dma_wait3A_585 = arith.constant 1 : i32
      %dma_wait3A_586 = arith.constant 1 : i32
      %dma_wait3A_587 = arith.constant 1 : i32
      %dma_wait3A_588 = arith.constant 0 : i32
      %dma_wait3A_589 = arith.constant 0 : i32
      %dma_wait3A_590 = tpu.memref_slice %arg15[%dma_wait3A_586, %dma_wait3A_588, %dma_wait3A_589] : memref<2x64x16xf32, #tpu.memory_space<vmem>> -> memref<1x64x16xf32, #tpu.memory_space<vmem>>
      %dma_wait3A_591 = tpu.memref_squeeze %dma_wait3A_590 : memref<1x64x16xf32, #tpu.memory_space<vmem>> -> memref<64x16xf32, #tpu.memory_space<vmem>>
      %dma_wait3A_592 = arith.constant 128 : i32
      %dma_wait3A_593 = tpu.memref_slice %arg11[%dma_wait3A_585, %dma_wait3A_592] : memref<2x576xi32, #tpu.memory_space<vmem>> -> memref<1x64xi32, #tpu.memory_space<vmem>>
      %dma_wait3A_594 = tpu.memref_squeeze %dma_wait3A_593 : memref<1x64xi32, #tpu.memory_space<vmem>> -> memref<64xi32, #tpu.memory_space<vmem>>
      %dma_wait3A_595 = arith.constant 0 : i32
      %dma_wait3A_596 = arith.constant 0 : i32
      %dma_wait3A_597 = tpu.memref_slice %arg5[%dma_wait3A_595, %dma_wait3A_596] : memref<1000x16xf32, #tpu.memory_space<hbm>> -> memref<1000x16xf32, #tpu.memory_space<hbm>>
      %dma_wait3A_598 = tpu.memref_slice %arg21[%dma_wait3A_587] : memref<2x!tpu.dma_semaphore, #tpu.memory_space<semaphore_mem>> -> memref<1x!tpu.dma_semaphore, #tpu.memory_space<semaphore_mem>>
      %dma_wait3A_599 = tpu.memref_squeeze %dma_wait3A_598 : memref<1x!tpu.dma_semaphore, #tpu.memory_space<semaphore_mem>> -> memref<!tpu.dma_semaphore, #tpu.memory_space<semaphore_mem>>
      tpu.wait_indirect_dma semaphore(%dma_wait3A_599 : memref<!tpu.dma_semaphore, #tpu.memory_space<semaphore_mem>>) src(%dma_wait3A_597 : memref<1000x16xf32, #tpu.memory_space<hbm>>) dst(%dma_wait3A_591 : memref<64x16xf32, #tpu.memory_space<vmem>>)
      %dma_wait3A_600 = arith.constant 1 : i32
      %dma_wait3A_601 = arith.constant 1 : i32
      %dma_wait3A_602 = arith.constant 1 : i32
      %dma_wait3A_603 = arith.constant 0 : i32
      %dma_wait3A_604 = arith.constant 0 : i32
      %dma_wait3A_605 = tpu.memref_slice %arg16[%dma_wait3A_601, %dma_wait3A_603, %dma_wait3A_604] : memref<2x64x16xf32, #tpu.memory_space<vmem>> -> memref<1x64x16xf32, #tpu.memory_space<vmem>>
      %dma_wait3A_606 = tpu.memref_squeeze %dma_wait3A_605 : memref<1x64x16xf32, #tpu.memory_space<vmem>> -> memref<64x16xf32, #tpu.memory_space<vmem>>
      %dma_wait3A_607 = arith.constant 192 : i32
      %dma_wait3A_608 = tpu.memref_slice %arg11[%dma_wait3A_600, %dma_wait3A_607] : memref<2x576xi32, #tpu.memory_space<vmem>> -> memref<1x64xi32, #tpu.memory_space<vmem>>
      %dma_wait3A_609 = tpu.memref_squeeze %dma_wait3A_608 : memref<1x64xi32, #tpu.memory_space<vmem>> -> memref<64xi32, #tpu.memory_space<vmem>>
      %dma_wait3A_610 = arith.constant 0 : i32
      %dma_wait3A_611 = arith.constant 0 : i32
      %dma_wait3A_612 = tpu.memref_slice %arg6[%dma_wait3A_610, %dma_wait3A_611] : memref<100x16xf32, #tpu.memory_space<hbm>> -> memref<100x16xf32, #tpu.memory_space<hbm>>
      %dma_wait3A_613 = tpu.memref_slice %arg21[%dma_wait3A_602] : memref<2x!tpu.dma_semaphore, #tpu.memory_space<semaphore_mem>> -> memref<1x!tpu.dma_semaphore, #tpu.memory_space<semaphore_mem>>
      %dma_wait3A_614 = tpu.memref_squeeze %dma_wait3A_613 : memref<1x!tpu.dma_semaphore, #tpu.memory_space<semaphore_mem>> -> memref<!tpu.dma_semaphore, #tpu.memory_space<semaphore_mem>>
      tpu.wait_indirect_dma semaphore(%dma_wait3A_614 : memref<!tpu.dma_semaphore, #tpu.memory_space<semaphore_mem>>) src(%dma_wait3A_612 : memref<100x16xf32, #tpu.memory_space<hbm>>) dst(%dma_wait3A_606 : memref<64x16xf32, #tpu.memory_space<vmem>>)
      %dma_wait3A_615 = arith.constant 1 : i32
      %dma_wait3A_616 = arith.constant 1 : i32
      %dma_wait3A_617 = arith.constant 0 : i32
      %dma_wait3A_618 = arith.constant 1 : i32
      %dma_wait3A_619 = arith.constant 0 : i32
      %dma_wait3A_620 = arith.constant 0 : i32
      %dma_wait3A_621 = tpu.memref_slice %arg14[%dma_wait3A_616, %dma_wait3A_617, %dma_wait3A_619, %dma_wait3A_620] : memref<2x4x64x64xf32, #tpu.memory_space<vmem>> -> memref<1x1x64x64xf32, #tpu.memory_space<vmem>>
      %dma_wait3A_622 = tpu.memref_squeeze %dma_wait3A_621 : memref<1x1x64x64xf32, #tpu.memory_space<vmem>> -> memref<64x64xf32, #tpu.memory_space<vmem>>
      %dma_wait3A_623 = arith.constant 256 : i32
      %dma_wait3A_624 = tpu.memref_slice %arg11[%dma_wait3A_615, %dma_wait3A_623] : memref<2x576xi32, #tpu.memory_space<vmem>> -> memref<1x64xi32, #tpu.memory_space<vmem>>
      %dma_wait3A_625 = tpu.memref_squeeze %dma_wait3A_624 : memref<1x64xi32, #tpu.memory_space<vmem>> -> memref<64xi32, #tpu.memory_space<vmem>>
      %dma_wait3A_626 = arith.constant 0 : i32
      %dma_wait3A_627 = arith.constant 0 : i32
      %dma_wait3A_628 = tpu.memref_slice %arg3[%dma_wait3A_626, %dma_wait3A_627] : memref<100000x64xf32, #tpu.memory_space<hbm>> -> memref<100000x64xf32, #tpu.memory_space<hbm>>
      %dma_wait3A_629 = tpu.memref_slice %arg21[%dma_wait3A_618] : memref<2x!tpu.dma_semaphore, #tpu.memory_space<semaphore_mem>> -> memref<1x!tpu.dma_semaphore, #tpu.memory_space<semaphore_mem>>
      %dma_wait3A_630 = tpu.memref_squeeze %dma_wait3A_629 : memref<1x!tpu.dma_semaphore, #tpu.memory_space<semaphore_mem>> -> memref<!tpu.dma_semaphore, #tpu.memory_space<semaphore_mem>>
      tpu.wait_indirect_dma semaphore(%dma_wait3A_630 : memref<!tpu.dma_semaphore, #tpu.memory_space<semaphore_mem>>) src(%dma_wait3A_628 : memref<100000x64xf32, #tpu.memory_space<hbm>>) dst(%dma_wait3A_622 : memref<64x64xf32, #tpu.memory_space<vmem>>)
      %dma_wait3A_631 = arith.constant 1 : i32
      %dma_wait3A_632 = arith.constant 1 : i32
      %dma_wait3A_633 = arith.constant 1 : i32
      %dma_wait3A_634 = arith.constant 1 : i32
      %dma_wait3A_635 = arith.constant 0 : i32
      %dma_wait3A_636 = arith.constant 0 : i32
      %dma_wait3A_637 = tpu.memref_slice %arg14[%dma_wait3A_632, %dma_wait3A_633, %dma_wait3A_635, %dma_wait3A_636] : memref<2x4x64x64xf32, #tpu.memory_space<vmem>> -> memref<1x1x64x64xf32, #tpu.memory_space<vmem>>
      %dma_wait3A_638 = tpu.memref_squeeze %dma_wait3A_637 : memref<1x1x64x64xf32, #tpu.memory_space<vmem>> -> memref<64x64xf32, #tpu.memory_space<vmem>>
      %dma_wait3A_639 = arith.constant 320 : i32
      %dma_wait3A_640 = tpu.memref_slice %arg11[%dma_wait3A_631, %dma_wait3A_639] : memref<2x576xi32, #tpu.memory_space<vmem>> -> memref<1x64xi32, #tpu.memory_space<vmem>>
      %dma_wait3A_641 = tpu.memref_squeeze %dma_wait3A_640 : memref<1x64xi32, #tpu.memory_space<vmem>> -> memref<64xi32, #tpu.memory_space<vmem>>
      %dma_wait3A_642 = arith.constant 0 : i32
      %dma_wait3A_643 = arith.constant 0 : i32
      %dma_wait3A_644 = tpu.memref_slice %arg3[%dma_wait3A_642, %dma_wait3A_643] : memref<100000x64xf32, #tpu.memory_space<hbm>> -> memref<100000x64xf32, #tpu.memory_space<hbm>>
      %dma_wait3A_645 = tpu.memref_slice %arg21[%dma_wait3A_634] : memref<2x!tpu.dma_semaphore, #tpu.memory_space<semaphore_mem>> -> memref<1x!tpu.dma_semaphore, #tpu.memory_space<semaphore_mem>>
      %dma_wait3A_646 = tpu.memref_squeeze %dma_wait3A_645 : memref<1x!tpu.dma_semaphore, #tpu.memory_space<semaphore_mem>> -> memref<!tpu.dma_semaphore, #tpu.memory_space<semaphore_mem>>
      tpu.wait_indirect_dma semaphore(%dma_wait3A_646 : memref<!tpu.dma_semaphore, #tpu.memory_space<semaphore_mem>>) src(%dma_wait3A_644 : memref<100000x64xf32, #tpu.memory_space<hbm>>) dst(%dma_wait3A_638 : memref<64x64xf32, #tpu.memory_space<vmem>>)
      %dma_wait3A_647 = arith.constant 1 : i32
      %dma_wait3A_648 = arith.constant 1 : i32
      %dma_wait3A_649 = arith.constant 2 : i32
      %dma_wait3A_650 = arith.constant 1 : i32
      %dma_wait3A_651 = arith.constant 0 : i32
      %dma_wait3A_652 = arith.constant 0 : i32
      %dma_wait3A_653 = tpu.memref_slice %arg14[%dma_wait3A_648, %dma_wait3A_649, %dma_wait3A_651, %dma_wait3A_652] : memref<2x4x64x64xf32, #tpu.memory_space<vmem>> -> memref<1x1x64x64xf32, #tpu.memory_space<vmem>>
      %dma_wait3A_654 = tpu.memref_squeeze %dma_wait3A_653 : memref<1x1x64x64xf32, #tpu.memory_space<vmem>> -> memref<64x64xf32, #tpu.memory_space<vmem>>
      %dma_wait3A_655 = arith.constant 384 : i32
      %dma_wait3A_656 = tpu.memref_slice %arg11[%dma_wait3A_647, %dma_wait3A_655] : memref<2x576xi32, #tpu.memory_space<vmem>> -> memref<1x64xi32, #tpu.memory_space<vmem>>
      %dma_wait3A_657 = tpu.memref_squeeze %dma_wait3A_656 : memref<1x64xi32, #tpu.memory_space<vmem>> -> memref<64xi32, #tpu.memory_space<vmem>>
      %dma_wait3A_658 = arith.constant 0 : i32
      %dma_wait3A_659 = arith.constant 0 : i32
      %dma_wait3A_660 = tpu.memref_slice %arg3[%dma_wait3A_658, %dma_wait3A_659] : memref<100000x64xf32, #tpu.memory_space<hbm>> -> memref<100000x64xf32, #tpu.memory_space<hbm>>
      %dma_wait3A_661 = tpu.memref_slice %arg21[%dma_wait3A_650] : memref<2x!tpu.dma_semaphore, #tpu.memory_space<semaphore_mem>> -> memref<1x!tpu.dma_semaphore, #tpu.memory_space<semaphore_mem>>
      %dma_wait3A_662 = tpu.memref_squeeze %dma_wait3A_661 : memref<1x!tpu.dma_semaphore, #tpu.memory_space<semaphore_mem>> -> memref<!tpu.dma_semaphore, #tpu.memory_space<semaphore_mem>>
      tpu.wait_indirect_dma semaphore(%dma_wait3A_662 : memref<!tpu.dma_semaphore, #tpu.memory_space<semaphore_mem>>) src(%dma_wait3A_660 : memref<100000x64xf32, #tpu.memory_space<hbm>>) dst(%dma_wait3A_654 : memref<64x64xf32, #tpu.memory_space<vmem>>)
      %dma_wait3A_663 = arith.constant 1 : i32
      %dma_wait3A_664 = arith.constant 1 : i32
      %dma_wait3A_665 = arith.constant 3 : i32
      %dma_wait3A_666 = arith.constant 1 : i32
      %dma_wait3A_667 = arith.constant 0 : i32
      %dma_wait3A_668 = arith.constant 0 : i32
      %dma_wait3A_669 = tpu.memref_slice %arg14[%dma_wait3A_664, %dma_wait3A_665, %dma_wait3A_667, %dma_wait3A_668] : memref<2x4x64x64xf32, #tpu.memory_space<vmem>> -> memref<1x1x64x64xf32, #tpu.memory_space<vmem>>
      %dma_wait3A_670 = tpu.memref_squeeze %dma_wait3A_669 : memref<1x1x64x64xf32, #tpu.memory_space<vmem>> -> memref<64x64xf32, #tpu.memory_space<vmem>>
      %dma_wait3A_671 = arith.constant 448 : i32
      %dma_wait3A_672 = tpu.memref_slice %arg11[%dma_wait3A_663, %dma_wait3A_671] : memref<2x576xi32, #tpu.memory_space<vmem>> -> memref<1x64xi32, #tpu.memory_space<vmem>>
      %dma_wait3A_673 = tpu.memref_squeeze %dma_wait3A_672 : memref<1x64xi32, #tpu.memory_space<vmem>> -> memref<64xi32, #tpu.memory_space<vmem>>
      %dma_wait3A_674 = arith.constant 0 : i32
      %dma_wait3A_675 = arith.constant 0 : i32
      %dma_wait3A_676 = tpu.memref_slice %arg3[%dma_wait3A_674, %dma_wait3A_675] : memref<100000x64xf32, #tpu.memory_space<hbm>> -> memref<100000x64xf32, #tpu.memory_space<hbm>>
      %dma_wait3A_677 = tpu.memref_slice %arg21[%dma_wait3A_666] : memref<2x!tpu.dma_semaphore, #tpu.memory_space<semaphore_mem>> -> memref<1x!tpu.dma_semaphore, #tpu.memory_space<semaphore_mem>>
      %dma_wait3A_678 = tpu.memref_squeeze %dma_wait3A_677 : memref<1x!tpu.dma_semaphore, #tpu.memory_space<semaphore_mem>> -> memref<!tpu.dma_semaphore, #tpu.memory_space<semaphore_mem>>
      tpu.wait_indirect_dma semaphore(%dma_wait3A_678 : memref<!tpu.dma_semaphore, #tpu.memory_space<semaphore_mem>>) src(%dma_wait3A_676 : memref<100000x64xf32, #tpu.memory_space<hbm>>) dst(%dma_wait3A_670 : memref<64x64xf32, #tpu.memory_space<vmem>>)
      %get3A_679 = arith.constant 1 : i32
      %get3A_680 = arith.index_cast %get3A_679 : i32 to index
      %get3A_681 = arith.constant 512 : index
      %get3A_682 = tpu.vector_load %arg11[%get3A_680, %get3A_681] {strides = array<i32>} : memref<2x576xi32, #tpu.memory_space<vmem>>, vector<16xi32>,
      %eq3A_683 = arith.constant 0 : i32
      %eq3A_684 = vector.broadcast %eq3A_683 : i32 to vector<16xi32>
      %eq3A_685 = arith.cmpi eq, %get3A_682, %eq3A_684 : vector<16xi32>
      %jit3A_686 = arith.constant 1.000000e+00 : f32
      %jit3A_687 = arith.constant 0.000000e+00 : f32
      %broadcast_in_dim3A_688 = vector.broadcast %jit3A_686 : f32 to vector<16xf32>
      %broadcast_in_dim3A_689 = vector.broadcast %jit3A_687 : f32 to vector<16xf32>
      %select_n3A_690 = arith.select %eq3A_685, %broadcast_in_dim3A_688, %broadcast_in_dim3A_689 : vector<16xi1>, vector<16xf32>
      %swap3A_691 = arith.constant 1 : i32
      %swap3A_692 = arith.index_cast %swap3A_691 : i32 to index
      %swap3A_693 = arith.constant 0 : index
      %swap3A_694 = tpu.vector_load %arg19[%swap3A_692, %swap3A_693] {strides = array<i32>} : memref<2x64xf32, #tpu.memory_space<vmem>>, vector<16xf32>,
      tpu.vector_store %arg19[%swap3A_692, %swap3A_693], %select_n3A_690 {strides = array<i32>} : memref<2x64xf32, #tpu.memory_space<vmem>>, vector<16xf32>,
      %get3A_695 = arith.constant 1 : i32
      %get3A_696 = arith.index_cast %get3A_695 : i32 to index
      %get3A_697 = arith.constant 528 : index
      %get3A_698 = tpu.vector_load %arg11[%get3A_696, %get3A_697] {strides = array<i32>} : memref<2x576xi32, #tpu.memory_space<vmem>>, vector<16xi32>,
      %eq3A_699 = arith.constant 0 : i32
      %eq3A_700 = vector.broadcast %eq3A_699 : i32 to vector<16xi32>
      %eq3A_701 = arith.cmpi eq, %get3A_698, %eq3A_700 : vector<16xi32>
      %jit3A_702 = arith.constant 1.000000e+00 : f32
      %jit3A_703 = arith.constant 0.000000e+00 : f32
      %broadcast_in_dim3A_704 = vector.broadcast %jit3A_702 : f32 to vector<16xf32>
      %broadcast_in_dim3A_705 = vector.broadcast %jit3A_703 : f32 to vector<16xf32>
      %select_n3A_706 = arith.select %eq3A_701, %broadcast_in_dim3A_704, %broadcast_in_dim3A_705 : vector<16xi1>, vector<16xf32>
      %swap3A_707 = arith.constant 1 : i32
      %swap3A_708 = arith.index_cast %swap3A_707 : i32 to index
      %swap3A_709 = arith.constant 16 : index
      %swap3A_710 = tpu.vector_load %arg19[%swap3A_708, %swap3A_709] {strides = array<i32>} : memref<2x64xf32, #tpu.memory_space<vmem>>, vector<16xf32>,
      tpu.vector_store %arg19[%swap3A_708, %swap3A_709], %select_n3A_706 {strides = array<i32>} : memref<2x64xf32, #tpu.memory_space<vmem>>, vector<16xf32>,
      %get3A_711 = arith.constant 1 : i32
      %get3A_712 = arith.index_cast %get3A_711 : i32 to index
      %get3A_713 = arith.constant 544 : index
      %get3A_714 = tpu.vector_load %arg11[%get3A_712, %get3A_713] {strides = array<i32>} : memref<2x576xi32, #tpu.memory_space<vmem>>, vector<16xi32>,
      %eq3A_715 = arith.constant 0 : i32
      %eq3A_716 = vector.broadcast %eq3A_715 : i32 to vector<16xi32>
      %eq3A_717 = arith.cmpi eq, %get3A_714, %eq3A_716 : vector<16xi32>
      %jit3A_718 = arith.constant 1.000000e+00 : f32
      %jit3A_719 = arith.constant 0.000000e+00 : f32
      %broadcast_in_dim3A_720 = vector.broadcast %jit3A_718 : f32 to vector<16xf32>
      %broadcast_in_dim3A_721 = vector.broadcast %jit3A_719 : f32 to vector<16xf32>
      %select_n3A_722 = arith.select %eq3A_717, %broadcast_in_dim3A_720, %broadcast_in_dim3A_721 : vector<16xi1>, vector<16xf32>
      %swap3A_723 = arith.constant 1 : i32
      %swap3A_724 = arith.index_cast %swap3A_723 : i32 to index
      %swap3A_725 = arith.constant 32 : index
      %swap3A_726 = tpu.vector_load %arg19[%swap3A_724, %swap3A_725] {strides = array<i32>} : memref<2x64xf32, #tpu.memory_space<vmem>>, vector<16xf32>,
      tpu.vector_store %arg19[%swap3A_724, %swap3A_725], %select_n3A_722 {strides = array<i32>} : memref<2x64xf32, #tpu.memory_space<vmem>>, vector<16xf32>,
      %get3A_727 = arith.constant 1 : i32
      %get3A_728 = arith.index_cast %get3A_727 : i32 to index
      %get3A_729 = arith.constant 560 : index
      %get3A_730 = tpu.vector_load %arg11[%get3A_728, %get3A_729] {strides = array<i32>} : memref<2x576xi32, #tpu.memory_space<vmem>>, vector<16xi32>,
      %eq3A_731 = arith.constant 0 : i32
      %eq3A_732 = vector.broadcast %eq3A_731 : i32 to vector<16xi32>
      %eq3A_733 = arith.cmpi eq, %get3A_730, %eq3A_732 : vector<16xi32>
      %jit3A_734 = arith.constant 1.000000e+00 : f32
      %jit3A_735 = arith.constant 0.000000e+00 : f32
      %broadcast_in_dim3A_736 = vector.broadcast %jit3A_734 : f32 to vector<16xf32>
      %broadcast_in_dim3A_737 = vector.broadcast %jit3A_735 : f32 to vector<16xf32>
      %select_n3A_738 = arith.select %eq3A_733, %broadcast_in_dim3A_736, %broadcast_in_dim3A_737 : vector<16xi1>, vector<16xf32>
      %swap3A_739 = arith.constant 1 : i32
      %swap3A_740 = arith.index_cast %swap3A_739 : i32 to index
      %swap3A_741 = arith.constant 48 : index
      %swap3A_742 = tpu.vector_load %arg19[%swap3A_740, %swap3A_741] {strides = array<i32>} : memref<2x64xf32, #tpu.memory_space<vmem>>, vector<16xf32>,
      tpu.vector_store %arg19[%swap3A_740, %swap3A_741], %select_n3A_738 {strides = array<i32>} : memref<2x64xf32, #tpu.memory_space<vmem>>, vector<16xf32>,
      %parallel_loop3A_743 = arith.constant 0 : i32
      %parallel_loop3A_744 = arith.constant 64 : i32
      %parallel_loop3A_745 = arith.constant 1 : i32
      scf.for %parallel_loop3A_859 = %parallel_loop3A_743 to %parallel_loop3A_744 step %parallel_loop3A_745  : i32 {
        %parallel_loop3A_860 = arith.constant 1 : i32
        %parallel_loop3A_861 = arith.index_cast %parallel_loop3A_860 : i32 to index
        %parallel_loop3A_862 = arith.index_cast %parallel_loop3A_859 : i32 to index
        %parallel_loop3A_863 = arith.constant 0 : index
        %parallel_loop3A_864 = tpu.vector_load %arg12[%parallel_loop3A_861, %parallel_loop3A_862, %parallel_loop3A_863] {strides = array<i32>} : memref<2x64x64xf32, #tpu.memory_space<vmem>>, vector<16xf32>,
        %parallel_loop3A_865 = arith.constant 1 : i32
        %parallel_loop3A_866 = arith.index_cast %parallel_loop3A_865 : i32 to index
        %parallel_loop3A_867 = arith.index_cast %parallel_loop3A_859 : i32 to index
        %parallel_loop3A_868 = arith.constant 0 : index
        %parallel_loop3A_869 = tpu.vector_load %arg17[%parallel_loop3A_866, %parallel_loop3A_867, %parallel_loop3A_868] {strides = array<i32>} : memref<2x64x128xf32, #tpu.memory_space<vmem>>, vector<16xf32>,
        tpu.vector_store %arg17[%parallel_loop3A_866, %parallel_loop3A_867, %parallel_loop3A_868], %parallel_loop3A_864 {strides = array<i32>} : memref<2x64x128xf32, #tpu.memory_space<vmem>>, vector<16xf32>,
        %parallel_loop3A_870 = arith.constant 1 : i32
        %parallel_loop3A_871 = arith.index_cast %parallel_loop3A_870 : i32 to index
        %parallel_loop3A_872 = arith.index_cast %parallel_loop3A_859 : i32 to index
        %parallel_loop3A_873 = arith.constant 0 : index
        %parallel_loop3A_874 = tpu.vector_load %arg13[%parallel_loop3A_871, %parallel_loop3A_872, %parallel_loop3A_873] {strides = array<i32>} : memref<2x64x64xf32, #tpu.memory_space<vmem>>, vector<16xf32>,
        %parallel_loop3A_875 = arith.constant 1 : i32
        %parallel_loop3A_876 = arith.index_cast %parallel_loop3A_875 : i32 to index
        %parallel_loop3A_877 = arith.index_cast %parallel_loop3A_859 : i32 to index
        %parallel_loop3A_878 = arith.constant 64 : index
        %parallel_loop3A_879 = tpu.vector_load %arg17[%parallel_loop3A_876, %parallel_loop3A_877, %parallel_loop3A_878] {strides = array<i32>} : memref<2x64x128xf32, #tpu.memory_space<vmem>>, vector<16xf32>,
        tpu.vector_store %arg17[%parallel_loop3A_876, %parallel_loop3A_877, %parallel_loop3A_878], %parallel_loop3A_874 {strides = array<i32>} : memref<2x64x128xf32, #tpu.memory_space<vmem>>, vector<16xf32>,
        %parallel_loop3A_880 = arith.constant 1 : i32
        %parallel_loop3A_881 = arith.constant 0 : i32
        %parallel_loop3A_882 = arith.index_cast %parallel_loop3A_880 : i32 to index
        %parallel_loop3A_883 = arith.index_cast %parallel_loop3A_881 : i32 to index
        %parallel_loop3A_884 = arith.index_cast %parallel_loop3A_859 : i32 to index
        %parallel_loop3A_885 = arith.constant 0 : index
        %parallel_loop3A_886 = tpu.vector_load %arg14[%parallel_loop3A_882, %parallel_loop3A_883, %parallel_loop3A_884, %parallel_loop3A_885] {strides = array<i32>} : memref<2x4x64x64xf32, #tpu.memory_space<vmem>>, vector<16xf32>,
        %parallel_loop3A_887 = arith.constant 1 : i32
        %parallel_loop3A_888 = arith.constant 1 : i32
        %parallel_loop3A_889 = arith.index_cast %parallel_loop3A_887 : i32 to index
        %parallel_loop3A_890 = arith.index_cast %parallel_loop3A_888 : i32 to index
        %parallel_loop3A_891 = arith.index_cast %parallel_loop3A_859 : i32 to index
        %parallel_loop3A_892 = arith.constant 0 : index
        %parallel_loop3A_893 = tpu.vector_load %arg14[%parallel_loop3A_889, %parallel_loop3A_890, %parallel_loop3A_891, %parallel_loop3A_892] {strides = array<i32>} : memref<2x4x64x64xf32, #tpu.memory_space<vmem>>, vector<16xf32>,
        %parallel_loop3A_894 = arith.addf %parallel_loop3A_886, %parallel_loop3A_893 : vector<16xf32>
        %parallel_loop3A_895 = arith.constant 1 : i32
        %parallel_loop3A_896 = arith.constant 2 : i32
        %parallel_loop3A_897 = arith.index_cast %parallel_loop3A_895 : i32 to index
        %parallel_loop3A_898 = arith.index_cast %parallel_loop3A_896 : i32 to index
        %parallel_loop3A_899 = arith.index_cast %parallel_loop3A_859 : i32 to index
        %parallel_loop3A_900 = arith.constant 0 : index
        %parallel_loop3A_901 = tpu.vector_load %arg14[%parallel_loop3A_897, %parallel_loop3A_898, %parallel_loop3A_899, %parallel_loop3A_900] {strides = array<i32>} : memref<2x4x64x64xf32, #tpu.memory_space<vmem>>, vector<16xf32>,
        %parallel_loop3A_902 = arith.addf %parallel_loop3A_894, %parallel_loop3A_901 : vector<16xf32>
        %parallel_loop3A_903 = arith.constant 1 : i32
        %parallel_loop3A_904 = arith.constant 3 : i32
        %parallel_loop3A_905 = arith.index_cast %parallel_loop3A_903 : i32 to index
        %parallel_loop3A_906 = arith.index_cast %parallel_loop3A_904 : i32 to index
        %parallel_loop3A_907 = arith.index_cast %parallel_loop3A_859 : i32 to index
        %parallel_loop3A_908 = arith.constant 0 : index
        %parallel_loop3A_909 = tpu.vector_load %arg14[%parallel_loop3A_905, %parallel_loop3A_906, %parallel_loop3A_907, %parallel_loop3A_908] {strides = array<i32>} : memref<2x4x64x64xf32, #tpu.memory_space<vmem>>, vector<16xf32>,
        %parallel_loop3A_910 = arith.addf %parallel_loop3A_902, %parallel_loop3A_909 : vector<16xf32>
        %parallel_loop3A_911 = arith.constant 1 : i32
        %parallel_loop3A_912 = arith.index_cast %parallel_loop3A_911 : i32 to index
        %parallel_loop3A_913 = arith.index_cast %parallel_loop3A_859 : i32 to index
        %parallel_loop3A_914 = arith.constant 0 : index
        %parallel_loop3A_915 = tpu.vector_load %arg18[%parallel_loop3A_912, %parallel_loop3A_913, %parallel_loop3A_914] {strides = array<i32>} : memref<2x64x128xf32, #tpu.memory_space<vmem>>, vector<16xf32>,
        tpu.vector_store %arg18[%parallel_loop3A_912, %parallel_loop3A_913, %parallel_loop3A_914], %parallel_loop3A_910 {strides = array<i32>} : memref<2x64x128xf32, #tpu.memory_space<vmem>>, vector<16xf32>,
        %parallel_loop3A_916 = arith.constant 1 : i32
        %parallel_loop3A_917 = arith.index_cast %parallel_loop3A_916 : i32 to index
        %parallel_loop3A_918 = arith.index_cast %parallel_loop3A_859 : i32 to index
        %parallel_loop3A_919 = arith.constant 16 : index
        %parallel_loop3A_920 = tpu.vector_load %arg12[%parallel_loop3A_917, %parallel_loop3A_918, %parallel_loop3A_919] {strides = array<i32>} : memref<2x64x64xf32, #tpu.memory_space<vmem>>, vector<16xf32>,
        %parallel_loop3A_921 = arith.constant 1 : i32
        %parallel_loop3A_922 = arith.index_cast %parallel_loop3A_921 : i32 to index
        %parallel_loop3A_923 = arith.index_cast %parallel_loop3A_859 : i32 to index
        %parallel_loop3A_924 = arith.constant 16 : index
        %parallel_loop3A_925 = tpu.vector_load %arg17[%parallel_loop3A_922, %parallel_loop3A_923, %parallel_loop3A_924] {strides = array<i32>} : memref<2x64x128xf32, #tpu.memory_space<vmem>>, vector<16xf32>,
        tpu.vector_store %arg17[%parallel_loop3A_922, %parallel_loop3A_923, %parallel_loop3A_924], %parallel_loop3A_920 {strides = array<i32>} : memref<2x64x128xf32, #tpu.memory_space<vmem>>, vector<16xf32>,
        %parallel_loop3A_926 = arith.constant 1 : i32
        %parallel_loop3A_927 = arith.index_cast %parallel_loop3A_926 : i32 to index
        %parallel_loop3A_928 = arith.index_cast %parallel_loop3A_859 : i32 to index
        %parallel_loop3A_929 = arith.constant 16 : index
        %parallel_loop3A_930 = tpu.vector_load %arg13[%parallel_loop3A_927, %parallel_loop3A_928, %parallel_loop3A_929] {strides = array<i32>} : memref<2x64x64xf32, #tpu.memory_space<vmem>>, vector<16xf32>,
        %parallel_loop3A_931 = arith.constant 1 : i32
        %parallel_loop3A_932 = arith.index_cast %parallel_loop3A_931 : i32 to index
        %parallel_loop3A_933 = arith.index_cast %parallel_loop3A_859 : i32 to index
        %parallel_loop3A_934 = arith.constant 80 : index
        %parallel_loop3A_935 = tpu.vector_load %arg17[%parallel_loop3A_932, %parallel_loop3A_933, %parallel_loop3A_934] {strides = array<i32>} : memref<2x64x128xf32, #tpu.memory_space<vmem>>, vector<16xf32>,
        tpu.vector_store %arg17[%parallel_loop3A_932, %parallel_loop3A_933, %parallel_loop3A_934], %parallel_loop3A_930 {strides = array<i32>} : memref<2x64x128xf32, #tpu.memory_space<vmem>>, vector<16xf32>,
        %parallel_loop3A_936 = arith.constant 1 : i32
        %parallel_loop3A_937 = arith.constant 0 : i32
        %parallel_loop3A_938 = arith.index_cast %parallel_loop3A_936 : i32 to index
        %parallel_loop3A_939 = arith.index_cast %parallel_loop3A_937 : i32 to index
        %parallel_loop3A_940 = arith.index_cast %parallel_loop3A_859 : i32 to index
        %parallel_loop3A_941 = arith.constant 16 : index
        %parallel_loop3A_942 = tpu.vector_load %arg14[%parallel_loop3A_938, %parallel_loop3A_939, %parallel_loop3A_940, %parallel_loop3A_941] {strides = array<i32>} : memref<2x4x64x64xf32, #tpu.memory_space<vmem>>, vector<16xf32>,
        %parallel_loop3A_943 = arith.constant 1 : i32
        %parallel_loop3A_944 = arith.constant 1 : i32
        %parallel_loop3A_945 = arith.index_cast %parallel_loop3A_943 : i32 to index
        %parallel_loop3A_946 = arith.index_cast %parallel_loop3A_944 : i32 to index
        %parallel_loop3A_947 = arith.index_cast %parallel_loop3A_859 : i32 to index
        %parallel_loop3A_948 = arith.constant 16 : index
        %parallel_loop3A_949 = tpu.vector_load %arg14[%parallel_loop3A_945, %parallel_loop3A_946, %parallel_loop3A_947, %parallel_loop3A_948] {strides = array<i32>} : memref<2x4x64x64xf32, #tpu.memory_space<vmem>>, vector<16xf32>,
        %parallel_loop3A_950 = arith.addf %parallel_loop3A_942, %parallel_loop3A_949 : vector<16xf32>
        %parallel_loop3A_951 = arith.constant 1 : i32
        %parallel_loop3A_952 = arith.constant 2 : i32
        %parallel_loop3A_953 = arith.index_cast %parallel_loop3A_951 : i32 to index
        %parallel_loop3A_954 = arith.index_cast %parallel_loop3A_952 : i32 to index
        %parallel_loop3A_955 = arith.index_cast %parallel_loop3A_859 : i32 to index
        %parallel_loop3A_956 = arith.constant 16 : index
        %parallel_loop3A_957 = tpu.vector_load %arg14[%parallel_loop3A_953, %parallel_loop3A_954, %parallel_loop3A_955, %parallel_loop3A_956] {strides = array<i32>} : memref<2x4x64x64xf32, #tpu.memory_space<vmem>>, vector<16xf32>,
        %parallel_loop3A_958 = arith.addf %parallel_loop3A_950, %parallel_loop3A_957 : vector<16xf32>
        %parallel_loop3A_959 = arith.constant 1 : i32
        %parallel_loop3A_960 = arith.constant 3 : i32
        %parallel_loop3A_961 = arith.index_cast %parallel_loop3A_959 : i32 to index
        %parallel_loop3A_962 = arith.index_cast %parallel_loop3A_960 : i32 to index
        %parallel_loop3A_963 = arith.index_cast %parallel_loop3A_859 : i32 to index
        %parallel_loop3A_964 = arith.constant 16 : index
        %parallel_loop3A_965 = tpu.vector_load %arg14[%parallel_loop3A_961, %parallel_loop3A_962, %parallel_loop3A_963, %parallel_loop3A_964] {strides = array<i32>} : memref<2x4x64x64xf32, #tpu.memory_space<vmem>>, vector<16xf32>,
        %parallel_loop3A_966 = arith.addf %parallel_loop3A_958, %parallel_loop3A_965 : vector<16xf32>
        %parallel_loop3A_967 = arith.constant 1 : i32
        %parallel_loop3A_968 = arith.index_cast %parallel_loop3A_967 : i32 to index
        %parallel_loop3A_969 = arith.index_cast %parallel_loop3A_859 : i32 to index
        %parallel_loop3A_970 = arith.constant 16 : index
        %parallel_loop3A_971 = tpu.vector_load %arg18[%parallel_loop3A_968, %parallel_loop3A_969, %parallel_loop3A_970] {strides = array<i32>} : memref<2x64x128xf32, #tpu.memory_space<vmem>>, vector<16xf32>,
        tpu.vector_store %arg18[%parallel_loop3A_968, %parallel_loop3A_969, %parallel_loop3A_970], %parallel_loop3A_966 {strides = array<i32>} : memref<2x64x128xf32, #tpu.memory_space<vmem>>, vector<16xf32>,
        %parallel_loop3A_972 = arith.constant 1 : i32
        %parallel_loop3A_973 = arith.index_cast %parallel_loop3A_972 : i32 to index
        %parallel_loop3A_974 = arith.index_cast %parallel_loop3A_859 : i32 to index
        %parallel_loop3A_975 = arith.constant 32 : index
        %parallel_loop3A_976 = tpu.vector_load %arg12[%parallel_loop3A_973, %parallel_loop3A_974, %parallel_loop3A_975] {strides = array<i32>} : memref<2x64x64xf32, #tpu.memory_space<vmem>>, vector<16xf32>,
        %parallel_loop3A_977 = arith.constant 1 : i32
        %parallel_loop3A_978 = arith.index_cast %parallel_loop3A_977 : i32 to index
        %parallel_loop3A_979 = arith.index_cast %parallel_loop3A_859 : i32 to index
        %parallel_loop3A_980 = arith.constant 32 : index
        %parallel_loop3A_981 = tpu.vector_load %arg17[%parallel_loop3A_978, %parallel_loop3A_979, %parallel_loop3A_980] {strides = array<i32>} : memref<2x64x128xf32, #tpu.memory_space<vmem>>, vector<16xf32>,
        tpu.vector_store %arg17[%parallel_loop3A_978, %parallel_loop3A_979, %parallel_loop3A_980], %parallel_loop3A_976 {strides = array<i32>} : memref<2x64x128xf32, #tpu.memory_space<vmem>>, vector<16xf32>,
        %parallel_loop3A_982 = arith.constant 1 : i32
        %parallel_loop3A_983 = arith.index_cast %parallel_loop3A_982 : i32 to index
        %parallel_loop3A_984 = arith.index_cast %parallel_loop3A_859 : i32 to index
        %parallel_loop3A_985 = arith.constant 32 : index
        %parallel_loop3A_986 = tpu.vector_load %arg13[%parallel_loop3A_983, %parallel_loop3A_984, %parallel_loop3A_985] {strides = array<i32>} : memref<2x64x64xf32, #tpu.memory_space<vmem>>, vector<16xf32>,
        %parallel_loop3A_987 = arith.constant 1 : i32
        %parallel_loop3A_988 = arith.index_cast %parallel_loop3A_987 : i32 to index
        %parallel_loop3A_989 = arith.index_cast %parallel_loop3A_859 : i32 to index
        %parallel_loop3A_990 = arith.constant 96 : index
        %parallel_loop3A_991 = tpu.vector_load %arg17[%parallel_loop3A_988, %parallel_loop3A_989, %parallel_loop3A_990] {strides = array<i32>} : memref<2x64x128xf32, #tpu.memory_space<vmem>>, vector<16xf32>,
        tpu.vector_store %arg17[%parallel_loop3A_988, %parallel_loop3A_989, %parallel_loop3A_990], %parallel_loop3A_986 {strides = array<i32>} : memref<2x64x128xf32, #tpu.memory_space<vmem>>, vector<16xf32>,
        %parallel_loop3A_992 = arith.constant 1 : i32
        %parallel_loop3A_993 = arith.constant 0 : i32
        %parallel_loop3A_994 = arith.index_cast %parallel_loop3A_992 : i32 to index
        %parallel_loop3A_995 = arith.index_cast %parallel_loop3A_993 : i32 to index
        %parallel_loop3A_996 = arith.index_cast %parallel_loop3A_859 : i32 to index
        %parallel_loop3A_997 = arith.constant 32 : index
        %parallel_loop3A_998 = tpu.vector_load %arg14[%parallel_loop3A_994, %parallel_loop3A_995, %parallel_loop3A_996, %parallel_loop3A_997] {strides = array<i32>} : memref<2x4x64x64xf32, #tpu.memory_space<vmem>>, vector<16xf32>,
        %parallel_loop3A_999 = arith.constant 1 : i32
        %parallel_loop3A_1000 = arith.constant 1 : i32
        %parallel_loop3A_1001 = arith.index_cast %parallel_loop3A_999 : i32 to index
        %parallel_loop3A_1002 = arith.index_cast %parallel_loop3A_1000 : i32 to index
        %parallel_loop3A_1003 = arith.index_cast %parallel_loop3A_859 : i32 to index
        %parallel_loop3A_1004 = arith.constant 32 : index
        %parallel_loop3A_1005 = tpu.vector_load %arg14[%parallel_loop3A_1001, %parallel_loop3A_1002, %parallel_loop3A_1003, %parallel_loop3A_1004] {strides = array<i32>} : memref<2x4x64x64xf32, #tpu.memory_space<vmem>>, vector<16xf32>,
        %parallel_loop3A_1006 = arith.addf %parallel_loop3A_998, %parallel_loop3A_1005 : vector<16xf32>
        %parallel_loop3A_1007 = arith.constant 1 : i32
        %parallel_loop3A_1008 = arith.constant 2 : i32
        %parallel_loop3A_1009 = arith.index_cast %parallel_loop3A_1007 : i32 to index
        %parallel_loop3A_1010 = arith.index_cast %parallel_loop3A_1008 : i32 to index
        %parallel_loop3A_1011 = arith.index_cast %parallel_loop3A_859 : i32 to index
        %parallel_loop3A_1012 = arith.constant 32 : index
        %parallel_loop3A_1013 = tpu.vector_load %arg14[%parallel_loop3A_1009, %parallel_loop3A_1010, %parallel_loop3A_1011, %parallel_loop3A_1012] {strides = array<i32>} : memref<2x4x64x64xf32, #tpu.memory_space<vmem>>, vector<16xf32>,
        %parallel_loop3A_1014 = arith.addf %parallel_loop3A_1006, %parallel_loop3A_1013 : vector<16xf32>
        %parallel_loop3A_1015 = arith.constant 1 : i32
        %parallel_loop3A_1016 = arith.constant 3 : i32
        %parallel_loop3A_1017 = arith.index_cast %parallel_loop3A_1015 : i32 to index
        %parallel_loop3A_1018 = arith.index_cast %parallel_loop3A_1016 : i32 to index
        %parallel_loop3A_1019 = arith.index_cast %parallel_loop3A_859 : i32 to index
        %parallel_loop3A_1020 = arith.constant 32 : index
        %parallel_loop3A_1021 = tpu.vector_load %arg14[%parallel_loop3A_1017, %parallel_loop3A_1018, %parallel_loop3A_1019, %parallel_loop3A_1020] {strides = array<i32>} : memref<2x4x64x64xf32, #tpu.memory_space<vmem>>, vector<16xf32>,
        %parallel_loop3A_1022 = arith.addf %parallel_loop3A_1014, %parallel_loop3A_1021 : vector<16xf32>
        %parallel_loop3A_1023 = arith.constant 1 : i32
        %parallel_loop3A_1024 = arith.index_cast %parallel_loop3A_1023 : i32 to index
        %parallel_loop3A_1025 = arith.index_cast %parallel_loop3A_859 : i32 to index
        %parallel_loop3A_1026 = arith.constant 32 : index
        %parallel_loop3A_1027 = tpu.vector_load %arg18[%parallel_loop3A_1024, %parallel_loop3A_1025, %parallel_loop3A_1026] {strides = array<i32>} : memref<2x64x128xf32, #tpu.memory_space<vmem>>, vector<16xf32>,
        tpu.vector_store %arg18[%parallel_loop3A_1024, %parallel_loop3A_1025, %parallel_loop3A_1026], %parallel_loop3A_1022 {strides = array<i32>} : memref<2x64x128xf32, #tpu.memory_space<vmem>>, vector<16xf32>,
        %parallel_loop3A_1028 = arith.constant 1 : i32
        %parallel_loop3A_1029 = arith.index_cast %parallel_loop3A_1028 : i32 to index
        %parallel_loop3A_1030 = arith.index_cast %parallel_loop3A_859 : i32 to index
        %parallel_loop3A_1031 = arith.constant 48 : index
        %parallel_loop3A_1032 = tpu.vector_load %arg12[%parallel_loop3A_1029, %parallel_loop3A_1030, %parallel_loop3A_1031] {strides = array<i32>} : memref<2x64x64xf32, #tpu.memory_space<vmem>>, vector<16xf32>,
        %parallel_loop3A_1033 = arith.constant 1 : i32
        %parallel_loop3A_1034 = arith.index_cast %parallel_loop3A_1033 : i32 to index
        %parallel_loop3A_1035 = arith.index_cast %parallel_loop3A_859 : i32 to index
        %parallel_loop3A_1036 = arith.constant 48 : index
        %parallel_loop3A_1037 = tpu.vector_load %arg17[%parallel_loop3A_1034, %parallel_loop3A_1035, %parallel_loop3A_1036] {strides = array<i32>} : memref<2x64x128xf32, #tpu.memory_space<vmem>>, vector<16xf32>,
        tpu.vector_store %arg17[%parallel_loop3A_1034, %parallel_loop3A_1035, %parallel_loop3A_1036], %parallel_loop3A_1032 {strides = array<i32>} : memref<2x64x128xf32, #tpu.memory_space<vmem>>, vector<16xf32>,
        %parallel_loop3A_1038 = arith.constant 1 : i32
        %parallel_loop3A_1039 = arith.index_cast %parallel_loop3A_1038 : i32 to index
        %parallel_loop3A_1040 = arith.index_cast %parallel_loop3A_859 : i32 to index
        %parallel_loop3A_1041 = arith.constant 48 : index
        %parallel_loop3A_1042 = tpu.vector_load %arg13[%parallel_loop3A_1039, %parallel_loop3A_1040, %parallel_loop3A_1041] {strides = array<i32>} : memref<2x64x64xf32, #tpu.memory_space<vmem>>, vector<16xf32>,
        %parallel_loop3A_1043 = arith.constant 1 : i32
        %parallel_loop3A_1044 = arith.index_cast %parallel_loop3A_1043 : i32 to index
        %parallel_loop3A_1045 = arith.index_cast %parallel_loop3A_859 : i32 to index
        %parallel_loop3A_1046 = arith.constant 112 : index
        %parallel_loop3A_1047 = tpu.vector_load %arg17[%parallel_loop3A_1044, %parallel_loop3A_1045, %parallel_loop3A_1046] {strides = array<i32>} : memref<2x64x128xf32, #tpu.memory_space<vmem>>, vector<16xf32>,
        tpu.vector_store %arg17[%parallel_loop3A_1044, %parallel_loop3A_1045, %parallel_loop3A_1046], %parallel_loop3A_1042 {strides = array<i32>} : memref<2x64x128xf32, #tpu.memory_space<vmem>>, vector<16xf32>,
        %parallel_loop3A_1048 = arith.constant 1 : i32
        %parallel_loop3A_1049 = arith.constant 0 : i32
        %parallel_loop3A_1050 = arith.index_cast %parallel_loop3A_1048 : i32 to index
        %parallel_loop3A_1051 = arith.index_cast %parallel_loop3A_1049 : i32 to index
        %parallel_loop3A_1052 = arith.index_cast %parallel_loop3A_859 : i32 to index
        %parallel_loop3A_1053 = arith.constant 48 : index
        %parallel_loop3A_1054 = tpu.vector_load %arg14[%parallel_loop3A_1050, %parallel_loop3A_1051, %parallel_loop3A_1052, %parallel_loop3A_1053] {strides = array<i32>} : memref<2x4x64x64xf32, #tpu.memory_space<vmem>>, vector<16xf32>,
        %parallel_loop3A_1055 = arith.constant 1 : i32
        %parallel_loop3A_1056 = arith.constant 1 : i32
        %parallel_loop3A_1057 = arith.index_cast %parallel_loop3A_1055 : i32 to index
        %parallel_loop3A_1058 = arith.index_cast %parallel_loop3A_1056 : i32 to index
        %parallel_loop3A_1059 = arith.index_cast %parallel_loop3A_859 : i32 to index
        %parallel_loop3A_1060 = arith.constant 48 : index
        %parallel_loop3A_1061 = tpu.vector_load %arg14[%parallel_loop3A_1057, %parallel_loop3A_1058, %parallel_loop3A_1059, %parallel_loop3A_1060] {strides = array<i32>} : memref<2x4x64x64xf32, #tpu.memory_space<vmem>>, vector<16xf32>,
        %parallel_loop3A_1062 = arith.addf %parallel_loop3A_1054, %parallel_loop3A_1061 : vector<16xf32>
        %parallel_loop3A_1063 = arith.constant 1 : i32
        %parallel_loop3A_1064 = arith.constant 2 : i32
        %parallel_loop3A_1065 = arith.index_cast %parallel_loop3A_1063 : i32 to index
        %parallel_loop3A_1066 = arith.index_cast %parallel_loop3A_1064 : i32 to index
        %parallel_loop3A_1067 = arith.index_cast %parallel_loop3A_859 : i32 to index
        %parallel_loop3A_1068 = arith.constant 48 : index
        %parallel_loop3A_1069 = tpu.vector_load %arg14[%parallel_loop3A_1065, %parallel_loop3A_1066, %parallel_loop3A_1067, %parallel_loop3A_1068] {strides = array<i32>} : memref<2x4x64x64xf32, #tpu.memory_space<vmem>>, vector<16xf32>,
        %parallel_loop3A_1070 = arith.addf %parallel_loop3A_1062, %parallel_loop3A_1069 : vector<16xf32>
        %parallel_loop3A_1071 = arith.constant 1 : i32
        %parallel_loop3A_1072 = arith.constant 3 : i32
        %parallel_loop3A_1073 = arith.index_cast %parallel_loop3A_1071 : i32 to index
        %parallel_loop3A_1074 = arith.index_cast %parallel_loop3A_1072 : i32 to index
        %parallel_loop3A_1075 = arith.index_cast %parallel_loop3A_859 : i32 to index
        %parallel_loop3A_1076 = arith.constant 48 : index
        %parallel_loop3A_1077 = tpu.vector_load %arg14[%parallel_loop3A_1073, %parallel_loop3A_1074, %parallel_loop3A_1075, %parallel_loop3A_1076] {strides = array<i32>} : memref<2x4x64x64xf32, #tpu.memory_space<vmem>>, vector<16xf32>,
        %parallel_loop3A_1078 = arith.addf %parallel_loop3A_1070, %parallel_loop3A_1077 : vector<16xf32>
        %parallel_loop3A_1079 = arith.constant 1 : i32
        %parallel_loop3A_1080 = arith.index_cast %parallel_loop3A_1079 : i32 to index
        %parallel_loop3A_1081 = arith.index_cast %parallel_loop3A_859 : i32 to index
        %parallel_loop3A_1082 = arith.constant 48 : index
        %parallel_loop3A_1083 = tpu.vector_load %arg18[%parallel_loop3A_1080, %parallel_loop3A_1081, %parallel_loop3A_1082] {strides = array<i32>} : memref<2x64x128xf32, #tpu.memory_space<vmem>>, vector<16xf32>,
        tpu.vector_store %arg18[%parallel_loop3A_1080, %parallel_loop3A_1081, %parallel_loop3A_1082], %parallel_loop3A_1078 {strides = array<i32>} : memref<2x64x128xf32, #tpu.memory_space<vmem>>, vector<16xf32>,
        %parallel_loop3A_1084 = arith.constant 1 : i32
        %parallel_loop3A_1085 = arith.index_cast %parallel_loop3A_1084 : i32 to index
        %parallel_loop3A_1086 = arith.index_cast %parallel_loop3A_859 : i32 to index
        %parallel_loop3A_1087 = arith.constant 0 : index
        %parallel_loop3A_1088 = tpu.vector_load %arg15[%parallel_loop3A_1085, %parallel_loop3A_1086, %parallel_loop3A_1087] {strides = array<i32>} : memref<2x64x16xf32, #tpu.memory_space<vmem>>, vector<16xf32>,
        %parallel_loop3A_1089 = arith.constant 1 : i32
        %parallel_loop3A_1090 = arith.index_cast %parallel_loop3A_1089 : i32 to index
        %parallel_loop3A_1091 = arith.index_cast %parallel_loop3A_859 : i32 to index
        %parallel_loop3A_1092 = arith.constant 64 : index
        %parallel_loop3A_1093 = tpu.vector_load %arg18[%parallel_loop3A_1090, %parallel_loop3A_1091, %parallel_loop3A_1092] {strides = array<i32>} : memref<2x64x128xf32, #tpu.memory_space<vmem>>, vector<16xf32>,
        tpu.vector_store %arg18[%parallel_loop3A_1090, %parallel_loop3A_1091, %parallel_loop3A_1092], %parallel_loop3A_1088 {strides = array<i32>} : memref<2x64x128xf32, #tpu.memory_space<vmem>>, vector<16xf32>,
        %parallel_loop3A_1094 = arith.constant 1 : i32
        %parallel_loop3A_1095 = arith.index_cast %parallel_loop3A_1094 : i32 to index
        %parallel_loop3A_1096 = arith.index_cast %parallel_loop3A_859 : i32 to index
        %parallel_loop3A_1097 = arith.constant 0 : index
        %parallel_loop3A_1098 = tpu.vector_load %arg16[%parallel_loop3A_1095, %parallel_loop3A_1096, %parallel_loop3A_1097] {strides = array<i32>} : memref<2x64x16xf32, #tpu.memory_space<vmem>>, vector<16xf32>,
        %parallel_loop3A_1099 = arith.constant 1 : i32
        %parallel_loop3A_1100 = arith.index_cast %parallel_loop3A_1099 : i32 to index
        %parallel_loop3A_1101 = arith.index_cast %parallel_loop3A_859 : i32 to index
        %parallel_loop3A_1102 = arith.constant 80 : index
        %parallel_loop3A_1103 = tpu.vector_load %arg18[%parallel_loop3A_1100, %parallel_loop3A_1101, %parallel_loop3A_1102] {strides = array<i32>} : memref<2x64x128xf32, #tpu.memory_space<vmem>>, vector<16xf32>,
        tpu.vector_store %arg18[%parallel_loop3A_1100, %parallel_loop3A_1101, %parallel_loop3A_1102], %parallel_loop3A_1098 {strides = array<i32>} : memref<2x64x128xf32, #tpu.memory_space<vmem>>, vector<16xf32>,
        %parallel_loop3A_1104 = arith.constant 1 : i32
        %parallel_loop3A_1105 = arith.index_cast %parallel_loop3A_1104 : i32 to index
        %parallel_loop3A_1106 = arith.index_cast %parallel_loop3A_859 : i32 to index
        %parallel_loop3A_1107 = arith.constant 96 : index
        %parallel_loop3A_1108 = tpu.vector_load %arg18[%parallel_loop3A_1105, %parallel_loop3A_1106, %parallel_loop3A_1107] {strides = array<i32>} : memref<2x64x128xf32, #tpu.memory_space<vmem>>, vector<16xf32>,
        tpu.vector_store %arg18[%parallel_loop3A_1105, %parallel_loop3A_1106, %parallel_loop3A_1107], %broadcast_in_dim3A_1 {strides = array<i32>} : memref<2x64x128xf32, #tpu.memory_space<vmem>>, vector<16xf32>,
      } {sc.loop_unroll_factor = 2 : i64, sc.parallel_access}
      %get3A_746 = arith.constant 1 : i32
      %get3A_747 = arith.index_cast %get3A_746 : i32 to index
      %get3A_748 = arith.constant 512 : index
      %get3A_749 = tpu.vector_load %arg11[%get3A_747, %get3A_748] {strides = array<i32>} : memref<2x576xi32, #tpu.memory_space<vmem>>, vector<16xi32>,
      %add3A_750 = arith.constant 0 : i32
      %add3A_751 = vector.broadcast %add3A_750 : i32 to vector<16xi32>
      %add3A_752 = arith.addi %iota3A, %add3A_751 : vector<16xi32>
      %add3A_753 = arith.constant 96 : i32
      %add3A_754 = vector.broadcast %add3A_753 : i32 to vector<16xi32>
      %add3A_755 = arith.addi %get3A_749, %add3A_754 : vector<16xi32>
      %scatter3A_756 = arith.constant 1 : i32
      %scatter3A_757 = arith.constant 0 : i32
      %scatter3A_758 = arith.constant 0 : i32
      %scatter3A_759 = tpu.memref_slice %arg18[%scatter3A_756, %scatter3A_757, %scatter3A_758] : memref<2x64x128xf32, #tpu.memory_space<vmem>> -> memref<1x64x128xf32, #tpu.memory_space<vmem>>
      %scatter3A_760 = tpu.memref_squeeze %scatter3A_759 : memref<1x64x128xf32, #tpu.memory_space<vmem>> -> memref<64x128xf32, #tpu.memory_space<vmem>>
      tpu.vector_store_idx %scatter3A_760[%add3A_752, %add3A_755], %broadcast_in_dim3A_3 : memref<64x128xf32, #tpu.memory_space<vmem>>[vector<16xi32>, vector<16xi32>], vector<16xf32>,
      %get3A_761 = arith.constant 1 : i32
      %get3A_762 = arith.index_cast %get3A_761 : i32 to index
      %get3A_763 = arith.constant 528 : index
      %get3A_764 = tpu.vector_load %arg11[%get3A_762, %get3A_763] {strides = array<i32>} : memref<2x576xi32, #tpu.memory_space<vmem>>, vector<16xi32>,
      %add3A_765 = arith.constant 16 : i32
      %add3A_766 = vector.broadcast %add3A_765 : i32 to vector<16xi32>
      %add3A_767 = arith.addi %iota3A, %add3A_766 : vector<16xi32>
      %add3A_768 = arith.constant 96 : i32
      %add3A_769 = vector.broadcast %add3A_768 : i32 to vector<16xi32>
      %add3A_770 = arith.addi %get3A_764, %add3A_769 : vector<16xi32>
      %scatter3A_771 = arith.constant 1 : i32
      %scatter3A_772 = arith.constant 0 : i32
      %scatter3A_773 = arith.constant 0 : i32
      %scatter3A_774 = tpu.memref_slice %arg18[%scatter3A_771, %scatter3A_772, %scatter3A_773] : memref<2x64x128xf32, #tpu.memory_space<vmem>> -> memref<1x64x128xf32, #tpu.memory_space<vmem>>
      %scatter3A_775 = tpu.memref_squeeze %scatter3A_774 : memref<1x64x128xf32, #tpu.memory_space<vmem>> -> memref<64x128xf32, #tpu.memory_space<vmem>>
      tpu.vector_store_idx %scatter3A_775[%add3A_767, %add3A_770], %broadcast_in_dim3A_3 : memref<64x128xf32, #tpu.memory_space<vmem>>[vector<16xi32>, vector<16xi32>], vector<16xf32>,
      %get3A_776 = arith.constant 1 : i32
      %get3A_777 = arith.index_cast %get3A_776 : i32 to index
      %get3A_778 = arith.constant 544 : index
      %get3A_779 = tpu.vector_load %arg11[%get3A_777, %get3A_778] {strides = array<i32>} : memref<2x576xi32, #tpu.memory_space<vmem>>, vector<16xi32>,
      %add3A_780 = arith.constant 32 : i32
      %add3A_781 = vector.broadcast %add3A_780 : i32 to vector<16xi32>
      %add3A_782 = arith.addi %iota3A, %add3A_781 : vector<16xi32>
      %add3A_783 = arith.constant 96 : i32
      %add3A_784 = vector.broadcast %add3A_783 : i32 to vector<16xi32>
      %add3A_785 = arith.addi %get3A_779, %add3A_784 : vector<16xi32>
      %scatter3A_786 = arith.constant 1 : i32
      %scatter3A_787 = arith.constant 0 : i32
      %scatter3A_788 = arith.constant 0 : i32
      %scatter3A_789 = tpu.memref_slice %arg18[%scatter3A_786, %scatter3A_787, %scatter3A_788] : memref<2x64x128xf32, #tpu.memory_space<vmem>> -> memref<1x64x128xf32, #tpu.memory_space<vmem>>
      %scatter3A_790 = tpu.memref_squeeze %scatter3A_789 : memref<1x64x128xf32, #tpu.memory_space<vmem>> -> memref<64x128xf32, #tpu.memory_space<vmem>>
      tpu.vector_store_idx %scatter3A_790[%add3A_782, %add3A_785], %broadcast_in_dim3A_3 : memref<64x128xf32, #tpu.memory_space<vmem>>[vector<16xi32>, vector<16xi32>], vector<16xf32>,
      %get3A_791 = arith.constant 1 : i32
      %get3A_792 = arith.index_cast %get3A_791 : i32 to index
      %get3A_793 = arith.constant 560 : index
      %get3A_794 = tpu.vector_load %arg11[%get3A_792, %get3A_793] {strides = array<i32>} : memref<2x576xi32, #tpu.memory_space<vmem>>, vector<16xi32>,
      %add3A_795 = arith.constant 48 : i32
      %add3A_796 = vector.broadcast %add3A_795 : i32 to vector<16xi32>
      %add3A_797 = arith.addi %iota3A, %add3A_796 : vector<16xi32>
      %add3A_798 = arith.constant 96 : i32
      %add3A_799 = vector.broadcast %add3A_798 : i32 to vector<16xi32>
      %add3A_800 = arith.addi %get3A_794, %add3A_799 : vector<16xi32>
      %scatter3A_801 = arith.constant 1 : i32
      %scatter3A_802 = arith.constant 0 : i32
      %scatter3A_803 = arith.constant 0 : i32
      %scatter3A_804 = tpu.memref_slice %arg18[%scatter3A_801, %scatter3A_802, %scatter3A_803] : memref<2x64x128xf32, #tpu.memory_space<vmem>> -> memref<1x64x128xf32, #tpu.memory_space<vmem>>
      %scatter3A_805 = tpu.memref_squeeze %scatter3A_804 : memref<1x64x128xf32, #tpu.memory_space<vmem>> -> memref<64x128xf32, #tpu.memory_space<vmem>>
      tpu.vector_store_idx %scatter3A_805[%add3A_797, %add3A_800], %broadcast_in_dim3A_3 : memref<64x128xf32, #tpu.memory_space<vmem>>[vector<16xi32>, vector<16xi32>], vector<16xf32>,
      %convert_element_type3A_806 = arith.extui %lt3A_551 : i1 to i32
      %cond3A_807 = arith.constant 0 : i32
      %cond3A_808 = arith.cmpi ne, %convert_element_type3A_806, %cond3A_807 : i32
      scf.if %cond3A_808 {
        %add3A_859 = arith.constant 1 : i32
        %add3A_860 = arith.addi %add3A_547, %add3A_859 : i32
        %mul3A_861 = arith.constant 100 : i32
        %mul3A_862 = arith.muli %add3A, %mul3A_861 : i32
        %add3A_863 = arith.addi %mul3A_862, %add3A_860 : i32
        %mul3A_864 = arith.constant 576 : i32
        %mul3A_865 = arith.muli %add3A_863, %mul3A_864 : i32
        %dma_wait3A_866 = arith.constant 0 : i32
        %dma_wait3A_867 = arith.constant 0 : i32
        %dma_wait3A_868 = arith.constant 0 : i32
        %dma_wait3A_869 = tpu.memref_slice %arg11[%dma_wait3A_866, %dma_wait3A_868] : memref<2x576xi32, #tpu.memory_space<vmem>> -> memref<1x576xi32, #tpu.memory_space<vmem>>
        %dma_wait3A_870 = tpu.memref_squeeze %dma_wait3A_869 : memref<1x576xi32, #tpu.memory_space<vmem>> -> memref<576xi32, #tpu.memory_space<vmem>>
        %dma_wait3A_871 = tpu.memref_slice %arg2[%mul3A_865] : memref<1843200xi32, #tpu.memory_space<hbm>> -> memref<576xi32, #tpu.memory_space<hbm>>
        %dma_wait3A_872 = tpu.memref_slice %arg20[%dma_wait3A_867] : memref<2x!tpu.dma_semaphore, #tpu.memory_space<semaphore_mem>> -> memref<1x!tpu.dma_semaphore, #tpu.memory_space<semaphore_mem>>
        %dma_wait3A_873 = tpu.memref_squeeze %dma_wait3A_872 : memref<1x!tpu.dma_semaphore, #tpu.memory_space<semaphore_mem>> -> memref<!tpu.dma_semaphore, #tpu.memory_space<semaphore_mem>>
        %dma_wait3A_874 = arith.constant 0 : i32
        %dma_wait3A_875 = tpu.memref_slice %arg11[%dma_wait3A_866, %dma_wait3A_874] : memref<2x576xi32, #tpu.memory_space<vmem>> -> memref<1x576xi32, #tpu.memory_space<vmem>>
        %dma_wait3A_876 = tpu.memref_squeeze %dma_wait3A_875 : memref<1x576xi32, #tpu.memory_space<vmem>> -> memref<576xi32, #tpu.memory_space<vmem>>
        %dma_wait3A_877 = tpu.memref_slice %arg2[%mul3A_865] : memref<1843200xi32, #tpu.memory_space<hbm>> -> memref<576xi32, #tpu.memory_space<hbm>>
        tpu.wait_dma2 semaphore(%dma_wait3A_873 : memref<!tpu.dma_semaphore, #tpu.memory_space<semaphore_mem>>) src(%dma_wait3A_877 : memref<576xi32, #tpu.memory_space<hbm>>) dst(%dma_wait3A_876 : memref<576xi32, #tpu.memory_space<vmem>>)
        %ge3A = arith.constant 1 : i32
        %ge3A_878 = arith.cmpi sge, %add3A_547, %ge3A : i32
        %convert_element_type3A_879 = arith.extui %ge3A_878 : i1 to i32
        %cond3A_880 = arith.constant 0 : i32
        %cond3A_881 = arith.cmpi ne, %convert_element_type3A_879, %cond3A_880 : i32
        scf.if %cond3A_881 {
          %sub3A = arith.constant 1 : i32
          %sub3A_1006 = arith.subi %add3A_547, %sub3A : i32
          %mul3A_1007 = arith.constant 100 : i32
          %mul3A_1008 = arith.muli %add3A, %mul3A_1007 : i32
          %add3A_1009 = arith.addi %mul3A_1008, %sub3A_1006 : i32
          %mul3A_1010 = arith.constant 64 : i32
          %mul3A_1011 = arith.muli %add3A_1009, %mul3A_1010 : i32
          %multiple_of3A_1012 = tpu.assume_multiple %mul3A_1011, 64 : i32
          %dma_wait3A_1013 = arith.constant 0 : i32
          %dma_wait3A_1014 = arith.constant 0 : i32
          %dma_wait3A_1015 = arith.constant 0 : i32
          %dma_wait3A_1016 = arith.constant 0 : i32
          %dma_wait3A_1017 = tpu.memref_slice %arg17[%dma_wait3A_1013, %dma_wait3A_1015, %dma_wait3A_1016] : memref<2x64x128xf32, #tpu.memory_space<vmem>> -> memref<1x64x128xf32, #tpu.memory_space<vmem>>
          %dma_wait3A_1018 = tpu.memref_squeeze %dma_wait3A_1017 : memref<1x64x128xf32, #tpu.memory_space<vmem>> -> memref<64x128xf32, #tpu.memory_space<vmem>>
          %dma_wait3A_1019 = arith.constant 0 : i32
          %dma_wait3A_1020 = tpu.memref_slice %arg8[%multiple_of3A_1012, %dma_wait3A_1019] : memref<204800x128xf32, #tpu.memory_space<hbm>> -> memref<64x128xf32, #tpu.memory_space<hbm>>
          %dma_wait3A_1021 = tpu.memref_slice %arg22[%dma_wait3A_1014] : memref<2x!tpu.dma_semaphore, #tpu.memory_space<semaphore_mem>> -> memref<1x!tpu.dma_semaphore, #tpu.memory_space<semaphore_mem>>
          %dma_wait3A_1022 = tpu.memref_squeeze %dma_wait3A_1021 : memref<1x!tpu.dma_semaphore, #tpu.memory_space<semaphore_mem>> -> memref<!tpu.dma_semaphore, #tpu.memory_space<semaphore_mem>>
          %dma_wait3A_1023 = arith.constant 0 : i32
          %dma_wait3A_1024 = tpu.memref_slice %arg8[%multiple_of3A_1012, %dma_wait3A_1023] : memref<204800x128xf32, #tpu.memory_space<hbm>> -> memref<64x128xf32, #tpu.memory_space<hbm>>
          %dma_wait3A_1025 = arith.constant 0 : i32
          %dma_wait3A_1026 = arith.constant 0 : i32
          %dma_wait3A_1027 = tpu.memref_slice %arg17[%dma_wait3A_1013, %dma_wait3A_1025, %dma_wait3A_1026] : memref<2x64x128xf32, #tpu.memory_space<vmem>> -> memref<1x64x128xf32, #tpu.memory_space<vmem>>
          %dma_wait3A_1028 = tpu.memref_squeeze %dma_wait3A_1027 : memref<1x64x128xf32, #tpu.memory_space<vmem>> -> memref<64x128xf32, #tpu.memory_space<vmem>>
          tpu.wait_dma2 semaphore(%dma_wait3A_1022 : memref<!tpu.dma_semaphore, #tpu.memory_space<semaphore_mem>>) src(%dma_wait3A_1028 : memref<64x128xf32, #tpu.memory_space<vmem>>) dst(%dma_wait3A_1024 : memref<64x128xf32, #tpu.memory_space<hbm>>)
          %dma_wait3A_1029 = arith.constant 0 : i32
          %dma_wait3A_1030 = arith.constant 0 : i32
          %dma_wait3A_1031 = arith.constant 0 : i32
          %dma_wait3A_1032 = arith.constant 0 : i32
          %dma_wait3A_1033 = tpu.memref_slice %arg18[%dma_wait3A_1029, %dma_wait3A_1031, %dma_wait3A_1032] : memref<2x64x128xf32, #tpu.memory_space<vmem>> -> memref<1x64x128xf32, #tpu.memory_space<vmem>>
          %dma_wait3A_1034 = tpu.memref_squeeze %dma_wait3A_1033 : memref<1x64x128xf32, #tpu.memory_space<vmem>> -> memref<64x128xf32, #tpu.memory_space<vmem>>
          %dma_wait3A_1035 = arith.constant 0 : i32
          %dma_wait3A_1036 = tpu.memref_slice %arg9[%multiple_of3A_1012, %dma_wait3A_1035] : memref<204800x128xf32, #tpu.memory_space<hbm>> -> memref<64x128xf32, #tpu.memory_space<hbm>>
          %dma_wait3A_1037 = tpu.memref_slice %arg22[%dma_wait3A_1030] : memref<2x!tpu.dma_semaphore, #tpu.memory_space<semaphore_mem>> -> memref<1x!tpu.dma_semaphore, #tpu.memory_space<semaphore_mem>>
          %dma_wait3A_1038 = tpu.memref_squeeze %dma_wait3A_1037 : memref<1x!tpu.dma_semaphore, #tpu.memory_space<semaphore_mem>> -> memref<!tpu.dma_semaphore, #tpu.memory_space<semaphore_mem>>
          %dma_wait3A_1039 = arith.constant 0 : i32
          %dma_wait3A_1040 = tpu.memref_slice %arg9[%multiple_of3A_1012, %dma_wait3A_1039] : memref<204800x128xf32, #tpu.memory_space<hbm>> -> memref<64x128xf32, #tpu.memory_space<hbm>>
          %dma_wait3A_1041 = arith.constant 0 : i32
          %dma_wait3A_1042 = arith.constant 0 : i32
          %dma_wait3A_1043 = tpu.memref_slice %arg18[%dma_wait3A_1029, %dma_wait3A_1041, %dma_wait3A_1042] : memref<2x64x128xf32, #tpu.memory_space<vmem>> -> memref<1x64x128xf32, #tpu.memory_space<vmem>>
          %dma_wait3A_1044 = tpu.memref_squeeze %dma_wait3A_1043 : memref<1x64x128xf32, #tpu.memory_space<vmem>> -> memref<64x128xf32, #tpu.memory_space<vmem>>
          tpu.wait_dma2 semaphore(%dma_wait3A_1038 : memref<!tpu.dma_semaphore, #tpu.memory_space<semaphore_mem>>) src(%dma_wait3A_1044 : memref<64x128xf32, #tpu.memory_space<vmem>>) dst(%dma_wait3A_1040 : memref<64x128xf32, #tpu.memory_space<hbm>>)
          %dma_wait3A_1045 = arith.constant 0 : i32
          %dma_wait3A_1046 = arith.constant 0 : i32
          %dma_wait3A_1047 = arith.constant 0 : i32
          %dma_wait3A_1048 = tpu.memref_slice %arg19[%dma_wait3A_1045, %dma_wait3A_1047] : memref<2x64xf32, #tpu.memory_space<vmem>> -> memref<1x64xf32, #tpu.memory_space<vmem>>
          %dma_wait3A_1049 = tpu.memref_squeeze %dma_wait3A_1048 : memref<1x64xf32, #tpu.memory_space<vmem>> -> memref<64xf32, #tpu.memory_space<vmem>>
          %dma_wait3A_1050 = tpu.memref_slice %arg10[%multiple_of3A_1012] : memref<204800xf32, #tpu.memory_space<hbm>> -> memref<64xf32, #tpu.memory_space<hbm>>
          %dma_wait3A_1051 = tpu.memref_slice %arg22[%dma_wait3A_1046] : memref<2x!tpu.dma_semaphore, #tpu.memory_space<semaphore_mem>> -> memref<1x!tpu.dma_semaphore, #tpu.memory_space<semaphore_mem>>
          %dma_wait3A_1052 = tpu.memref_squeeze %dma_wait3A_1051 : memref<1x!tpu.dma_semaphore, #tpu.memory_space<semaphore_mem>> -> memref<!tpu.dma_semaphore, #tpu.memory_space<semaphore_mem>>
          %dma_wait3A_1053 = tpu.memref_slice %arg10[%multiple_of3A_1012] : memref<204800xf32, #tpu.memory_space<hbm>> -> memref<64xf32, #tpu.memory_space<hbm>>
          %dma_wait3A_1054 = arith.constant 0 : i32
          %dma_wait3A_1055 = tpu.memref_slice %arg19[%dma_wait3A_1045, %dma_wait3A_1054] : memref<2x64xf32, #tpu.memory_space<vmem>> -> memref<1x64xf32, #tpu.memory_space<vmem>>
          %dma_wait3A_1056 = tpu.memref_squeeze %dma_wait3A_1055 : memref<1x64xf32, #tpu.memory_space<vmem>> -> memref<64xf32, #tpu.memory_space<vmem>>
          tpu.wait_dma2 semaphore(%dma_wait3A_1052 : memref<!tpu.dma_semaphore, #tpu.memory_space<semaphore_mem>>) src(%dma_wait3A_1056 : memref<64xf32, #tpu.memory_space<vmem>>) dst(%dma_wait3A_1053 : memref<64xf32, #tpu.memory_space<hbm>>)
        } else {
        }
        %dma_start3A_882 = arith.constant 0 : i32
        %dma_start3A_883 = arith.constant 0 : i32
        %dma_start3A_884 = arith.constant 0 : i32
        %dma_start3A_885 = arith.constant 0 : i32
        %dma_start3A_886 = arith.constant 0 : i32
        %dma_start3A_887 = tpu.memref_slice %arg12[%dma_start3A_883, %dma_start3A_885, %dma_start3A_886] : memref<2x64x64xf32, #tpu.memory_space<vmem>> -> memref<1x64x64xf32, #tpu.memory_space<vmem>>
        %dma_start3A_888 = tpu.memref_squeeze %dma_start3A_887 : memref<1x64x64xf32, #tpu.memory_space<vmem>> -> memref<64x64xf32, #tpu.memory_space<vmem>>
        %dma_start3A_889 = arith.constant 0 : i32
        %dma_start3A_890 = tpu.memref_slice %arg11[%dma_start3A_882, %dma_start3A_889] : memref<2x576xi32, #tpu.memory_space<vmem>> -> memref<1x64xi32, #tpu.memory_space<vmem>>
        %dma_start3A_891 = tpu.memref_squeeze %dma_start3A_890 : memref<1x64xi32, #tpu.memory_space<vmem>> -> memref<64xi32, #tpu.memory_space<vmem>>
        %dma_start3A_892 = arith.constant 0 : i32
        %dma_start3A_893 = arith.constant 0 : i32
        %dma_start3A_894 = tpu.memref_slice %arg4[%dma_start3A_892, %dma_start3A_893] : memref<1000000x64xf32, #tpu.memory_space<hbm>> -> memref<1000000x64xf32, #tpu.memory_space<hbm>>
        %dma_start3A_895 = tpu.memref_slice %arg21[%dma_start3A_884] : memref<2x!tpu.dma_semaphore, #tpu.memory_space<semaphore_mem>> -> memref<1x!tpu.dma_semaphore, #tpu.memory_space<semaphore_mem>>
        %dma_start3A_896 = tpu.memref_squeeze %dma_start3A_895 : memref<1x!tpu.dma_semaphore, #tpu.memory_space<semaphore_mem>> -> memref<!tpu.dma_semaphore, #tpu.memory_space<semaphore_mem>>
        tpu.enqueue_indirect_dma source(%dma_start3A_894 : memref<1000000x64xf32, #tpu.memory_space<hbm>>) target(%dma_start3A_888 : memref<64x64xf32, #tpu.memory_space<vmem>>) offsets(%dma_start3A_891 : memref<64xi32, #tpu.memory_space<vmem>>) semaphore(%dma_start3A_896 : memref<!tpu.dma_semaphore, #tpu.memory_space<semaphore_mem>>)
        %dma_start3A_897 = arith.constant 0 : i32
        %dma_start3A_898 = arith.constant 0 : i32
        %dma_start3A_899 = arith.constant 0 : i32
        %dma_start3A_900 = arith.constant 0 : i32
        %dma_start3A_901 = arith.constant 0 : i32
        %dma_start3A_902 = tpu.memref_slice %arg13[%dma_start3A_898, %dma_start3A_900, %dma_start3A_901] : memref<2x64x64xf32, #tpu.memory_space<vmem>> -> memref<1x64x64xf32, #tpu.memory_space<vmem>>
        %dma_start3A_903 = tpu.memref_squeeze %dma_start3A_902 : memref<1x64x64xf32, #tpu.memory_space<vmem>> -> memref<64x64xf32, #tpu.memory_space<vmem>>
        %dma_start3A_904 = arith.constant 64 : i32
        %dma_start3A_905 = tpu.memref_slice %arg11[%dma_start3A_897, %dma_start3A_904] : memref<2x576xi32, #tpu.memory_space<vmem>> -> memref<1x64xi32, #tpu.memory_space<vmem>>
        %dma_start3A_906 = tpu.memref_squeeze %dma_start3A_905 : memref<1x64xi32, #tpu.memory_space<vmem>> -> memref<64xi32, #tpu.memory_space<vmem>>
        %dma_start3A_907 = arith.constant 0 : i32
        %dma_start3A_908 = arith.constant 0 : i32
        %dma_start3A_909 = tpu.memref_slice %arg7[%dma_start3A_907, %dma_start3A_908] : memref<100000x64xf32, #tpu.memory_space<hbm>> -> memref<100000x64xf32, #tpu.memory_space<hbm>>
        %dma_start3A_910 = tpu.memref_slice %arg21[%dma_start3A_899] : memref<2x!tpu.dma_semaphore, #tpu.memory_space<semaphore_mem>> -> memref<1x!tpu.dma_semaphore, #tpu.memory_space<semaphore_mem>>
        %dma_start3A_911 = tpu.memref_squeeze %dma_start3A_910 : memref<1x!tpu.dma_semaphore, #tpu.memory_space<semaphore_mem>> -> memref<!tpu.dma_semaphore, #tpu.memory_space<semaphore_mem>>
        tpu.enqueue_indirect_dma source(%dma_start3A_909 : memref<100000x64xf32, #tpu.memory_space<hbm>>) target(%dma_start3A_903 : memref<64x64xf32, #tpu.memory_space<vmem>>) offsets(%dma_start3A_906 : memref<64xi32, #tpu.memory_space<vmem>>) semaphore(%dma_start3A_911 : memref<!tpu.dma_semaphore, #tpu.memory_space<semaphore_mem>>)
        %dma_start3A_912 = arith.constant 0 : i32
        %dma_start3A_913 = arith.constant 0 : i32
        %dma_start3A_914 = arith.constant 0 : i32
        %dma_start3A_915 = arith.constant 0 : i32
        %dma_start3A_916 = arith.constant 0 : i32
        %dma_start3A_917 = tpu.memref_slice %arg15[%dma_start3A_913, %dma_start3A_915, %dma_start3A_916] : memref<2x64x16xf32, #tpu.memory_space<vmem>> -> memref<1x64x16xf32, #tpu.memory_space<vmem>>
        %dma_start3A_918 = tpu.memref_squeeze %dma_start3A_917 : memref<1x64x16xf32, #tpu.memory_space<vmem>> -> memref<64x16xf32, #tpu.memory_space<vmem>>
        %dma_start3A_919 = arith.constant 128 : i32
        %dma_start3A_920 = tpu.memref_slice %arg11[%dma_start3A_912, %dma_start3A_919] : memref<2x576xi32, #tpu.memory_space<vmem>> -> memref<1x64xi32, #tpu.memory_space<vmem>>
        %dma_start3A_921 = tpu.memref_squeeze %dma_start3A_920 : memref<1x64xi32, #tpu.memory_space<vmem>> -> memref<64xi32, #tpu.memory_space<vmem>>
        %dma_start3A_922 = arith.constant 0 : i32
        %dma_start3A_923 = arith.constant 0 : i32
        %dma_start3A_924 = tpu.memref_slice %arg5[%dma_start3A_922, %dma_start3A_923] : memref<1000x16xf32, #tpu.memory_space<hbm>> -> memref<1000x16xf32, #tpu.memory_space<hbm>>
        %dma_start3A_925 = tpu.memref_slice %arg21[%dma_start3A_914] : memref<2x!tpu.dma_semaphore, #tpu.memory_space<semaphore_mem>> -> memref<1x!tpu.dma_semaphore, #tpu.memory_space<semaphore_mem>>
        %dma_start3A_926 = tpu.memref_squeeze %dma_start3A_925 : memref<1x!tpu.dma_semaphore, #tpu.memory_space<semaphore_mem>> -> memref<!tpu.dma_semaphore, #tpu.memory_space<semaphore_mem>>
        tpu.enqueue_indirect_dma source(%dma_start3A_924 : memref<1000x16xf32, #tpu.memory_space<hbm>>) target(%dma_start3A_918 : memref<64x16xf32, #tpu.memory_space<vmem>>) offsets(%dma_start3A_921 : memref<64xi32, #tpu.memory_space<vmem>>) semaphore(%dma_start3A_926 : memref<!tpu.dma_semaphore, #tpu.memory_space<semaphore_mem>>)
        %dma_start3A_927 = arith.constant 0 : i32
        %dma_start3A_928 = arith.constant 0 : i32
        %dma_start3A_929 = arith.constant 0 : i32
        %dma_start3A_930 = arith.constant 0 : i32
        %dma_start3A_931 = arith.constant 0 : i32
        %dma_start3A_932 = tpu.memref_slice %arg16[%dma_start3A_928, %dma_start3A_930, %dma_start3A_931] : memref<2x64x16xf32, #tpu.memory_space<vmem>> -> memref<1x64x16xf32, #tpu.memory_space<vmem>>
        %dma_start3A_933 = tpu.memref_squeeze %dma_start3A_932 : memref<1x64x16xf32, #tpu.memory_space<vmem>> -> memref<64x16xf32, #tpu.memory_space<vmem>>
        %dma_start3A_934 = arith.constant 192 : i32
        %dma_start3A_935 = tpu.memref_slice %arg11[%dma_start3A_927, %dma_start3A_934] : memref<2x576xi32, #tpu.memory_space<vmem>> -> memref<1x64xi32, #tpu.memory_space<vmem>>
        %dma_start3A_936 = tpu.memref_squeeze %dma_start3A_935 : memref<1x64xi32, #tpu.memory_space<vmem>> -> memref<64xi32, #tpu.memory_space<vmem>>
        %dma_start3A_937 = arith.constant 0 : i32
        %dma_start3A_938 = arith.constant 0 : i32
        %dma_start3A_939 = tpu.memref_slice %arg6[%dma_start3A_937, %dma_start3A_938] : memref<100x16xf32, #tpu.memory_space<hbm>> -> memref<100x16xf32, #tpu.memory_space<hbm>>
        %dma_start3A_940 = tpu.memref_slice %arg21[%dma_start3A_929] : memref<2x!tpu.dma_semaphore, #tpu.memory_space<semaphore_mem>> -> memref<1x!tpu.dma_semaphore, #tpu.memory_space<semaphore_mem>>
        %dma_start3A_941 = tpu.memref_squeeze %dma_start3A_940 : memref<1x!tpu.dma_semaphore, #tpu.memory_space<semaphore_mem>> -> memref<!tpu.dma_semaphore, #tpu.memory_space<semaphore_mem>>
        tpu.enqueue_indirect_dma source(%dma_start3A_939 : memref<100x16xf32, #tpu.memory_space<hbm>>) target(%dma_start3A_933 : memref<64x16xf32, #tpu.memory_space<vmem>>) offsets(%dma_start3A_936 : memref<64xi32, #tpu.memory_space<vmem>>) semaphore(%dma_start3A_941 : memref<!tpu.dma_semaphore, #tpu.memory_space<semaphore_mem>>)
        %dma_start3A_942 = arith.constant 0 : i32
        %dma_start3A_943 = arith.constant 0 : i32
        %dma_start3A_944 = arith.constant 0 : i32
        %dma_start3A_945 = arith.constant 0 : i32
        %dma_start3A_946 = arith.constant 0 : i32
        %dma_start3A_947 = arith.constant 0 : i32
        %dma_start3A_948 = tpu.memref_slice %arg14[%dma_start3A_943, %dma_start3A_944, %dma_start3A_946, %dma_start3A_947] : memref<2x4x64x64xf32, #tpu.memory_space<vmem>> -> memref<1x1x64x64xf32, #tpu.memory_space<vmem>>
        %dma_start3A_949 = tpu.memref_squeeze %dma_start3A_948 : memref<1x1x64x64xf32, #tpu.memory_space<vmem>> -> memref<64x64xf32, #tpu.memory_space<vmem>>
        %dma_start3A_950 = arith.constant 256 : i32
        %dma_start3A_951 = tpu.memref_slice %arg11[%dma_start3A_942, %dma_start3A_950] : memref<2x576xi32, #tpu.memory_space<vmem>> -> memref<1x64xi32, #tpu.memory_space<vmem>>
        %dma_start3A_952 = tpu.memref_squeeze %dma_start3A_951 : memref<1x64xi32, #tpu.memory_space<vmem>> -> memref<64xi32, #tpu.memory_space<vmem>>
        %dma_start3A_953 = arith.constant 0 : i32
        %dma_start3A_954 = arith.constant 0 : i32
        %dma_start3A_955 = tpu.memref_slice %arg3[%dma_start3A_953, %dma_start3A_954] : memref<100000x64xf32, #tpu.memory_space<hbm>> -> memref<100000x64xf32, #tpu.memory_space<hbm>>
        %dma_start3A_956 = tpu.memref_slice %arg21[%dma_start3A_945] : memref<2x!tpu.dma_semaphore, #tpu.memory_space<semaphore_mem>> -> memref<1x!tpu.dma_semaphore, #tpu.memory_space<semaphore_mem>>
        %dma_start3A_957 = tpu.memref_squeeze %dma_start3A_956 : memref<1x!tpu.dma_semaphore, #tpu.memory_space<semaphore_mem>> -> memref<!tpu.dma_semaphore, #tpu.memory_space<semaphore_mem>>
        tpu.enqueue_indirect_dma source(%dma_start3A_955 : memref<100000x64xf32, #tpu.memory_space<hbm>>) target(%dma_start3A_949 : memref<64x64xf32, #tpu.memory_space<vmem>>) offsets(%dma_start3A_952 : memref<64xi32, #tpu.memory_space<vmem>>) semaphore(%dma_start3A_957 : memref<!tpu.dma_semaphore, #tpu.memory_space<semaphore_mem>>)
        %dma_start3A_958 = arith.constant 0 : i32
        %dma_start3A_959 = arith.constant 0 : i32
        %dma_start3A_960 = arith.constant 1 : i32
        %dma_start3A_961 = arith.constant 0 : i32
        %dma_start3A_962 = arith.constant 0 : i32
        %dma_start3A_963 = arith.constant 0 : i32
        %dma_start3A_964 = tpu.memref_slice %arg14[%dma_start3A_959, %dma_start3A_960, %dma_start3A_962, %dma_start3A_963] : memref<2x4x64x64xf32, #tpu.memory_space<vmem>> -> memref<1x1x64x64xf32, #tpu.memory_space<vmem>>
        %dma_start3A_965 = tpu.memref_squeeze %dma_start3A_964 : memref<1x1x64x64xf32, #tpu.memory_space<vmem>> -> memref<64x64xf32, #tpu.memory_space<vmem>>
        %dma_start3A_966 = arith.constant 320 : i32
        %dma_start3A_967 = tpu.memref_slice %arg11[%dma_start3A_958, %dma_start3A_966] : memref<2x576xi32, #tpu.memory_space<vmem>> -> memref<1x64xi32, #tpu.memory_space<vmem>>
        %dma_start3A_968 = tpu.memref_squeeze %dma_start3A_967 : memref<1x64xi32, #tpu.memory_space<vmem>> -> memref<64xi32, #tpu.memory_space<vmem>>
        %dma_start3A_969 = arith.constant 0 : i32
        %dma_start3A_970 = arith.constant 0 : i32
        %dma_start3A_971 = tpu.memref_slice %arg3[%dma_start3A_969, %dma_start3A_970] : memref<100000x64xf32, #tpu.memory_space<hbm>> -> memref<100000x64xf32, #tpu.memory_space<hbm>>
        %dma_start3A_972 = tpu.memref_slice %arg21[%dma_start3A_961] : memref<2x!tpu.dma_semaphore, #tpu.memory_space<semaphore_mem>> -> memref<1x!tpu.dma_semaphore, #tpu.memory_space<semaphore_mem>>
        %dma_start3A_973 = tpu.memref_squeeze %dma_start3A_972 : memref<1x!tpu.dma_semaphore, #tpu.memory_space<semaphore_mem>> -> memref<!tpu.dma_semaphore, #tpu.memory_space<semaphore_mem>>
        tpu.enqueue_indirect_dma source(%dma_start3A_971 : memref<100000x64xf32, #tpu.memory_space<hbm>>) target(%dma_start3A_965 : memref<64x64xf32, #tpu.memory_space<vmem>>) offsets(%dma_start3A_968 : memref<64xi32, #tpu.memory_space<vmem>>) semaphore(%dma_start3A_973 : memref<!tpu.dma_semaphore, #tpu.memory_space<semaphore_mem>>)
        %dma_start3A_974 = arith.constant 0 : i32
        %dma_start3A_975 = arith.constant 0 : i32
        %dma_start3A_976 = arith.constant 2 : i32
        %dma_start3A_977 = arith.constant 0 : i32
        %dma_start3A_978 = arith.constant 0 : i32
        %dma_start3A_979 = arith.constant 0 : i32
        %dma_start3A_980 = tpu.memref_slice %arg14[%dma_start3A_975, %dma_start3A_976, %dma_start3A_978, %dma_start3A_979] : memref<2x4x64x64xf32, #tpu.memory_space<vmem>> -> memref<1x1x64x64xf32, #tpu.memory_space<vmem>>
        %dma_start3A_981 = tpu.memref_squeeze %dma_start3A_980 : memref<1x1x64x64xf32, #tpu.memory_space<vmem>> -> memref<64x64xf32, #tpu.memory_space<vmem>>
        %dma_start3A_982 = arith.constant 384 : i32
        %dma_start3A_983 = tpu.memref_slice %arg11[%dma_start3A_974, %dma_start3A_982] : memref<2x576xi32, #tpu.memory_space<vmem>> -> memref<1x64xi32, #tpu.memory_space<vmem>>
        %dma_start3A_984 = tpu.memref_squeeze %dma_start3A_983 : memref<1x64xi32, #tpu.memory_space<vmem>> -> memref<64xi32, #tpu.memory_space<vmem>>
        %dma_start3A_985 = arith.constant 0 : i32
        %dma_start3A_986 = arith.constant 0 : i32
        %dma_start3A_987 = tpu.memref_slice %arg3[%dma_start3A_985, %dma_start3A_986] : memref<100000x64xf32, #tpu.memory_space<hbm>> -> memref<100000x64xf32, #tpu.memory_space<hbm>>
        %dma_start3A_988 = tpu.memref_slice %arg21[%dma_start3A_977] : memref<2x!tpu.dma_semaphore, #tpu.memory_space<semaphore_mem>> -> memref<1x!tpu.dma_semaphore, #tpu.memory_space<semaphore_mem>>
        %dma_start3A_989 = tpu.memref_squeeze %dma_start3A_988 : memref<1x!tpu.dma_semaphore, #tpu.memory_space<semaphore_mem>> -> memref<!tpu.dma_semaphore, #tpu.memory_space<semaphore_mem>>
        tpu.enqueue_indirect_dma source(%dma_start3A_987 : memref<100000x64xf32, #tpu.memory_space<hbm>>) target(%dma_start3A_981 : memref<64x64xf32, #tpu.memory_space<vmem>>) offsets(%dma_start3A_984 : memref<64xi32, #tpu.memory_space<vmem>>) semaphore(%dma_start3A_989 : memref<!tpu.dma_semaphore, #tpu.memory_space<semaphore_mem>>)
        %dma_start3A_990 = arith.constant 0 : i32
        %dma_start3A_991 = arith.constant 0 : i32
        %dma_start3A_992 = arith.constant 3 : i32
        %dma_start3A_993 = arith.constant 0 : i32
        %dma_start3A_994 = arith.constant 0 : i32
        %dma_start3A_995 = arith.constant 0 : i32
        %dma_start3A_996 = tpu.memref_slice %arg14[%dma_start3A_991, %dma_start3A_992, %dma_start3A_994, %dma_start3A_995] : memref<2x4x64x64xf32, #tpu.memory_space<vmem>> -> memref<1x1x64x64xf32, #tpu.memory_space<vmem>>
        %dma_start3A_997 = tpu.memref_squeeze %dma_start3A_996 : memref<1x1x64x64xf32, #tpu.memory_space<vmem>> -> memref<64x64xf32, #tpu.memory_space<vmem>>
        %dma_start3A_998 = arith.constant 448 : i32
        %dma_start3A_999 = tpu.memref_slice %arg11[%dma_start3A_990, %dma_start3A_998] : memref<2x576xi32, #tpu.memory_space<vmem>> -> memref<1x64xi32, #tpu.memory_space<vmem>>
        %dma_start3A_1000 = tpu.memref_squeeze %dma_start3A_999 : memref<1x64xi32, #tpu.memory_space<vmem>> -> memref<64xi32, #tpu.memory_space<vmem>>
        %dma_start3A_1001 = arith.constant 0 : i32
        %dma_start3A_1002 = arith.constant 0 : i32
        %dma_start3A_1003 = tpu.memref_slice %arg3[%dma_start3A_1001, %dma_start3A_1002] : memref<100000x64xf32, #tpu.memory_space<hbm>> -> memref<100000x64xf32, #tpu.memory_space<hbm>>
        %dma_start3A_1004 = tpu.memref_slice %arg21[%dma_start3A_993] : memref<2x!tpu.dma_semaphore, #tpu.memory_space<semaphore_mem>> -> memref<1x!tpu.dma_semaphore, #tpu.memory_space<semaphore_mem>>
        %dma_start3A_1005 = tpu.memref_squeeze %dma_start3A_1004 : memref<1x!tpu.dma_semaphore, #tpu.memory_space<semaphore_mem>> -> memref<!tpu.dma_semaphore, #tpu.memory_space<semaphore_mem>>
        tpu.enqueue_indirect_dma source(%dma_start3A_1003 : memref<100000x64xf32, #tpu.memory_space<hbm>>) target(%dma_start3A_997 : memref<64x64xf32, #tpu.memory_space<vmem>>) offsets(%dma_start3A_1000 : memref<64xi32, #tpu.memory_space<vmem>>) semaphore(%dma_start3A_1005 : memref<!tpu.dma_semaphore, #tpu.memory_space<semaphore_mem>>)
      } else {
      }
      %mul3A_809 = arith.constant 100 : i32
      %mul3A_810 = arith.muli %add3A, %mul3A_809 : i32
      %add3A_811 = arith.addi %mul3A_810, %add3A_547 : i32
      %mul3A_812 = arith.constant 64 : i32
      %mul3A_813 = arith.muli %add3A_811, %mul3A_812 : i32
      %multiple_of3A_814 = tpu.assume_multiple %mul3A_813, 64 : i32
      %dma_start3A_815 = arith.constant 1 : i32
      %dma_start3A_816 = arith.constant 1 : i32
      %dma_start3A_817 = arith.constant 0 : i32
      %dma_start3A_818 = arith.constant 0 : i32
      %dma_start3A_819 = tpu.memref_slice %arg17[%dma_start3A_815, %dma_start3A_817, %dma_start3A_818] : memref<2x64x128xf32, #tpu.memory_space<vmem>> -> memref<1x64x128xf32, #tpu.memory_space<vmem>>
      %dma_start3A_820 = tpu.memref_squeeze %dma_start3A_819 : memref<1x64x128xf32, #tpu.memory_space<vmem>> -> memref<64x128xf32, #tpu.memory_space<vmem>>
      %dma_start3A_821 = arith.constant 0 : i32
      %dma_start3A_822 = tpu.memref_slice %arg8[%multiple_of3A_814, %dma_start3A_821] : memref<204800x128xf32, #tpu.memory_space<hbm>> -> memref<64x128xf32, #tpu.memory_space<hbm>>
      %dma_start3A_823 = tpu.memref_slice %arg22[%dma_start3A_816] : memref<2x!tpu.dma_semaphore, #tpu.memory_space<semaphore_mem>> -> memref<1x!tpu.dma_semaphore, #tpu.memory_space<semaphore_mem>>
      %dma_start3A_824 = tpu.memref_squeeze %dma_start3A_823 : memref<1x!tpu.dma_semaphore, #tpu.memory_space<semaphore_mem>> -> memref<!tpu.dma_semaphore, #tpu.memory_space<semaphore_mem>>
      %dma_start3A_825 = arith.constant 0 : i32
      %dma_start3A_826 = tpu.memref_slice %arg8[%multiple_of3A_814, %dma_start3A_825] : memref<204800x128xf32, #tpu.memory_space<hbm>> -> memref<64x128xf32, #tpu.memory_space<hbm>>
      %dma_start3A_827 = arith.constant 0 : i32
      %dma_start3A_828 = arith.constant 0 : i32
      %dma_start3A_829 = tpu.memref_slice %arg17[%dma_start3A_815, %dma_start3A_827, %dma_start3A_828] : memref<2x64x128xf32, #tpu.memory_space<vmem>> -> memref<1x64x128xf32, #tpu.memory_space<vmem>>
      %dma_start3A_830 = tpu.memref_squeeze %dma_start3A_829 : memref<1x64x128xf32, #tpu.memory_space<vmem>> -> memref<64x128xf32, #tpu.memory_space<vmem>>
      tpu.enqueue_dma source(%dma_start3A_830 : memref<64x128xf32, #tpu.memory_space<vmem>>) target(%dma_start3A_826 : memref<64x128xf32, #tpu.memory_space<hbm>>) target_semaphore(%dma_start3A_824 : memref<!tpu.dma_semaphore, #tpu.memory_space<semaphore_mem>>)
      %dma_start3A_831 = arith.constant 1 : i32
      %dma_start3A_832 = arith.constant 1 : i32
      %dma_start3A_833 = arith.constant 0 : i32
      %dma_start3A_834 = arith.constant 0 : i32
      %dma_start3A_835 = tpu.memref_slice %arg18[%dma_start3A_831, %dma_start3A_833, %dma_start3A_834] : memref<2x64x128xf32, #tpu.memory_space<vmem>> -> memref<1x64x128xf32, #tpu.memory_space<vmem>>
      %dma_start3A_836 = tpu.memref_squeeze %dma_start3A_835 : memref<1x64x128xf32, #tpu.memory_space<vmem>> -> memref<64x128xf32, #tpu.memory_space<vmem>>
      %dma_start3A_837 = arith.constant 0 : i32
      %dma_start3A_838 = tpu.memref_slice %arg9[%multiple_of3A_814, %dma_start3A_837] : memref<204800x128xf32, #tpu.memory_space<hbm>> -> memref<64x128xf32, #tpu.memory_space<hbm>>
      %dma_start3A_839 = tpu.memref_slice %arg22[%dma_start3A_832] : memref<2x!tpu.dma_semaphore, #tpu.memory_space<semaphore_mem>> -> memref<1x!tpu.dma_semaphore, #tpu.memory_space<semaphore_mem>>
      %dma_start3A_840 = tpu.memref_squeeze %dma_start3A_839 : memref<1x!tpu.dma_semaphore, #tpu.memory_space<semaphore_mem>> -> memref<!tpu.dma_semaphore, #tpu.memory_space<semaphore_mem>>
      %dma_start3A_841 = arith.constant 0 : i32
      %dma_start3A_842 = tpu.memref_slice %arg9[%multiple_of3A_814, %dma_start3A_841] : memref<204800x128xf32, #tpu.memory_space<hbm>> -> memref<64x128xf32, #tpu.memory_space<hbm>>
      %dma_start3A_843 = arith.constant 0 : i32
      %dma_start3A_844 = arith.constant 0 : i32
      %dma_start3A_845 = tpu.memref_slice %arg18[%dma_start3A_831, %dma_start3A_843, %dma_start3A_844] : memref<2x64x128xf32, #tpu.memory_space<vmem>> -> memref<1x64x128xf32, #tpu.memory_space<vmem>>
      %dma_start3A_846 = tpu.memref_squeeze %dma_start3A_845 : memref<1x64x128xf32, #tpu.memory_space<vmem>> -> memref<64x128xf32, #tpu.memory_space<vmem>>
      tpu.enqueue_dma source(%dma_start3A_846 : memref<64x128xf32, #tpu.memory_space<vmem>>) target(%dma_start3A_842 : memref<64x128xf32, #tpu.memory_space<hbm>>) target_semaphore(%dma_start3A_840 : memref<!tpu.dma_semaphore, #tpu.memory_space<semaphore_mem>>)
      %dma_start3A_847 = arith.constant 1 : i32
      %dma_start3A_848 = arith.constant 1 : i32
      %dma_start3A_849 = arith.constant 0 : i32
      %dma_start3A_850 = tpu.memref_slice %arg19[%dma_start3A_847, %dma_start3A_849] : memref<2x64xf32, #tpu.memory_space<vmem>> -> memref<1x64xf32, #tpu.memory_space<vmem>>
      %dma_start3A_851 = tpu.memref_squeeze %dma_start3A_850 : memref<1x64xf32, #tpu.memory_space<vmem>> -> memref<64xf32, #tpu.memory_space<vmem>>
      %dma_start3A_852 = tpu.memref_slice %arg10[%multiple_of3A_814] : memref<204800xf32, #tpu.memory_space<hbm>> -> memref<64xf32, #tpu.memory_space<hbm>>
      %dma_start3A_853 = tpu.memref_slice %arg22[%dma_start3A_848] : memref<2x!tpu.dma_semaphore, #tpu.memory_space<semaphore_mem>> -> memref<1x!tpu.dma_semaphore, #tpu.memory_space<semaphore_mem>>
      %dma_start3A_854 = tpu.memref_squeeze %dma_start3A_853 : memref<1x!tpu.dma_semaphore, #tpu.memory_space<semaphore_mem>> -> memref<!tpu.dma_semaphore, #tpu.memory_space<semaphore_mem>>
      %dma_start3A_855 = tpu.memref_slice %arg10[%multiple_of3A_814] : memref<204800xf32, #tpu.memory_space<hbm>> -> memref<64xf32, #tpu.memory_space<hbm>>
      %dma_start3A_856 = arith.constant 0 : i32
      %dma_start3A_857 = tpu.memref_slice %arg19[%dma_start3A_847, %dma_start3A_856] : memref<2x64xf32, #tpu.memory_space<vmem>> -> memref<1x64xf32, #tpu.memory_space<vmem>>
      %dma_start3A_858 = tpu.memref_squeeze %dma_start3A_857 : memref<1x64xf32, #tpu.memory_space<vmem>> -> memref<64xf32, #tpu.memory_space<vmem>>
      tpu.enqueue_dma source(%dma_start3A_858 : memref<64xf32, #tpu.memory_space<vmem>>) target(%dma_start3A_855 : memref<64xf32, #tpu.memory_space<hbm>>) target_semaphore(%dma_start3A_854 : memref<!tpu.dma_semaphore, #tpu.memory_space<semaphore_mem>>)
    }
    %scan3A_137 = arith.constant 50 : i32
    %mul3A_138 = arith.constant 100 : i32
    %mul3A_139 = arith.muli %add3A, %mul3A_138 : i32
    %add3A_140 = arith.constant 98 : i32
    %add3A_141 = arith.addi %mul3A_139, %add3A_140 : i32
    %mul3A_142 = arith.constant 64 : i32
    %mul3A_143 = arith.muli %add3A_141, %mul3A_142 : i32
    %multiple_of3A = tpu.assume_multiple %mul3A_143, 64 : i32
    %dma_wait3A = arith.constant 0 : i32
    %dma_wait3A_144 = arith.constant 0 : i32
    %dma_wait3A_145 = arith.constant 0 : i32
    %dma_wait3A_146 = arith.constant 0 : i32
    %dma_wait3A_147 = tpu.memref_slice %arg17[%dma_wait3A, %dma_wait3A_145, %dma_wait3A_146] : memref<2x64x128xf32, #tpu.memory_space<vmem>> -> memref<1x64x128xf32, #tpu.memory_space<vmem>>
    %dma_wait3A_148 = tpu.memref_squeeze %dma_wait3A_147 : memref<1x64x128xf32, #tpu.memory_space<vmem>> -> memref<64x128xf32, #tpu.memory_space<vmem>>
    %dma_wait3A_149 = arith.constant 0 : i32
    %dma_wait3A_150 = tpu.memref_slice %arg8[%multiple_of3A, %dma_wait3A_149] : memref<204800x128xf32, #tpu.memory_space<hbm>> -> memref<64x128xf32, #tpu.memory_space<hbm>>
    %dma_wait3A_151 = tpu.memref_slice %arg22[%dma_wait3A_144] : memref<2x!tpu.dma_semaphore, #tpu.memory_space<semaphore_mem>> -> memref<1x!tpu.dma_semaphore, #tpu.memory_space<semaphore_mem>>
    %dma_wait3A_152 = tpu.memref_squeeze %dma_wait3A_151 : memref<1x!tpu.dma_semaphore, #tpu.memory_space<semaphore_mem>> -> memref<!tpu.dma_semaphore, #tpu.memory_space<semaphore_mem>>
    %dma_wait3A_153 = arith.constant 0 : i32
    %dma_wait3A_154 = tpu.memref_slice %arg8[%multiple_of3A, %dma_wait3A_153] : memref<204800x128xf32, #tpu.memory_space<hbm>> -> memref<64x128xf32, #tpu.memory_space<hbm>>
    %dma_wait3A_155 = arith.constant 0 : i32
    %dma_wait3A_156 = arith.constant 0 : i32
    %dma_wait3A_157 = tpu.memref_slice %arg17[%dma_wait3A, %dma_wait3A_155, %dma_wait3A_156] : memref<2x64x128xf32, #tpu.memory_space<vmem>> -> memref<1x64x128xf32, #tpu.memory_space<vmem>>
    %dma_wait3A_158 = tpu.memref_squeeze %dma_wait3A_157 : memref<1x64x128xf32, #tpu.memory_space<vmem>> -> memref<64x128xf32, #tpu.memory_space<vmem>>
    tpu.wait_dma2 semaphore(%dma_wait3A_152 : memref<!tpu.dma_semaphore, #tpu.memory_space<semaphore_mem>>) src(%dma_wait3A_158 : memref<64x128xf32, #tpu.memory_space<vmem>>) dst(%dma_wait3A_154 : memref<64x128xf32, #tpu.memory_space<hbm>>)
    %dma_wait3A_159 = arith.constant 0 : i32
    %dma_wait3A_160 = arith.constant 0 : i32
    %dma_wait3A_161 = arith.constant 0 : i32
    %dma_wait3A_162 = arith.constant 0 : i32
    %dma_wait3A_163 = tpu.memref_slice %arg18[%dma_wait3A_159, %dma_wait3A_161, %dma_wait3A_162] : memref<2x64x128xf32, #tpu.memory_space<vmem>> -> memref<1x64x128xf32, #tpu.memory_space<vmem>>
    %dma_wait3A_164 = tpu.memref_squeeze %dma_wait3A_163 : memref<1x64x128xf32, #tpu.memory_space<vmem>> -> memref<64x128xf32, #tpu.memory_space<vmem>>
    %dma_wait3A_165 = arith.constant 0 : i32
    %dma_wait3A_166 = tpu.memref_slice %arg9[%multiple_of3A, %dma_wait3A_165] : memref<204800x128xf32, #tpu.memory_space<hbm>> -> memref<64x128xf32, #tpu.memory_space<hbm>>
    %dma_wait3A_167 = tpu.memref_slice %arg22[%dma_wait3A_160] : memref<2x!tpu.dma_semaphore, #tpu.memory_space<semaphore_mem>> -> memref<1x!tpu.dma_semaphore, #tpu.memory_space<semaphore_mem>>
    %dma_wait3A_168 = tpu.memref_squeeze %dma_wait3A_167 : memref<1x!tpu.dma_semaphore, #tpu.memory_space<semaphore_mem>> -> memref<!tpu.dma_semaphore, #tpu.memory_space<semaphore_mem>>
    %dma_wait3A_169 = arith.constant 0 : i32
    %dma_wait3A_170 = tpu.memref_slice %arg9[%multiple_of3A, %dma_wait3A_169] : memref<204800x128xf32, #tpu.memory_space<hbm>> -> memref<64x128xf32, #tpu.memory_space<hbm>>
    %dma_wait3A_171 = arith.constant 0 : i32
    %dma_wait3A_172 = arith.constant 0 : i32
    %dma_wait3A_173 = tpu.memref_slice %arg18[%dma_wait3A_159, %dma_wait3A_171, %dma_wait3A_172] : memref<2x64x128xf32, #tpu.memory_space<vmem>> -> memref<1x64x128xf32, #tpu.memory_space<vmem>>
    %dma_wait3A_174 = tpu.memref_squeeze %dma_wait3A_173 : memref<1x64x128xf32, #tpu.memory_space<vmem>> -> memref<64x128xf32, #tpu.memory_space<vmem>>
    tpu.wait_dma2 semaphore(%dma_wait3A_168 : memref<!tpu.dma_semaphore, #tpu.memory_space<semaphore_mem>>) src(%dma_wait3A_174 : memref<64x128xf32, #tpu.memory_space<vmem>>) dst(%dma_wait3A_170 : memref<64x128xf32, #tpu.memory_space<hbm>>)
    %dma_wait3A_175 = arith.constant 0 : i32
    %dma_wait3A_176 = arith.constant 0 : i32
    %dma_wait3A_177 = arith.constant 0 : i32
    %dma_wait3A_178 = tpu.memref_slice %arg19[%dma_wait3A_175, %dma_wait3A_177] : memref<2x64xf32, #tpu.memory_space<vmem>> -> memref<1x64xf32, #tpu.memory_space<vmem>>
    %dma_wait3A_179 = tpu.memref_squeeze %dma_wait3A_178 : memref<1x64xf32, #tpu.memory_space<vmem>> -> memref<64xf32, #tpu.memory_space<vmem>>
    %dma_wait3A_180 = tpu.memref_slice %arg10[%multiple_of3A] : memref<204800xf32, #tpu.memory_space<hbm>> -> memref<64xf32, #tpu.memory_space<hbm>>
    %dma_wait3A_181 = tpu.memref_slice %arg22[%dma_wait3A_176] : memref<2x!tpu.dma_semaphore, #tpu.memory_space<semaphore_mem>> -> memref<1x!tpu.dma_semaphore, #tpu.memory_space<semaphore_mem>>
    %dma_wait3A_182 = tpu.memref_squeeze %dma_wait3A_181 : memref<1x!tpu.dma_semaphore, #tpu.memory_space<semaphore_mem>> -> memref<!tpu.dma_semaphore, #tpu.memory_space<semaphore_mem>>
    %dma_wait3A_183 = tpu.memref_slice %arg10[%multiple_of3A] : memref<204800xf32, #tpu.memory_space<hbm>> -> memref<64xf32, #tpu.memory_space<hbm>>
    %dma_wait3A_184 = arith.constant 0 : i32
    %dma_wait3A_185 = tpu.memref_slice %arg19[%dma_wait3A_175, %dma_wait3A_184] : memref<2x64xf32, #tpu.memory_space<vmem>> -> memref<1x64xf32, #tpu.memory_space<vmem>>
    %dma_wait3A_186 = tpu.memref_squeeze %dma_wait3A_185 : memref<1x64xf32, #tpu.memory_space<vmem>> -> memref<64xf32, #tpu.memory_space<vmem>>
    tpu.wait_dma2 semaphore(%dma_wait3A_182 : memref<!tpu.dma_semaphore, #tpu.memory_space<semaphore_mem>>) src(%dma_wait3A_186 : memref<64xf32, #tpu.memory_space<vmem>>) dst(%dma_wait3A_183 : memref<64xf32, #tpu.memory_space<hbm>>)
    %mul3A_187 = arith.constant 100 : i32
    %mul3A_188 = arith.muli %add3A, %mul3A_187 : i32
    %add3A_189 = arith.constant 99 : i32
    %add3A_190 = arith.addi %mul3A_188, %add3A_189 : i32
    %mul3A_191 = arith.constant 64 : i32
    %mul3A_192 = arith.muli %add3A_190, %mul3A_191 : i32
    %multiple_of3A_193 = tpu.assume_multiple %mul3A_192, 64 : i32
    %dma_wait3A_194 = arith.constant 1 : i32
    %dma_wait3A_195 = arith.constant 1 : i32
    %dma_wait3A_196 = arith.constant 0 : i32
    %dma_wait3A_197 = arith.constant 0 : i32
    %dma_wait3A_198 = tpu.memref_slice %arg17[%dma_wait3A_194, %dma_wait3A_196, %dma_wait3A_197] : memref<2x64x128xf32, #tpu.memory_space<vmem>> -> memref<1x64x128xf32, #tpu.memory_space<vmem>>
    %dma_wait3A_199 = tpu.memref_squeeze %dma_wait3A_198 : memref<1x64x128xf32, #tpu.memory_space<vmem>> -> memref<64x128xf32, #tpu.memory_space<vmem>>
    %dma_wait3A_200 = arith.constant 0 : i32
    %dma_wait3A_201 = tpu.memref_slice %arg8[%multiple_of3A_193, %dma_wait3A_200] : memref<204800x128xf32, #tpu.memory_space<hbm>> -> memref<64x128xf32, #tpu.memory_space<hbm>>
    %dma_wait3A_202 = tpu.memref_slice %arg22[%dma_wait3A_195] : memref<2x!tpu.dma_semaphore, #tpu.memory_space<semaphore_mem>> -> memref<1x!tpu.dma_semaphore, #tpu.memory_space<semaphore_mem>>
    %dma_wait3A_203 = tpu.memref_squeeze %dma_wait3A_202 : memref<1x!tpu.dma_semaphore, #tpu.memory_space<semaphore_mem>> -> memref<!tpu.dma_semaphore, #tpu.memory_space<semaphore_mem>>
    %dma_wait3A_204 = arith.constant 0 : i32
    %dma_wait3A_205 = tpu.memref_slice %arg8[%multiple_of3A_193, %dma_wait3A_204] : memref<204800x128xf32, #tpu.memory_space<hbm>> -> memref<64x128xf32, #tpu.memory_space<hbm>>
    %dma_wait3A_206 = arith.constant 0 : i32
    %dma_wait3A_207 = arith.constant 0 : i32
    %dma_wait3A_208 = tpu.memref_slice %arg17[%dma_wait3A_194, %dma_wait3A_206, %dma_wait3A_207] : memref<2x64x128xf32, #tpu.memory_space<vmem>> -> memref<1x64x128xf32, #tpu.memory_space<vmem>>
    %dma_wait3A_209 = tpu.memref_squeeze %dma_wait3A_208 : memref<1x64x128xf32, #tpu.memory_space<vmem>> -> memref<64x128xf32, #tpu.memory_space<vmem>>
    tpu.wait_dma2 semaphore(%dma_wait3A_203 : memref<!tpu.dma_semaphore, #tpu.memory_space<semaphore_mem>>) src(%dma_wait3A_209 : memref<64x128xf32, #tpu.memory_space<vmem>>) dst(%dma_wait3A_205 : memref<64x128xf32, #tpu.memory_space<hbm>>)
    %dma_wait3A_210 = arith.constant 1 : i32
    %dma_wait3A_211 = arith.constant 1 : i32
    %dma_wait3A_212 = arith.constant 0 : i32
    %dma_wait3A_213 = arith.constant 0 : i32
    %dma_wait3A_214 = tpu.memref_slice %arg18[%dma_wait3A_210, %dma_wait3A_212, %dma_wait3A_213] : memref<2x64x128xf32, #tpu.memory_space<vmem>> -> memref<1x64x128xf32, #tpu.memory_space<vmem>>
    %dma_wait3A_215 = tpu.memref_squeeze %dma_wait3A_214 : memref<1x64x128xf32, #tpu.memory_space<vmem>> -> memref<64x128xf32, #tpu.memory_space<vmem>>
    %dma_wait3A_216 = arith.constant 0 : i32
    %dma_wait3A_217 = tpu.memref_slice %arg9[%multiple_of3A_193, %dma_wait3A_216] : memref<204800x128xf32, #tpu.memory_space<hbm>> -> memref<64x128xf32, #tpu.memory_space<hbm>>
    %dma_wait3A_218 = tpu.memref_slice %arg22[%dma_wait3A_211] : memref<2x!tpu.dma_semaphore, #tpu.memory_space<semaphore_mem>> -> memref<1x!tpu.dma_semaphore, #tpu.memory_space<semaphore_mem>>
    %dma_wait3A_219 = tpu.memref_squeeze %dma_wait3A_218 : memref<1x!tpu.dma_semaphore, #tpu.memory_space<semaphore_mem>> -> memref<!tpu.dma_semaphore, #tpu.memory_space<semaphore_mem>>
    %dma_wait3A_220 = arith.constant 0 : i32
    %dma_wait3A_221 = tpu.memref_slice %arg9[%multiple_of3A_193, %dma_wait3A_220] : memref<204800x128xf32, #tpu.memory_space<hbm>> -> memref<64x128xf32, #tpu.memory_space<hbm>>
    %dma_wait3A_222 = arith.constant 0 : i32
    %dma_wait3A_223 = arith.constant 0 : i32
    %dma_wait3A_224 = tpu.memref_slice %arg18[%dma_wait3A_210, %dma_wait3A_222, %dma_wait3A_223] : memref<2x64x128xf32, #tpu.memory_space<vmem>> -> memref<1x64x128xf32, #tpu.memory_space<vmem>>
    %dma_wait3A_225 = tpu.memref_squeeze %dma_wait3A_224 : memref<1x64x128xf32, #tpu.memory_space<vmem>> -> memref<64x128xf32, #tpu.memory_space<vmem>>
    tpu.wait_dma2 semaphore(%dma_wait3A_219 : memref<!tpu.dma_semaphore, #tpu.memory_space<semaphore_mem>>) src(%dma_wait3A_225 : memref<64x128xf32, #tpu.memory_space<vmem>>) dst(%dma_wait3A_221 : memref<64x128xf32, #tpu.memory_space<hbm>>)
    %dma_wait3A_226 = arith.constant 1 : i32
    %dma_wait3A_227 = arith.constant 1 : i32
    %dma_wait3A_228 = arith.constant 0 : i32
    %dma_wait3A_229 = tpu.memref_slice %arg19[%dma_wait3A_226, %dma_wait3A_228] : memref<2x64xf32, #tpu.memory_space<vmem>> -> memref<1x64xf32, #tpu.memory_space<vmem>>
    %dma_wait3A_230 = tpu.memref_squeeze %dma_wait3A_229 : memref<1x64xf32, #tpu.memory_space<vmem>> -> memref<64xf32, #tpu.memory_space<vmem>>
    %dma_wait3A_231 = tpu.memref_slice %arg10[%multiple_of3A_193] : memref<204800xf32, #tpu.memory_space<hbm>> -> memref<64xf32, #tpu.memory_space<hbm>>
    %dma_wait3A_232 = tpu.memref_slice %arg22[%dma_wait3A_227] : memref<2x!tpu.dma_semaphore, #tpu.memory_space<semaphore_mem>> -> memref<1x!tpu.dma_semaphore, #tpu.memory_space<semaphore_mem>>
    %dma_wait3A_233 = tpu.memref_squeeze %dma_wait3A_232 : memref<1x!tpu.dma_semaphore, #tpu.memory_space<semaphore_mem>> -> memref<!tpu.dma_semaphore, #tpu.memory_space<semaphore_mem>>
    %dma_wait3A_234 = tpu.memref_slice %arg10[%multiple_of3A_193] : memref<204800xf32, #tpu.memory_space<hbm>> -> memref<64xf32, #tpu.memory_space<hbm>>
    %dma_wait3A_235 = arith.constant 0 : i32
    %dma_wait3A_236 = tpu.memref_slice %arg19[%dma_wait3A_226, %dma_wait3A_235] : memref<2x64xf32, #tpu.memory_space<vmem>> -> memref<1x64xf32, #tpu.memory_space<vmem>>
    %dma_wait3A_237 = tpu.memref_squeeze %dma_wait3A_236 : memref<1x64xf32, #tpu.memory_space<vmem>> -> memref<64xf32, #tpu.memory_space<vmem>>
    tpu.wait_dma2 semaphore(%dma_wait3A_233 : memref<!tpu.dma_semaphore, #tpu.memory_space<semaphore_mem>>) src(%dma_wait3A_237 : memref<64xf32, #tpu.memory_space<vmem>>) dst(%dma_wait3A_234 : memref<64xf32, #tpu.memory_space<hbm>>)
    return
  }
}

module attributes {stable_mosaic.version = 14 : i64} {
  func.func @_tc_body(%arg0: i32, %arg1: memref<2048x128xf32, #tpu.memory_space<vmem>>, %arg2: memref<2048x128xf32, #tpu.memory_space<vmem>>, %arg3: memref<8x16xf32, #tpu.memory_space<vmem>>, %arg4: memref<176x128xf32, #tpu.memory_space<vmem>>, %arg5: memref<80x128xf32, #tpu.memory_space<vmem>>, %arg6: memref<80x128xf32, #tpu.memory_space<vmem>>, %arg7: memref<1x128xf32, #tpu.memory_space<vmem>>, %arg8: memref<1x128xf32, #tpu.memory_space<vmem>>, %arg9: memref<1x128xf32, #tpu.memory_space<vmem>>, %arg10: memref<2048x128xf32, #tpu.memory_space<vmem>>) attributes {dimension_semantics = [#tpu.dimension_semantics<arbitrary>], iteration_bounds = array<i64: 100>, scalar_prefetch = 0 : i64, scratch_operands = 0 : i64, tpu.core_type = #tpu.core_type<tc>, window_params = [{transform_indices = @transform_0, window_bounds = array<i64: 2048, 128>}, {transform_indices = @transform_1, window_bounds = array<i64: 2048, 128>}, {pipeline_mode = #tpu.pipeline_mode<synchronous>, transform_indices = @transform_2, window_bounds = array<i64: 8, 16>}, {pipeline_mode = #tpu.pipeline_mode<synchronous>, transform_indices = @transform_3, window_bounds = array<i64: 176, 128>}, {pipeline_mode = #tpu.pipeline_mode<synchronous>, transform_indices = @transform_4, window_bounds = array<i64: 80, 128>}, {pipeline_mode = #tpu.pipeline_mode<synchronous>, transform_indices = @transform_5, window_bounds = array<i64: 80, 128>}, {pipeline_mode = #tpu.pipeline_mode<synchronous>, transform_indices = @transform_6, window_bounds = array<i64: 1, 128>}, {pipeline_mode = #tpu.pipeline_mode<synchronous>, transform_indices = @transform_7, window_bounds = array<i64: 1, 128>}, {pipeline_mode = #tpu.pipeline_mode<synchronous>, transform_indices = @transform_8, window_bounds = array<i64: 1, 128>}, {transform_indices = @transform_9, window_bounds = array<i64: 2048, 128>}]} {
    %get3A = arith.constant 0 : index
    %get3A_0 = arith.constant 0 : index
    %get3A_1 = vector.load %arg1[%get3A, %get3A_0] : memref<2048x128xf32, #tpu.memory_space<vmem>>, vector<2048x128xf32>
    %get3A_2 = arith.constant 0 : index
    %get3A_3 = arith.constant 0 : index
    %get3A_4 = vector.load %arg2[%get3A_2, %get3A_3] : memref<2048x128xf32, #tpu.memory_space<vmem>>, vector<2048x128xf32>
    %slice3A = vector.extract_strided_slice %get3A_1 {offsets = [0, 0], sizes = [2048, 64], strides = [1, 1]} : vector<2048x128xf32> to vector<2048x64xf32>
    %slice3A_5 = vector.extract_strided_slice %get3A_1 {offsets = [0, 64], sizes = [2048, 64], strides = [1, 1]} : vector<2048x128xf32> to vector<2048x64xf32>
    %slice3A_6 = vector.extract_strided_slice %get3A_4 {offsets = [0, 0], sizes = [2048, 64], strides = [1, 1]} : vector<2048x128xf32> to vector<2048x64xf32>
    %mul3A = arith.constant 2.500000e-01 : f32
    %mul3A_7 = vector.broadcast %mul3A : f32 to vector<2048x64xf32>
    %mul3A_8 = arith.mulf %slice3A_6, %mul3A_7 : vector<2048x64xf32>
    %slice3A_9 = vector.extract_strided_slice %get3A_4 {offsets = [0, 64], sizes = [2048, 16], strides = [1, 1]} : vector<2048x128xf32> to vector<2048x16xf32>
    %slice3A_10 = vector.extract_strided_slice %get3A_4 {offsets = [0, 80], sizes = [2048, 16], strides = [1, 1]} : vector<2048x128xf32> to vector<2048x16xf32>
    %slice3A_11 = vector.extract_strided_slice %get3A_4 {offsets = [0, 96], sizes = [2048, 8], strides = [1, 1]} : vector<2048x128xf32> to vector<2048x8xf32>
    %get3A_12 = arith.constant 0 : index
    %get3A_13 = arith.constant 0 : index
    %get3A_14 = vector.load %arg3[%get3A_12, %get3A_13] : memref<8x16xf32, #tpu.memory_space<vmem>>, vector<8x16xf32>
    %dot_general3A = arith.constant dense<0.000000e+00> : vector<2048x16xf32>
    %dot_general3A_15 = tpu.matmul %slice3A_11, %get3A_14, %dot_general3A {dimension_numbers = #tpu.dot_dimension_numbers<[1], [0], [0], [1], [0, 0, 1, 1], [], []>, transpose_lhs_hint = false} : vector<2048x8xf32>, vector<8x16xf32>, vector<2048x16xf32> -> vector<2048x16xf32>
    %get3A_16 = arith.constant 0 : index
    %get3A_17 = arith.constant 0 : index
    %get3A_18 = vector.load %arg4[%get3A_16, %get3A_17] : memref<176x128xf32, #tpu.memory_space<vmem>>, vector<16x128xf32>
    %dot_general3A_19 = arith.constant dense<0.000000e+00> : vector<2048x128xf32>
    %dot_general3A_20 = tpu.matmul %dot_general3A_15, %get3A_18, %dot_general3A_19 {dimension_numbers = #tpu.dot_dimension_numbers<[1], [0], [0], [1], [0, 0, 1, 1], [], []>, transpose_lhs_hint = false} : vector<2048x16xf32>, vector<16x128xf32>, vector<2048x128xf32> -> vector<2048x128xf32>
    %get3A_21 = arith.constant 16 : index
    %get3A_22 = arith.constant 0 : index
    %get3A_23 = vector.load %arg4[%get3A_21, %get3A_22] : memref<176x128xf32, #tpu.memory_space<vmem>>, vector<64x128xf32>
    %dot_general3A_24 = arith.constant dense<0.000000e+00> : vector<2048x128xf32>
    %dot_general3A_25 = tpu.matmul %slice3A, %get3A_23, %dot_general3A_24 {dimension_numbers = #tpu.dot_dimension_numbers<[1], [0], [0], [1], [0, 0, 1, 1], [], []>, transpose_lhs_hint = false} : vector<2048x64xf32>, vector<64x128xf32>, vector<2048x128xf32> -> vector<2048x128xf32>
    %add3A = arith.addf %dot_general3A_20, %dot_general3A_25 : vector<2048x128xf32>
    %get3A_26 = arith.constant 80 : index
    %get3A_27 = arith.constant 0 : index
    %get3A_28 = vector.load %arg4[%get3A_26, %get3A_27] : memref<176x128xf32, #tpu.memory_space<vmem>>, vector<16x128xf32>
    %dot_general3A_29 = arith.constant dense<0.000000e+00> : vector<2048x128xf32>
    %dot_general3A_30 = tpu.matmul %slice3A_9, %get3A_28, %dot_general3A_29 {dimension_numbers = #tpu.dot_dimension_numbers<[1], [0], [0], [1], [0, 0, 1, 1], [], []>, transpose_lhs_hint = false} : vector<2048x16xf32>, vector<16x128xf32>, vector<2048x128xf32> -> vector<2048x128xf32>
    %add3A_31 = arith.addf %add3A, %dot_general3A_30 : vector<2048x128xf32>
    %get3A_32 = arith.constant 96 : index
    %get3A_33 = arith.constant 0 : index
    %get3A_34 = vector.load %arg4[%get3A_32, %get3A_33] : memref<176x128xf32, #tpu.memory_space<vmem>>, vector<16x128xf32>
    %dot_general3A_35 = arith.constant dense<0.000000e+00> : vector<2048x128xf32>
    %dot_general3A_36 = tpu.matmul %slice3A_10, %get3A_34, %dot_general3A_35 {dimension_numbers = #tpu.dot_dimension_numbers<[1], [0], [0], [1], [0, 0, 1, 1], [], []>, transpose_lhs_hint = false} : vector<2048x16xf32>, vector<16x128xf32>, vector<2048x128xf32> -> vector<2048x128xf32>
    %add3A_37 = arith.addf %add3A_31, %dot_general3A_36 : vector<2048x128xf32>
    %get3A_38 = arith.constant 112 : index
    %get3A_39 = arith.constant 0 : index
    %get3A_40 = vector.load %arg4[%get3A_38, %get3A_39] : memref<176x128xf32, #tpu.memory_space<vmem>>, vector<64x128xf32>
    %dot_general3A_41 = arith.constant dense<0.000000e+00> : vector<2048x128xf32>
    %dot_general3A_42 = tpu.matmul %mul3A_8, %get3A_40, %dot_general3A_41 {dimension_numbers = #tpu.dot_dimension_numbers<[1], [0], [0], [1], [0, 0, 1, 1], [], []>, transpose_lhs_hint = false} : vector<2048x64xf32>, vector<64x128xf32>, vector<2048x128xf32> -> vector<2048x128xf32>
    %add3A_43 = arith.addf %add3A_37, %dot_general3A_42 : vector<2048x128xf32>
    %get3A_44 = arith.constant 0 : index
    %get3A_45 = arith.constant 0 : index
    %get3A_46 = vector.load %arg7[%get3A_44, %get3A_45] : memref<1x128xf32, #tpu.memory_space<vmem>>, vector<1x128xf32>
    %add3A_47 = vector.broadcast %get3A_46 : vector<1x128xf32> to vector<2048x128xf32>
    %add3A_48 = arith.addf %add3A_43, %add3A_47 : vector<2048x128xf32>
    %get3A_49 = arith.constant 0 : index
    %get3A_50 = arith.constant 0 : index
    %get3A_51 = vector.load %arg5[%get3A_49, %get3A_50] : memref<80x128xf32, #tpu.memory_space<vmem>>, vector<64x128xf32>
    %dot_general3A_52 = arith.constant dense<0.000000e+00> : vector<2048x128xf32>
    %dot_general3A_53 = tpu.matmul %slice3A_5, %get3A_51, %dot_general3A_52 {dimension_numbers = #tpu.dot_dimension_numbers<[1], [0], [0], [1], [0, 0, 1, 1], [], []>, transpose_lhs_hint = false} : vector<2048x64xf32>, vector<64x128xf32>, vector<2048x128xf32> -> vector<2048x128xf32>
    %get3A_54 = arith.constant 64 : index
    %get3A_55 = arith.constant 0 : index
    %get3A_56 = vector.load %arg5[%get3A_54, %get3A_55] : memref<80x128xf32, #tpu.memory_space<vmem>>, vector<16x128xf32>
    %dot_general3A_57 = arith.constant dense<0.000000e+00> : vector<2048x128xf32>
    %dot_general3A_58 = tpu.matmul %dot_general3A_15, %get3A_56, %dot_general3A_57 {dimension_numbers = #tpu.dot_dimension_numbers<[1], [0], [0], [1], [0, 0, 1, 1], [], []>, transpose_lhs_hint = false} : vector<2048x16xf32>, vector<16x128xf32>, vector<2048x128xf32> -> vector<2048x128xf32>
    %add3A_59 = arith.addf %dot_general3A_53, %dot_general3A_58 : vector<2048x128xf32>
    %get3A_60 = arith.constant 0 : index
    %get3A_61 = arith.constant 0 : index
    %get3A_62 = vector.load %arg8[%get3A_60, %get3A_61] : memref<1x128xf32, #tpu.memory_space<vmem>>, vector<1x128xf32>
    %add3A_63 = vector.broadcast %get3A_62 : vector<1x128xf32> to vector<2048x128xf32>
    %add3A_64 = arith.addf %add3A_59, %add3A_63 : vector<2048x128xf32>
    %get3A_65 = arith.constant 0 : index
    %get3A_66 = arith.constant 0 : index
    %get3A_67 = vector.load %arg6[%get3A_65, %get3A_66] : memref<80x128xf32, #tpu.memory_space<vmem>>, vector<16x128xf32>
    %dot_general3A_68 = arith.constant dense<0.000000e+00> : vector<2048x128xf32>
    %dot_general3A_69 = tpu.matmul %dot_general3A_15, %get3A_67, %dot_general3A_68 {dimension_numbers = #tpu.dot_dimension_numbers<[1], [0], [0], [1], [0, 0, 1, 1], [], []>, transpose_lhs_hint = false} : vector<2048x16xf32>, vector<16x128xf32>, vector<2048x128xf32> -> vector<2048x128xf32>
    %get3A_70 = arith.constant 16 : index
    %get3A_71 = arith.constant 0 : index
    %get3A_72 = vector.load %arg6[%get3A_70, %get3A_71] : memref<80x128xf32, #tpu.memory_space<vmem>>, vector<64x128xf32>
    %dot_general3A_73 = arith.constant dense<0.000000e+00> : vector<2048x128xf32>
    %dot_general3A_74 = tpu.matmul %mul3A_8, %get3A_72, %dot_general3A_73 {dimension_numbers = #tpu.dot_dimension_numbers<[1], [0], [0], [1], [0, 0, 1, 1], [], []>, transpose_lhs_hint = false} : vector<2048x64xf32>, vector<64x128xf32>, vector<2048x128xf32> -> vector<2048x128xf32>
    %add3A_75 = arith.addf %dot_general3A_69, %dot_general3A_74 : vector<2048x128xf32>
    %get3A_76 = arith.constant 0 : index
    %get3A_77 = arith.constant 0 : index
    %get3A_78 = vector.load %arg9[%get3A_76, %get3A_77] : memref<1x128xf32, #tpu.memory_space<vmem>>, vector<1x128xf32>
    %add3A_79 = vector.broadcast %get3A_78 : vector<1x128xf32> to vector<2048x128xf32>
    %add3A_80 = arith.addf %add3A_75, %add3A_79 : vector<2048x128xf32>
    %max3A = arith.constant 0.000000e+00 : f32
    %max3A_81 = vector.broadcast %max3A : f32 to vector<2048x128xf32>
    %max3A_82 = arith.maximumf %add3A_48, %max3A_81 : vector<2048x128xf32>
    %max3A_83 = arith.constant 0.000000e+00 : f32
    %max3A_84 = vector.broadcast %max3A_83 : f32 to vector<2048x128xf32>
    %max3A_85 = arith.maximumf %add3A_64, %max3A_84 : vector<2048x128xf32>
    %max3A_86 = arith.constant 0.000000e+00 : f32
    %max3A_87 = vector.broadcast %max3A_86 : f32 to vector<2048x128xf32>
    %max3A_88 = arith.maximumf %add3A_80, %max3A_87 : vector<2048x128xf32>
    %slice3A_89 = vector.extract_strided_slice %get3A_4 {offsets = [0, 97], sizes = [2048, 3], strides = [1, 1]} : vector<2048x128xf32> to vector<2048x3xf32>
    %reduce_sum3A = arith.constant dense<0.000000e+00> : vector<2048xf32>
    %reduce_sum3A_90 = vector.multi_reduction <add>, %slice3A_89, %reduce_sum3A [1] : vector<2048x3xf32> to vector<2048xf32>
    %broadcast_in_dim3A = vector.shape_cast %reduce_sum3A_90 : vector<2048xf32> to vector<2048x1xf32>
    %slice3A_91 = vector.extract_strided_slice %get3A_4 {offsets = [0, 100], sizes = [2048, 1], strides = [1, 1]} : vector<2048x128xf32> to vector<2048x1xf32>
    %slice3A_92 = vector.extract_strided_slice %get3A_4 {offsets = [0, 101], sizes = [2048, 1], strides = [1, 1]} : vector<2048x128xf32> to vector<2048x1xf32>
    %mul3A_93 = vector.broadcast %broadcast_in_dim3A : vector<2048x1xf32> to vector<2048x128xf32>
    %mul3A_94 = arith.mulf %max3A_82, %mul3A_93 : vector<2048x128xf32>
    %mul3A_95 = vector.broadcast %slice3A_91 : vector<2048x1xf32> to vector<2048x128xf32>
    %mul3A_96 = arith.mulf %max3A_85, %mul3A_95 : vector<2048x128xf32>
    %add3A_97 = arith.addf %mul3A_94, %mul3A_96 : vector<2048x128xf32>
    %mul3A_98 = vector.broadcast %slice3A_92 : vector<2048x1xf32> to vector<2048x128xf32>
    %mul3A_99 = arith.mulf %max3A_88, %mul3A_98 : vector<2048x128xf32>
    %add3A_100 = arith.addf %add3A_97, %mul3A_99 : vector<2048x128xf32>
    %swap3A = arith.constant 0 : index
    %swap3A_101 = arith.constant 0 : index
    %swap3A_102 = vector.load %arg10[%swap3A, %swap3A_101] : memref<2048x128xf32, #tpu.memory_space<vmem>>, vector<2048x128xf32>
    tpu.vector_store %arg10[%swap3A, %swap3A_101], %add3A_100 {strides = array<i32>} : memref<2048x128xf32, #tpu.memory_space<vmem>>, vector<2048x128xf32>,
    return
  }
  func.func @transform_0(%arg0: i32) -> (i32, i32) {
    %c0_i32 = arith.constant 0 : i32
    %c0_i32_0 = arith.constant 0 : i32
    return %arg0, %c0_i32 : i32, i32
  }
  func.func @transform_1(%arg0: i32) -> (i32, i32) {
    %c0_i32 = arith.constant 0 : i32
    %c0_i32_0 = arith.constant 0 : i32
    return %arg0, %c0_i32 : i32, i32
  }
  func.func @transform_2(%arg0: i32) -> (i32, i32) {
    %c0_i32 = arith.constant 0 : i32
    %c0_i32_0 = arith.constant 0 : i32
    %c0_i32_1 = arith.constant 0 : i32
    return %c0_i32, %c0_i32_0 : i32, i32
  }
  func.func @transform_3(%arg0: i32) -> (i32, i32) {
    %c0_i32 = arith.constant 0 : i32
    %c0_i32_0 = arith.constant 0 : i32
    %c0_i32_1 = arith.constant 0 : i32
    return %c0_i32, %c0_i32_0 : i32, i32
  }
  func.func @transform_4(%arg0: i32) -> (i32, i32) {
    %c0_i32 = arith.constant 0 : i32
    %c0_i32_0 = arith.constant 0 : i32
    %c0_i32_1 = arith.constant 0 : i32
    return %c0_i32, %c0_i32_0 : i32, i32
  }
  func.func @transform_5(%arg0: i32) -> (i32, i32) {
    %c0_i32 = arith.constant 0 : i32
    %c0_i32_0 = arith.constant 0 : i32
    %c0_i32_1 = arith.constant 0 : i32
    return %c0_i32, %c0_i32_0 : i32, i32
  }
  func.func @transform_6(%arg0: i32) -> (i32, i32) {
    %c0_i32 = arith.constant 0 : i32
    %c0_i32_0 = arith.constant 0 : i32
    %c0_i32_1 = arith.constant 0 : i32
    return %c0_i32, %c0_i32_0 : i32, i32
  }
  func.func @transform_7(%arg0: i32) -> (i32, i32) {
    %c0_i32 = arith.constant 0 : i32
    %c0_i32_0 = arith.constant 0 : i32
    %c0_i32_1 = arith.constant 0 : i32
    return %c0_i32, %c0_i32_0 : i32, i32
  }
  func.func @transform_8(%arg0: i32) -> (i32, i32) {
    %c0_i32 = arith.constant 0 : i32
    %c0_i32_0 = arith.constant 0 : i32
    %c0_i32_1 = arith.constant 0 : i32
    return %c0_i32, %c0_i32_0 : i32, i32
  }
  func.func @transform_9(%arg0: i32) -> (i32, i32) {
    %c0_i32 = arith.constant 0 : i32
    %c0_i32_0 = arith.constant 0 : i32
    return %arg0, %c0_i32 : i32, i32
  }
}

</mosaic_0001>

<sc_bundles>
// kernel: kernel.4.cloned.1.call-start
scs
__scs_entry_jumppad:
0x0: {  	(pc) =	sbr.rel $0x88, $3  }
0x1: {  	(tag) =	ssettag $0x0;
	lr =	simm.s32 $0x1  }
0x2: {  	[smem:$0x3F8F] =	sst lr;
	_ =	strace $0xD0000000  }
0x3: {  	_ = 	snop  }
0x4: {  	_ = 	snop  }
0x5: {  	_ = 	snop  }
0x6: {  	_ = 	snop  }
0x7: {  	_ = 	snop  }
__scs_overlays_trampoline_lowered:
0x8: {  	[smem:$0x3F9E] =	sst s0  }
0x9: {  	[smem:$0x3F9F] =	sst s1  }
0xa: {  	[smem:$0x3FA0] =	sst s2  }
0xb: {  	[smem:$0x3FA1] =	sst s3  }
0xc: {  	[smem:$0x3FA2] =	sst s4  }
0xd: {  	[smem:$0x3FA3] =	sst s5  }
0xe: {  	[smem:$0x3FA4] =	sst s6  }
0xf: {  	[smem:$0x3FA5] =	sst s7  }
0x10: {  	[smem:$0x3FA6] =	sst s8  }
0x11: {  	[smem:$0x3FA7] =	sst s9;
	s0 =	simm.s32 @!p0 $0x0  }
0x12: {  	s1 =	sld [smem:$0x3F8D];
	s0 =	simm.s32 @p0 $0x1  }
0x13: {  	[smem:$0x3FA8] =	sst s0;
	s0 =	simm.s32 @!p1 $0x0  }
0x14: {  	s2 =	sld [smem:$0x3F8C];
	s0 =	simm.s32 @p1 $0x1  }
0x15: {  	[smem:$0x3FA9] =	sst s0;
	s0 =	simm.s32 @!p2 $0x0  }
0x16: {  	s3 =	sld [smem:$0x3FDB];
	s0 =	simm.s32 @p2 $0x1  }
0x17: {  	s4 =	simm.s32 $0x1BF5;
	[smem:$0x3FAB] =	sst s0  }
0x18: {  	s0 =	sld [smem:$0x3F8E];
	_ =	swait.ge [sflag:s4], $0x0  }
0x19: {  	s7 =	sld [smem:$0x3F8F]  }
0x1a: {  	s8 =	sadd.s32 $0xFFFFE003, lr  }
0x1b: {  	s9 =	sadd.s32 $0xFFFFFEF7, lr;
	s5 =	simm.s32 $0xFFFFFFFF;
	p2 =	slt.u32 s8, $0xFFFFF086  }
0x1c: {  	p1 =	slt.u32 s9, $0xF7A;
	s5 =	simm.s32 @!p2 $0x0  }
0x1d: {  	s5 =	simm.s32 @p1 $0x1;
	p0 =	seq.s32 s7, s2  }
0x1e: {  	s7 =	smul.u32 @!p0 $0xF7A, s2;
	p2 =	seq.s32 @!p0 s5, $0x0  }
0x1f: {  	s9 =	smul.u32 $0xF7A, s1;
	s8 =	simm.s32 @!p0 $0x1BF5;
	p2 =	por !p2, p0  }
0x20: {  	[sflag:s8] =	ssyncset.s32 @!p0 $0xFFFFF086;
	s6 =	sadd.s32 @!p0 s3, s7;
	s7 =	simm.s32 @!p0 $0x108  }
0x21: {  	s3 =	sadd.s32 s3, s9;
	s6 =	sadd.s32 @!p0 $0x88, s6;
	s7 =	simm.s32 @p2 $0x1082  }
0x22: {  	[simem:s7], [sflag:s8] =	dma.local @!p0 [hbm:s6], $0xF7A  }
0x23: {  	s9 =	sor.u32 $0xD0000000, s2;
	s6 =	simm.s32 $0x108;
	_ =	swait.ge @!p0 [sflag:s8], $0x0  }
0x24: {  	s3 =	sadd.s32 $0x88, s3;
	s6 =	simm.s32 @!p1 $0x1082;
	[sflag:s4] =	ssyncset.s32 $0xFFFFF086  }
0x25: {  	[simem:s6], [sflag:s4] =	dma.local [hbm:s3], $0xF7A  }
0x26: {  	[smem:$0x3F8F] =	sst s1;
	(tag) =	ssettag s2;
	_ =	strace s9  }
0x27: {  	s1 =	sld [smem:$0x3F9F]  }
0x28: {  	s2 =	sld [smem:$0x3FA0]  }
0x29: {  	s4 =	sld [smem:$0x3FA2]  }
0x2a: {  	p0 =	seq.s32 s5, $0x0;
	s5 =	sld [smem:$0x3FA3]  }
0x2b: {  	s6 =	sld [smem:$0x3FA4]  }
0x2c: {  	s7 =	sld [smem:$0x3FA5]  }
0x2d: {  	s3 =	simm.s32 $0x108;
	s8 =	sld [smem:$0x3FA6]  }
0x2e: {  	s3 =	simm.s32 @!p0 $0x1082;
	s9 =	sld [smem:$0x3FA7]  }
0x2f: {  	lr =	sadd.s32 s0, s3;
	s0 =	sld [smem:$0x3F9E]  }
0x30: {  	s3 =	sld [smem:$0x3FA1]  }
0x31: {  	[smem:$0x3FAA] =	sst s10  }
0x32: {  	s10 =	sld [smem:$0x3FA8];
	_ =	sdelay $0x3  }
0x33: {  	p0 =	seq.s32 s10, $0x1;
	s10 =	sld [smem:$0x3FAA];
	_ =	sdelay $0x3  }
0x34: {  	[smem:$0x3FAA] =	sst s10  }
0x35: {  	s10 =	sld [smem:$0x3FA9];
	_ =	sdelay $0x3  }
0x36: {  	p1 =	seq.s32 s10, $0x1;
	s10 =	sld [smem:$0x3FAA];
	_ =	sdelay $0x3  }
0x37: {  	[smem:$0x3FAA] =	sst s10  }
0x38: {  	s10 =	sld [smem:$0x3FAB]  }
0x39: {  	_ = 	snop;
	(pc) =	sbr.ind lr, $3  }
0x3a: {  	_ = 	snop  }
0x3b: {  	_ = 	snop  }
0x3c: {  	p2 =	seq.s32 s10, $0x1;
	s10 =	sld [smem:$0x3FAA]  }
0x3d: {  	_ =	shalt  }
0x3e: {  	_ =	shalt  }
0x3f: {  	_ =	shalt  }
0x40: {  	_ =	shalt  }
0x41: {  	_ =	shalt  }
0x42: {  	_ =	shalt  }
0x43: {  	_ =	shalt  }
0x44: {  	_ =	shalt  }
0x45: {  	_ =	shalt  }
0x46: {  	_ =	shalt  }
0x47: {  	_ =	shalt  }
0x48: {  	_ =	shalt  }
0x49: {  	_ =	shalt  }
0x4a: {  	_ =	shalt  }
0x4b: {  	_ =	shalt  }
0x4c: {  	_ =	shalt  }
0x4d: {  	_ =	shalt  }
0x4e: {  	_ =	shalt  }
0x4f: {  	_ =	shalt  }
0x50: {  	_ =	shalt  }
0x51: {  	_ =	shalt  }
0x52: {  	_ =	shalt  }
0x53: {  	_ =	shalt  }
0x54: {  	_ =	shalt  }
0x55: {  	_ =	shalt  }
0x56: {  	_ =	shalt  }
0x57: {  	_ =	shalt  }
0x58: {  	_ =	shalt  }
0x59: {  	_ =	shalt  }
0x5a: {  	_ =	shalt  }
0x5b: {  	_ =	shalt  }
0x5c: {  	_ =	shalt  }
0x5d: {  	_ =	shalt  }
0x5e: {  	_ =	shalt  }
0x5f: {  	_ =	shalt  }
0x60: {  	_ =	shalt  }
0x61: {  	_ =	shalt  }
0x62: {  	_ =	shalt  }
0x63: {  	_ =	shalt  }
0x64: {  	_ =	shalt  }
0x65: {  	_ =	shalt  }
0x66: {  	_ =	shalt  }
0x67: {  	_ =	shalt  }
0x68: {  	_ =	shalt  }
0x69: {  	_ =	shalt  }
0x6a: {  	_ =	shalt  }
0x6b: {  	_ =	shalt  }
0x6c: {  	_ =	shalt  }
0x6d: {  	_ =	shalt  }
0x6e: {  	_ =	shalt  }
0x6f: {  	_ =	shalt  }
0x70: {  	_ =	shalt  }
0x71: {  	_ =	shalt  }
0x72: {  	_ =	shalt  }
0x73: {  	_ =	shalt  }
0x74: {  	_ =	shalt  }
0x75: {  	_ =	shalt  }
0x76: {  	_ =	shalt  }
0x77: {  	_ =	shalt  }
0x78: {  	_ =	shalt  }
0x79: {  	_ =	shalt  }
0x7a: {  	_ =	shalt  }
0x7b: {  	_ =	shalt  }
0x7c: {  	_ =	shalt  }
0x7d: {  	_ =	shalt  }
0x7e: {  	_ =	shalt  }
0x7f: {  	_ =	shalt  }
0x80: {  	_ =	shalt  }
0x81: {  	_ =	shalt  }
0x82: {  	_ =	shalt  }
0x83: {  	_ =	shalt  }
0x84: {  	_ =	shalt  }
0x85: {  	_ =	shalt  }
0x86: {  	_ =	shalt  }
0x87: {  	_ =	shalt  }
.Lfunc_end0:
.L_simem_size_0:
called_computation_lowered:
.L_overlay_start_0:
0x88: {  	s2 =	sld [smem:$0x3FD9]  }
0x89: {  	s3 =	sld [smem:$0x3FFE];
	_ =	sdelay $0x1  }
0x8a: {  	s1 =	srdreg.scid  }
0x8b: {  	s0 =	sand.u32 $0x1, s1  }
0x8c: {  	s14 =	sshll.u32 s0, $0xA;
	s2 =	sadd.s32 s3, s2  }
0x8d: {  	s2 =	sadd.s32 s2, s14  }
0x8e: {  	[smem:$0x3FB6] =	sst s2  }
0x8f: {  	_ = 	snop  }
0x90: {  	s2 =	sld [smem:$0x3FD0];
	_ =	sdelay $0x2  }
0x91: {  	s15 =	simm.s32 $0xA;
	s4 =	simm.s32 $0x10  }
0x92: {  	[smem:s4], [sflag:s15] =	dma.local [hbm:s2], $0x1  }
0x93: {  	_ =	swait.eq [sflag:s15], $0x1  }
0x94: {  	[sflag:s15] =	ssyncset.done $0x0  }
0x95: {  	s16 =	sld [smem:$0x10];
	[sflag:s15] =	ssyncadd.s32 $0xFFFFFFFF  }
0x96: {  	s17 =	sld [smem:$0x11];
	(tm) =	ssettm $0x1  }
0x97: {  	s18 =	sld [smem:$0x3FFB];
	_ =	sdelay $0x3  }
0x98: {  	_ =	strace s18  }
0x99: {  	s4 =	sld [smem:$0x3FFC];
	_ =	sdelay $0x3  }
0x9a: {  	_ =	strace s4  }
0x9b: {  	s4 =	sld [smem:$0x3FFD];
	_ =	sdelay $0x3  }
0x9c: {  	_ =	strace s4  }
0x9d: {  	_ =	strace $0x8FFFFFFF  }
0x9e: {  	s19 =	sld [smem:$0x3FDB];
	_ =	sdelay $0x1  }
0x9f: {  	s5 =	simm.s32 $_scs_section_size  }
0xa0: {  	s6 =	simm.s32 $_size__tile_overlayer_lowered;
	s7 =	simm.s32 $_tile_overlayer_lowered  }
0xa1: {  	s22 =	simm.s32 $0x1BFF;
	s21 =	sshll.u32 s7, $0x1;
	s4 =	sadd.s32 s5, s19  }
0xa2: {  	s8 =	simm.s32 $0x0;
	s20 =	sshll.u32 s6, $0x1;
	s6 =	sadd.s32 s21, s4  }
0xa3: {  	[timem:s8], [sflag:s22] =	dma.local [hbm:s6], s20  }
0xa4: {  	_ =	swait.ge [sflag:s22], s20  }
0xa5: {  	s5 =	ssub.s32 $0x0, s20;
	[sflag:s22] =	ssyncset.done $0x0  }
0xa6: {  	[sflag:s22] =	ssyncadd.s32 s5;
	_ =	sdelay $0x1  }
0xa7: {  	s23 =	simm.s32 $0x1B8B  }
0xa8: {  	_ =	swait.ge [sflag:s23], $0x1  }
0xa9: {  	[sflag:s23] =	ssyncset.done $0x0  }
0xaa: {  	s25 =	simm.s32 $0x1B8E;
	s24 =	sld [smem:$0x3FFE];
	[sflag:s23] =	ssyncadd.s32 $0xFFFFFFFF  }
0xab: {  	s26 =	simm.s32 $execute0_lowered;
	[smem:$0x3FD2] =	sst s25  }
0xac: {  	s6 =	sshll.u32 s26, $0x1;
	_ =	strace $0x80000046;
	[dreg:$0x1] =	wrdreg $0xFFFFFFFF  }
0xad: {  	s28 =	simm.s32 $_size_execute0_lowered;
	s4 =	sadd.s32 s4, s6;
	[dreg:$0x0] =	wrdreg $0x0  }
0xae: {  	s6 =	sshll.u32 s28, $0x1;
	[dreg:$0x2] =	wrdreg s4  }
0xaf: {  	[dreg:$0x3] =	wrdreg s6  }
0xb0: {  	[dreg:$0x4] =	wrdreg $0xC0  }
0xb1: {  	_ =	task [dreg:s8], $0x5FFFF  }
0xb2: {  	[dreg:$0x1] =	wrdreg $0xFFFFFFFF  }
0xb3: {  	[dreg:$0x0] =	wrdreg $0x60  }
0xb4: {  	[dreg:$0x2] =	wrdreg s24  }
0xb5: {  	[dreg:$0x3] =	wrdreg s16  }
0xb6: {  	[dreg:$0x4] =	wrdreg s17  }
0xb7: {  	[dreg:$0x5] =	wrdreg $0x9  }
0xb8: {  	_ =	task.clear_ibuf [dreg:s8], $0x6FFFF;
	_ =	strace $0x90000046  }
0xb9: {  	s29 =	simm.s32 $0x9;
	_ =	strace $0x80000048  }
0xba: {  	_ =	swait.ge [sflag:s29], $0x1  }
0xbb: {  	[sflag:s29] =	ssyncadd.s32 $0xFFFFFFFF  }
0xbc: {  	_ =	strace $0x90000048  }
0xbd: {  	_ =	sfence  }
0xbe: {  	s30 =	sld [smem:$0x0];
	_ =	sdelay $0x2  }
0xbf: {  	s31 =	sshll.u32 s1, $0xD;
	s1 =	sshrl.u32 s1, $0x2  }
0xc0: {  	s3 =	sand.u32 $0x4000, s31;
	s1 =	sadd.s32 s1, s30  }
0xc1: {  	s0 =	sor.u32 s3, s0;
	s1 =	sshll.u32 s1, $0x11  }
0xc2: {  	s0 =	sor.u32 s1, s0  }
0xc3: {  	s0 =	sadd.s32 $0x8F2B, s0  }
0xc4: {  	[sflag:s0] =	ssyncadd.remote.s32 $0x1  }
0xc5: {  	_ =	sfence.sel $0xFFFF  }
0xc6: {  	[dreg:$0x0] =	wrdreg $0xFFFFFFFF;
	(pc) =	sbr.abs _section_cstart, $3  }
0xc7: {  	[dreg:$0x1] =	wrdreg $0xFFFFFFFF  }
0xc8: {  	_ =	task.clear_ibuf [dreg:s8], $0x2FFFF;
	_ =	strace $0x9FFFFFFF  }
0xc9: {  	(tm) =	ssettm $0x7FFFFFFF  }
tec
execute0_lowered:
.L_overlay_start_1:
0x0: {  	(tag) =	ssettag $0x1  }
0x1: {  	s0 =	rddreg [dreg:$0x0]  }
0x2: {  	s12 =	rddreg [dreg:$0x1];
	s14 =	simm.s32 $0x0;
	s1 =	srdreg.scid  }
0x3: {  	s2 =	stileid.u32;
	[smem:$0x7FF] =	sst s14  }
0x4: {  	s1 =	sand.u32 $0x1, s1;
	s2 =	sshll.u32 s2, $0x1;
	s20 =	sadd.s32 $0xF7D600, s0  }
0x5: {  	s19 =	sadd.s32 $0x2E00, s0;
	s7 =	sadd.s32 $0xFE800, s0;
	s17 =	sadd.s32 $0x1C1E00, s0  }
0x6: {  	s25 =	sadd.s32 $0x3B200, s0;
	s30 =	sadd.s32 $0x1C2000, s0;
	s0 =	sadd.s32 $0x4E2000, s0  }
0x7: {  	_ =	strace $0x80000047;
	s2 =	sor.u32 s1, s2;
	[dreg:$0x8] =	wrdreg s0  }
0x8: {  	[dreg:$0x4] =	wrdreg s19;
	s3 =	smul.u32 $0x1C20, s2  }
0x9: {  	[dreg:$0x5] =	wrdreg s17;
	s28 =	smul.u32 $0x64, s2  }
0xa: {  	v0 =	vlaneseq.u32;
	s1 =	ssub.s32 $0x2, s1;
	[dreg:$0x7] =	wrdreg s30  }
0xb: {  	v5 =	vmul.u32 $0x80, v0;
	s26 =	sshrl.u32 s1, $0x1;
	s29 =	sadd.s32 s19, s3;
	[dreg:$0x6] =	wrdreg s28  }
0xc: {  	s0 =	ssub.s32 s1, s26;
	s31 =	sor.u32 $0x2, s28;
	[dreg:$0x9] =	wrdreg s29  }
0xd: {  	s18 =	simm.s32 $0x3;
	v2 =	vimm.f32 $1.000000000e+00;
	v0 =	vimm.f32 $0.0e+00;
	v1 =	vor.u32 $0x60, v5;
	s0 =	smax.u32 s0, $0x1;
	[dreg:$0xa] =	wrdreg s31  }
0xe: {  	s24 =	simm.s32 $0x4;
	v3 =	vor.u32 $0x860, v5;
	v4 =	vor.u32 $0x1060, v5;
	v5 =	vor.u32 $0x1860, v5;
	s2 =	simm.s32 $0x0;
	[dreg:$0xb] =	wrdreg s0  }
.LBB2_1:
0xf: {  	[dreg:$0xc] =	wrdreg s2  }
0x10: {  	s0 =	rddreg [dreg:$0x9];
	s6 =	simm.s32 $0x7  }
0x11: {  	[tilespmem:s14], [sflag:$0x7] =	stream.linear.gather [hbm4b:s0+s14], $0x240, $0x38;
	[tilespmem:$0x15500] =	vst v63  }
0x12: {  	_ =	swait.ge [sflag:s6], $0x240  }
0x13: {  	[sflag:s6] =	ssyncset.done $0x0  }
0x14: {  	s8 =	simm.s32 $0x40;
	s1 =	simm.s32 $0x480;
	[sflag:s6] =	ssyncadd.s32 $0xFFFFFDC0  }
0x15: {  	[tilespmem:s1], [sflag:$0x3] =	stream.indirect.gather [hbm4b:s20+s8], $0x40, s14, s8, $0xb8;
	[tilespmem:$0x15500] =	vst v63  }
0x16: {  	s9 =	simm.s32 $0x2480  }
0x17: {  	[tilespmem:s9], [sflag:$0x3] =	stream.indirect.gather [hbm4b:s25+s8], $0x40, s8, s8, $0xb8;
	[tilespmem:$0x15500] =	vst v63  }
0x18: {  	s10 =	simm.s32 $0x80;
	s11 =	simm.s32 $0xC480  }
0x19: {  	[tilespmem:s11], [sflag:$0x3] =	stream.indirect.gather [hbm4b:s12+s8], $0x10, s10, s8, $0xb8;
	[tilespmem:$0x15500] =	vst v63  }
0x1a: {  	s13 =	simm.s32 $0xC0;
	s15 =	simm.s32 $0xCC80  }
0x1b: {  	[tilespmem:s15], [sflag:$0x3] =	stream.indirect.gather [hbm4b:s17+s8], $0x10, s13, s8, $0xb8;
	[tilespmem:$0x15500] =	vst v63  }
0x1c: {  	s16 =	simm.s32 $0x100;
	s17 =	simm.s32 $0x4480  }
0x1d: {  	[tilespmem:s17], [sflag:$0x3] =	stream.indirect.gather [hbm4b:s7+s8], $0x40, s16, s8, $0xb8;
	[tilespmem:$0x15500] =	vst v63  }
0x1e: {  	s21 =	simm.s32 $0x140;
	s22 =	simm.s32 $0x5480  }
0x1f: {  	[tilespmem:s22], [sflag:$0x3] =	stream.indirect.gather [hbm4b:s7+s8], $0x40, s21, s8, $0xb8;
	[tilespmem:$0x15500] =	vst v63  }
0x20: {  	s23 =	simm.s32 $0x180;
	s26 =	simm.s32 $0x6480  }
0x21: {  	[tilespmem:s26], [sflag:$0x3] =	stream.indirect.gather [hbm4b:s7+s8], $0x40, s23, s8, $0xb8;
	[tilespmem:$0x15500] =	vst v63  }
0x22: {  	s30 =	simm.s32 $0x1C0;
	s31 =	simm.s32 $0x7480;
	s29 =	simm.s32 $0x0  }
0x23: {  	[tilespmem:s31], [sflag:$0x3] =	stream.indirect.gather [hbm4b:s7+s8], $0x40, s30, s8, $0xb8;
	[tilespmem:$0x15500] =	vst v63  }
.LBB2_2:
0x24: {  	s31 =	sshll.u32 s29, $0x1  }
0x25: {  	s0 =	sadd.s32 s31, s28  }
0x26: {  	s0 =	sadd.s32 $0x1, s0  }
0x27: {  	[dreg:$0xd] =	wrdreg s0;
	s0 =	smul.u32 $0x48, s0  }
0x28: {  	_ = 	snop  }
0x29: {  	s1 =	simm.s32 $0x240;
	s0 =	sadd.s32 s19, s0  }
0x2a: {  	[tilespmem:s1], [sflag:$0x2] =	stream.linear.gather [hbm4b:s0+s14], $0x240, $0x38;
	[tilespmem:$0x15500] =	vst v63  }
0x2b: {  	_ =	swait.ge [sflag:s18], $0x1000  }
0x2c: {  	[sflag:s18] =	ssyncset.done $0x0  }
0x2d: {  	[sflag:s18] =	ssyncadd.s32 $0xFFFFF000  }
0x2e: {  	_ =	swait.ge [sflag:s18], $0x1000  }
0x2f: {  	[sflag:s18] =	ssyncset.done $0x0  }
0x30: {  	[sflag:s18] =	ssyncadd.s32 $0xFFFFF000  }
0x31: {  	_ =	swait.ge [sflag:s18], $0x400  }
0x32: {  	[sflag:s18] =	ssyncset.done $0x0  }
0x33: {  	[sflag:s18] =	ssyncadd.s32 $0xFFFFFC00  }
0x34: {  	_ =	swait.ge [sflag:s18], $0x400  }
0x35: {  	[sflag:s18] =	ssyncset.done $0x0  }
0x36: {  	[sflag:s18] =	ssyncadd.s32 $0xFFFFFC00  }
0x37: {  	_ =	swait.ge [sflag:s18], $0x1000  }
0x38: {  	[sflag:s18] =	ssyncset.done $0x0  }
0x39: {  	[sflag:s18] =	ssyncadd.s32 $0xFFFFF000  }
0x3a: {  	_ =	swait.ge [sflag:s18], $0x1000  }
0x3b: {  	[sflag:s18] =	ssyncset.done $0x0  }
0x3c: {  	[sflag:s18] =	ssyncadd.s32 $0xFFFFF000  }
0x3d: {  	_ =	swait.ge [sflag:s18], $0x1000  }
0x3e: {  	[sflag:s18] =	ssyncset.done $0x0  }
0x3f: {  	[sflag:s18] =	ssyncadd.s32 $0xFFFFF000  }
0x40: {  	_ =	swait.ge [sflag:s18], $0x1000  }
0x41: {  	[sflag:s18] =	ssyncset.done $0x0  }
0x42: {  	[sflag:s18] =	ssyncadd.s32 $0xFFFFF000  }
0x43: {  	v6 =	vld [tilespmem:$0x200]  }
0x44: {  	v7 =	vld [tilespmem:$0x210]  }
0x45: {  	v8 =	vld [tilespmem:$0x220]  }
0x46: {  	v9 =	vld [tilespmem:$0x230];
	_ =	sdelay $0x1  }
0x47: {  	vm0 =	veq.s32 v6, $0x0  }
0x48: {  	vm13 =	veq.s32 v7, $0x0;
	v6 =	vsel vm0, $0x3F800000, v0  }
0x49: {  	vm14 =	veq.s32 v8, $0x0;
	[tilespmem:$0x15480] =	vst v6;
	v6 =	vsel vm13, $0x3F800000, v0  }
0x4a: {  	vm15 =	veq.s32 v9, $0x0;
	[tilespmem:$0x15490] =	vst v6;
	v6 =	vsel vm14, $0x3F800000, v0  }
0x4b: {  	[tilespmem:$0x154A0] =	vst v6;
	v6 =	vsel vm15, $0x3F800000, v0  }
0x4c: {  	s11 =	simm.s32 $0x4C0;
	[tilespmem:$0x154B0] =	vst v6  }
0x4d: {  	v6 =	vld [tilespmem:s11+$0x0];
	_ =	sdelay $0x3  }
0x4e: {  	s5 =	simm.s32 $0xD500  }
0x4f: {  	s9 =	simm.s32 $0x24C0;
	[tilespmem:s5+$0x0] =	vst v6  }
0x50: {  	v6 =	vld [tilespmem:s9+$0x0];
	_ =	sdelay $0x4  }
0x51: {  	s2 =	simm.s32 $0x6480;
	[tilespmem:s5+$0x40] =	vst v6  }
0x52: {  	v6 =	vld [tilespmem:s2+$0xFFFFE040]  }
0x53: {  	v7 =	vld [tilespmem:s2+$0xFFFFF040];
	_ =	sdelay $0x1  }
0x54: {  	v8 =	vld [tilespmem:s2+$0x40]  }
0x55: {  	v9 =	vld [tilespmem:s11+$0xFFFFFFC0]  }
0x56: {  	v10 =	vld [tilespmem:s2+$0x1040]  }
0x57: {  	v6 =	vadd.f32 v7, v6;
	_ =	sdelay $0x1  }
0x58: {  	v6 =	vadd.f32 v8, v6  }
0x59: {  	[tilespmem:s5+$0xFFFFFF80] =	vst v9  }
0x5a: {  	v7 =	vld [tilespmem:s9+$0xFFFFFFC0];
	v6 =	vadd.f32 v10, v6  }
0x5b: {  	s0 =	simm.s32 $0x11500  }
0x5c: {  	[tilespmem:s0+$0x0] =	vst v6  }
0x5d: {  	v6 =	vld [tilespmem:s11+$0x10];
	_ =	sdelay $0x1  }
0x5e: {  	[tilespmem:s5+$0xFFFFFFC0] =	vst v7  }
0x5f: {  	v7 =	vld [tilespmem:s2+$0xFFFFE000]  }
0x60: {  	v8 =	vld [tilespmem:s2+$0xFFFFF000]  }
0x61: {  	v9 =	vld [tilespmem:s2+$0x0];
	[tilespmem:s5+$0x10] =	vst v6  }
0x62: {  	v6 =	vld [tilespmem:s9+$0x10];
	_ =	sdelay $0x1  }
0x63: {  	v10 =	vld [tilespmem:s2+$0x1000]  }
0x64: {  	v7 =	vadd.f32 v8, v7;
	_ =	sdelay $0x1  }
0x65: {  	v7 =	vadd.f32 v9, v7;
	[tilespmem:s5+$0x50] =	vst v6  }
0x66: {  	v6 =	vld [tilespmem:s2+$0xFFFFE050]  }
0x67: {  	v7 =	vadd.f32 v10, v7;
	v8 =	vld [tilespmem:s2+$0xFFFFF050];
	_ =	sdelay $0x1  }
0x68: {  	[tilespmem:s0+$0xFFFFFF80] =	vst v7;
	v7 =	vld [tilespmem:s2+$0x50]  }
0x69: {  	v9 =	vld [tilespmem:s11+$0xFFFFFFD0]  }
0x6a: {  	v10 =	vld [tilespmem:s2+$0x1050]  }
0x6b: {  	v6 =	vadd.f32 v8, v6;
	_ =	sdelay $0x1  }
0x6c: {  	s6 =	simm.s32 $0x540;
	v6 =	vadd.f32 v7, v6  }
0x6d: {  	v8 =	vld [tilespmem:s6+$0x0]  }
0x6e: {  	[tilespmem:s5+$0xFFFFFF90] =	vst v9;
	v6 =	vadd.f32 v10, v6  }
0x6f: {  	v7 =	vld [tilespmem:s9+$0xFFFFFFD0]  }
0x70: {  	[tilespmem:s0+$0x10] =	vst v6  }
0x71: {  	s8 =	simm.s32 $0xD600;
	v6 =	vld [tilespmem:s11+$0x20]  }
0x72: {  	s3 =	simm.s32 $0x2540;
	v9 =	vld [tilespmem:s6+$0xFFFFFFC0];
	[tilespmem:s8+$0x0] =	vst v8  }
0x73: {  	v8 =	vld [tilespmem:s3+$0x0]  }
0x74: {  	[tilespmem:s5+$0xFFFFFFD0] =	vst v7  }
0x75: {  	v7 =	vld [tilespmem:s2+$0xFFFFE010]  }
0x76: {  	v10 =	vld [tilespmem:s2+$0xFFFFF010];
	[tilespmem:s5+$0x20] =	vst v6  }
0x77: {  	[tilespmem:s8+$0xFFFFFF80] =	vst v9;
	v6 =	vld [tilespmem:s9+$0x20]  }
0x78: {  	s4 =	smov.u32 s12;
	s12 =	simm.s32 $0x6500;
	v9 =	vld [tilespmem:s3+$0xFFFFFFC0];
	[tilespmem:s8+$0x40] =	vst v8  }
0x79: {  	v12 =	vld [tilespmem:s12+$0xFFFFE040]  }
0x7a: {  	v13 =	vld [tilespmem:s12+$0xFFFFF040]  }
0x7b: {  	v15 =	vld [tilespmem:s12+$0x40]  }
0x7c: {  	v7 =	vadd.f32 v10, v7;
	v10 =	vld [tilespmem:s12+$0x1040];
	[tilespmem:s5+$0x60] =	vst v6  }
0x7d: {  	v6 =	vld [tilespmem:s2+$0xFFFFE060]  }
0x7e: {  	v14 =	vld [tilespmem:s2+$0xFFFFF060]  }
0x7f: {  	v11 =	vld [tilespmem:s2+$0x10];
	v12 =	vadd.f32 v13, v12  }
0x80: {  	v16 =	vld [tilespmem:s2+$0x60]  }
0x81: {  	[tilespmem:s8+$0xFFFFFFC0] =	vst v9;
	v8 =	vld [tilespmem:s2+$0x1010];
	v9 =	vadd.f32 v15, v12  }
0x82: {  	v13 =	vld [tilespmem:s2+$0x1060]  }
0x83: {  	v9 =	vadd.f32 v10, v9;
	v6 =	vadd.f32 v14, v6  }
0x84: {  	s13 =	simm.s32 $0x11600;
	v7 =	vadd.f32 v11, v7  }
0x85: {  	v11 =	vld [tilespmem:s12+$0xFFFFF000];
	[tilespmem:s13+$0x0] =	vst v9;
	v6 =	vadd.f32 v16, v6  }
0x86: {  	v7 =	vadd.f32 v8, v7;
	v9 =	vld [tilespmem:s6+$0x10]  }
0x87: {  	v8 =	vld [tilespmem:s12+$0xFFFFE000];
	v6 =	vadd.f32 v13, v6  }
0x88: {  	[tilespmem:s0+$0xFFFFFF90] =	vst v7;
	v7 =	vld [tilespmem:s12+$0x0]  }
0x89: {  	v12 =	vld [tilespmem:s12+$0x1000];
	[tilespmem:s0+$0x20] =	vst v6  }
0x8a: {  	v6 =	vld [tilespmem:s11+$0x30]  }
0x8b: {  	v10 =	vld [tilespmem:s11+$0xFFFFFFE0];
	[tilespmem:s8+$0x10] =	vst v9  }
0x8c: {  	v8 =	vadd.f32 v11, v8;
	v9 =	vld [tilespmem:s3+$0x10];
	_ =	sdelay $0x1  }
0x8d: {  	s28 =	simm.s32 $0x640;
	v7 =	vadd.f32 v7, v8  }
0x8e: {  	v53 =	vld [tilespmem:s28+$0xFFFFFFC0];
	[tilespmem:s5+$0x30] =	vst v6  }
0x8f: {  	[tilespmem:s5+$0xFFFFFFA0] =	vst v10;
	v6 =	vadd.f32 v12, v7;
	v7 =	vld [tilespmem:s9+$0x30]  }
0x90: {  	v8 =	vld [tilespmem:s9+$0xFFFFFFE0];
	[tilespmem:s8+$0x50] =	vst v9  }
0x91: {  	v9 =	vld [tilespmem:s12+$0xFFFFE050]  }
0x92: {  	v10 =	vld [tilespmem:s12+$0xFFFFF050]  }
0x93: {  	v12 =	vld [tilespmem:s12+$0x50];
	[tilespmem:s13+$0xFFFFFF80] =	vst v6  }
0x94: {  	v6 =	vld [tilespmem:s6+$0xFFFFFFD0];
	[tilespmem:s5+$0x70] =	vst v7  }
0x95: {  	v7 =	vld [tilespmem:s2+$0xFFFFE070]  }
0x96: {  	v11 =	vld [tilespmem:s2+$0xFFFFF070]  }
0x97: {  	v14 =	vld [tilespmem:s12+$0x1050]  }
0x98: {  	[tilespmem:s5+$0xFFFFFFE0] =	vst v8;
	v13 =	vld [tilespmem:s2+$0x70]  }
0x99: {  	v8 =	vld [tilespmem:s2+$0xFFFFE020];
	v9 =	vadd.f32 v10, v9  }
0x9a: {  	v15 =	vld [tilespmem:s2+$0x1070];
	[tilespmem:s8+$0xFFFFFF90] =	vst v6  }
0x9b: {  	v9 =	vadd.f32 v12, v9;
	v6 =	vadd.f32 v11, v7;
	v7 =	vld [tilespmem:s3+$0xFFFFFFD0]  }
0x9c: {  	s22 =	simm.s32 $0x5C0;
	v10 =	vld [tilespmem:s2+$0xFFFFF020]  }
0x9d: {  	v9 =	vadd.f32 v14, v9;
	v14 =	vld [tilespmem:s22+$0xFFFFFFC0];
	v6 =	vadd.f32 v13, v6  }
0x9e: {  	v13 =	vld [tilespmem:s22+$0x0]  }
0x9f: {  	[tilespmem:s13+$0x10] =	vst v9;
	v11 =	vld [tilespmem:s2+$0x20];
	v6 =	vadd.f32 v15, v6  }
0xa0: {  	v12 =	vld [tilespmem:s2+$0x1020];
	[tilespmem:s8+$0xFFFFFFD0] =	vst v7  }
0xa1: {  	[tilespmem:s0+$0x30] =	vst v6;
	v6 =	vld [tilespmem:s6+$0x20]  }
0xa2: {  	s16 =	simm.s32 $0xD700;
	v8 =	vadd.f32 v10, v8;
	v9 =	vld [tilespmem:s12+$0xFFFFE010]  }
0xa3: {  	s23 =	simm.s32 $0x25C0;
	v10 =	vld [tilespmem:s12+$0xFFFFF010];
	[tilespmem:s16+$0x0] =	vst v13  }
0xa4: {  	[tilespmem:s16+$0xFFFFFF80] =	vst v14;
	v8 =	vadd.f32 v11, v8;
	v11 =	vld [tilespmem:s23+$0x0]  }
0xa5: {  	v13 =	vld [tilespmem:s23+$0xFFFFFFC0]  }
0xa6: {  	[tilespmem:s8+$0x20] =	vst v6;
	v6 =	vadd.f32 v12, v8;
	v12 =	vld [tilespmem:s12+$0x10]  }
0xa7: {  	v8 =	vld [tilespmem:s3+$0x20]  }
0xa8: {  	[tilespmem:s0+$0xFFFFFFA0] =	vst v6;
	v6 =	vld [tilespmem:s12+$0x1010]  }
0xa9: {  	s21 =	simm.s32 $0x6580;
	[tilespmem:s16+$0x40] =	vst v11;
	v11 =	vld [tilespmem:s11+$0xFFFFFFF0]  }
0xaa: {  	v14 =	vld [tilespmem:s21+$0xFFFFE040]  }
0xab: {  	v15 =	vld [tilespmem:s21+$0xFFFFF040]  }
0xac: {  	v17 =	vld [tilespmem:s21+$0x40];
	[tilespmem:s8+$0x60] =	vst v8  }
0xad: {  	v8 =	vld [tilespmem:s12+$0xFFFFE060]  }
0xae: {  	v9 =	vadd.f32 v10, v9;
	v47 =	vld [tilespmem:s12+$0xFFFFF060]  }
0xaf: {  	v18 =	vld [tilespmem:s21+$0x1040]  }
0xb0: {  	s10 =	simm.s32 $0xC490;
	v9 =	vadd.f32 v12, v9;
	v10 =	vld [tilespmem:s12+$0x60];
	v12 =	vadd.f32 v15, v14  }
0xb1: {  	v7 =	vld [tilespmem:s10+$0x0]  }
0xb2: {  	[tilespmem:s16+$0xFFFFFFC0] =	vst v13;
	v13 =	vld [tilespmem:s12+$0x1060];
	v6 =	vadd.f32 v6, v9;
	v12 =	vadd.f32 v17, v12  }
0xb3: {  	v9 =	vld [tilespmem:s21+$0xFFFFF000];
	v8 =	vadd.f32 v47, v8  }
0xb4: {  	v14 =	vld [tilespmem:s21+$0xFFFFE000];
	[tilespmem:s13+$0xFFFFFF90] =	vst v6;
	v6 =	vadd.f32 v18, v12  }
0xb5: {  	s15 =	simm.s32 $0x11700;
	v15 =	vld [tilespmem:s21+$0x0];
	[tilespmem:s5+$0xFFFFFFB0] =	vst v11;
	v8 =	vadd.f32 v10, v8  }
0xb6: {  	v11 =	vld [tilespmem:s6+$0xFFFFFFE0];
	[tilespmem:s15+$0x0] =	vst v6  }
0xb7: {  	s14 =	simm.s32 $0xD800;
	v8 =	vadd.f32 v13, v8;
	v13 =	vld [tilespmem:s22+$0x10]  }
0xb8: {  	[tilespmem:s14+$0xFFFFFF80] =	vst v53;
	v12 =	vld [tilespmem:s9+$0xFFFFFFF0]  }
0xb9: {  	v10 =	vld [tilespmem:s21+$0x1000];
	[tilespmem:s13+$0x20] =	vst v8  }
0xba: {  	s17 =	smov.u32 s20;
	s20 =	simm.s32 $0x2640;
	[tilespmem:s0+$0x40] =	vst v7;
	v8 =	vadd.f32 v9, v14;
	v9 =	vld [tilespmem:s6+$0x30]  }
0xbb: {  	s26 =	simm.s32 $0xCC90;
	v18 =	vld [tilespmem:s20+$0xFFFFFFC0];
	[tilespmem:s8+$0xFFFFFFA0] =	vst v11  }
0xbc: {  	v6 =	vld [tilespmem:s26+$0x0];
	v7 =	vadd.f32 v15, v8;
	[tilespmem:s16+$0x10] =	vst v13  }
0xbd: {  	[tilespmem:s5+$0xFFFFFFF0] =	vst v12;
	v11 =	vld [tilespmem:s23+$0x10]  }
0xbe: {  	v51 =	vld [tilespmem:s2+$0x30];
	v7 =	vadd.f32 v10, v7  }
0xbf: {  	v52 =	vld [tilespmem:s2+$0x1030];
	[tilespmem:s8+$0x30] =	vst v9  }
0xc0: {  	[tilespmem:s15+$0xFFFFFF80] =	vst v7;
	v7 =	vld [tilespmem:s3+$0x30]  }
0xc1: {  	v8 =	vld [tilespmem:s3+$0xFFFFFFE0]  }
0xc2: {  	v9 =	vld [tilespmem:s22+$0xFFFFFFD0];
	[tilespmem:s16+$0x50] =	vst v11  }
0xc3: {  	v13 =	vld [tilespmem:s21+$0xFFFFE050]  }
0xc4: {  	v15 =	vld [tilespmem:s21+$0xFFFFF050]  }
0xc5: {  	v49 =	vld [tilespmem:s21+$0x50];
	[tilespmem:s8+$0x70] =	vst v7  }
0xc6: {  	v7 =	vld [tilespmem:s12+$0xFFFFE070]  }
0xc7: {  	v14 =	vld [tilespmem:s12+$0xFFFFF070]  }
0xc8: {  	[tilespmem:s16+$0xFFFFFF90] =	vst v9;
	v9 =	vld [tilespmem:s21+$0x1050]  }
0xc9: {  	s5 =	simm.s32 $0x6600;
	[tilespmem:s14+$0xFFFFFFC0] =	vst v18;
	v48 =	vld [tilespmem:s12+$0x70]  }
0xca: {  	v56 =	vld [tilespmem:s5+$0xFFFFE000];
	v13 =	vadd.f32 v15, v13  }
0xcb: {  	[tilespmem:s8+$0xFFFFFFE0] =	vst v8;
	v50 =	vld [tilespmem:s12+$0x1070]  }
0xcc: {  	v12 =	vld [tilespmem:s12+$0xFFFFE020];
	v13 =	vadd.f32 v49, v13;
	v7 =	vadd.f32 v14, v7  }
0xcd: {  	v11 =	vld [tilespmem:s12+$0xFFFFF020]  }
0xce: {  	v9 =	vadd.f32 v9, v13;
	v13 =	vld [tilespmem:s28+$0x0];
	v7 =	vadd.f32 v48, v7  }
0xcf: {  	v14 =	vld [tilespmem:s12+$0x20]  }
0xd0: {  	v19 =	vld [tilespmem:s23+$0xFFFFFFD0];
	v7 =	vadd.f32 v50, v7  }
0xd1: {  	v10 =	vld [tilespmem:s2+$0xFFFFE030];
	[tilespmem:s15+$0x10] =	vst v9  }
0xd2: {  	v11 =	vadd.f32 v11, v12;
	[tilespmem:s13+$0x30] =	vst v7;
	v7 =	vld [tilespmem:s22+$0x20]  }
0xd3: {  	v15 =	vld [tilespmem:s12+$0x1020];
	[tilespmem:s14+$0x0] =	vst v13  }
0xd4: {  	v11 =	vadd.f32 v14, v11;
	v14 =	vld [tilespmem:s20+$0x0]  }
0xd5: {  	v8 =	vld [tilespmem:s2+$0xFFFFF030];
	[tilespmem:s16+$0xFFFFFFD0] =	vst v19  }
0xd6: {  	v12 =	vld [tilespmem:s21+$0xFFFFE010]  }
0xd7: {  	v13 =	vld [tilespmem:s21+$0xFFFFF010];
	[tilespmem:s16+$0x20] =	vst v7  }
0xd8: {  	v7 =	vadd.f32 v15, v11;
	v11 =	vld [tilespmem:s23+$0x20]  }
0xd9: {  	v15 =	vld [tilespmem:s21+$0x10];
	[tilespmem:s14+$0x40] =	vst v14  }
0xda: {  	[tilespmem:s13+$0xFFFFFFA0] =	vst v7;
	v7 =	vld [tilespmem:s21+$0x1010]  }
0xdb: {  	v54 =	vld [tilespmem:s5+$0xFFFFE040]  }
0xdc: {  	v20 =	vld [tilespmem:s5+$0xFFFFF040]  }
0xdd: {  	v22 =	vld [tilespmem:s5+$0x40];
	[tilespmem:s16+$0x60] =	vst v11  }
0xde: {  	v11 =	vld [tilespmem:s21+$0xFFFFE060]  }
0xdf: {  	v21 =	vld [tilespmem:s21+$0xFFFFF060]  }
0xe0: {  	v12 =	vadd.f32 v13, v12;
	v23 =	vld [tilespmem:s5+$0x1040]  }
0xe1: {  	v13 =	vld [tilespmem:s21+$0x60]  }
0xe2: {  	v14 =	vld [tilespmem:s6+$0xFFFFFFF0];
	v12 =	vadd.f32 v15, v12  }
0xe3: {  	s2 =	simm.s32 $0xC4B0;
	v15 =	vadd.f32 v20, v54;
	v55 =	vld [tilespmem:s21+$0x1060]  }
0xe4: {  	v9 =	vld [tilespmem:s2+$0x0];
	v7 =	vadd.f32 v7, v12;
	v11 =	vadd.f32 v21, v11  }
0xe5: {  	v12 =	vadd.f32 v22, v15;
	v15 =	vld [tilespmem:s5+$0xFFFFF000]  }
0xe6: {  	v8 =	vadd.f32 v8, v10;
	[tilespmem:s15+$0xFFFFFF90] =	vst v7;
	v7 =	vld [tilespmem:s5+$0x1000];
	v10 =	vadd.f32 v13, v11  }
0xe7: {  	v12 =	vadd.f32 v23, v12;
	v11 =	vld [tilespmem:s5+$0x0]  }
0xe8: {  	v8 =	vadd.f32 v51, v8;
	s6 =	simm.s32 $0x11800;
	[tilespmem:s8+$0xFFFFFFB0] =	vst v14;
	v13 =	vld [tilespmem:s22+$0xFFFFFFE0];
	v10 =	vadd.f32 v55, v10  }
0xe9: {  	[tilespmem:s6+$0x0] =	vst v12;
	v12 =	vld [tilespmem:s3+$0xFFFFFFF0]  }
0xea: {  	v8 =	vadd.f32 v52, v8;
	v14 =	vld [tilespmem:s28+$0x10];
	[tilespmem:s15+$0x20] =	vst v10  }
0xeb: {  	[tilespmem:s13+$0x40] =	vst v9;
	s3 =	simm.s32 $0xCCB0;
	v9 =	vadd.f32 v15, v56;
	v10 =	vld [tilespmem:s22+$0x30]  }
0xec: {  	[tilespmem:s0+$0xFFFFFFB0] =	vst v8;
	v15 =	vld [tilespmem:s3+$0x0]  }
0xed: {  	v8 =	vadd.f32 v11, v9;
	v9 =	vld [tilespmem:s10+$0xFFFFFFF0];
	[tilespmem:s16+$0xFFFFFFA0] =	vst v13  }
0xee: {  	[tilespmem:s8+$0xFFFFFFF0] =	vst v12;
	v11 =	vld [tilespmem:s23+$0xFFFFFFE0]  }
0xef: {  	[tilespmem:s14+$0x10] =	vst v14;
	v14 =	vld [tilespmem:s12+$0xFFFFF030];
	v7 =	vadd.f32 v7, v8  }
0xf0: {  	v12 =	vld [tilespmem:s20+$0x10];
	[tilespmem:s16+$0x30] =	vst v10  }
0xf1: {  	[tilespmem:s6+$0xFFFFFF80] =	vst v7;
	v7 =	vld [tilespmem:s23+$0x30]  }
0xf2: {  	v8 =	vld [tilespmem:s12+$0xFFFFE030]  }
0xf3: {  	v10 =	vld [tilespmem:s28+$0xFFFFFFD0];
	[tilespmem:s16+$0xFFFFFFE0] =	vst v11  }
0xf4: {  	v57 =	vld [tilespmem:s21+$0xFFFFE020]  }
0xf5: {  	[tilespmem:s14+$0x50] =	vst v12;
	v12 =	vld [tilespmem:s21+$0xFFFFF020]  }
0xf6: {  	v58 =	vld [tilespmem:s5+$0xFFFFE050];
	[tilespmem:s16+$0x70] =	vst v7  }
0xf7: {  	v7 =	vld [tilespmem:s21+$0xFFFFE070]  }
0xf8: {  	v11 =	vld [tilespmem:s21+$0xFFFFF070]  }
0xf9: {  	v59 =	vld [tilespmem:s5+$0xFFFFF050]  }
0xfa: {  	v60 =	vld [tilespmem:s21+$0x70]  }
0xfb: {  	v61 =	vld [tilespmem:s5+$0x50]  }
0xfc: {  	[tilespmem:s14+$0xFFFFFF90] =	vst v10;
	v62 =	vld [tilespmem:s21+$0x1070]  }
0xfd: {  	[tilespmem:s0+$0x50] =	vst v6;
	v63 =	vld [tilespmem:s20+$0xFFFFFFD0];
	v6 =	vadd.f32 v11, v7  }
0xfe: {  	[tilespmem:s0+$0x60] =	vst v0;
	v13 =	vld [tilespmem:s5+$0x1050]  }
0xff: {  	[tilespmem:s13+$0x50] =	vst v15;
	v11 =	vld [tilespmem:s21+$0x20];
	v7 =	vadd.f32 v59, v58;
	v15 =	vadd.f32 v60, v6  }
0x100: {  	s30 =	smov.u32 s25;
	s25 =	simm.s32 $0x6C0;
	s19 =	simm.s32 $0x6;
	[tilespmem:s0+$0xFFFFFFC0] =	vst v9;
	v10 =	vld [tilespmem:s21+$0x1020];
	v9 =	vadd.f32 v12, v57;
	v6 =	vadd.f32 v14, v8  }
0x101: {  	s1 =	simm.s32 $0x11800;
	s11 =	simm.s32 $0x6600;
	s9 =	simm.s32 $0x2640;
	[tilespmem:s13+$0x60] =	vst v0;
	v8 =	vld [tilespmem:s12+$0x30];
	v14 =	vadd.f32 v61, v7;
	v12 =	vadd.f32 v62, v15  }
0x102: {  	s8 =	simm.s32 $0xD800;
	s10 =	simm.s32 $0xCCB0;
	[tilespmem:s14+$0xFFFFFFD0] =	vst v63;
	v7 =	vld [tilespmem:s12+$0x1030];
	s12 =	simm.s32 $0xC4B0  }
.LBB2_3:
0x103: {  	v15 =	vld [tilespmem:s25+$0x0];
	v13 =	vadd.f32 v13, v14;
	[tilespmem:s15+$0x30] =	vst v12;
	s2 =	sadd.s32 $0x20, s2  }
0x104: {  	v9 =	vadd.f32 v11, v9;
	v11 =	vld [tilespmem:s2+$0x0]  }
0x105: {  	v12 =	vld [tilespmem:s25+$0xFFFFFFC0];
	[tilespmem:s6+$0x10] =	vst v13  }
0x106: {  	v13 =	vld [tilespmem:s28+$0x20];
	v9 =	vadd.f32 v10, v9;
	v6 =	vadd.f32 v8, v6  }
0x107: {  	s14 =	sadd.s32 $0x100, s14;
	v8 =	vld [tilespmem:s5+$0xFFFFE010]  }
0x108: {  	s20 =	sadd.s32 $0x80, s20;
	[tilespmem:s14+$0x0] =	vst v15;
	v10 =	vld [tilespmem:s5+$0xFFFFF010];
	v6 =	vadd.f32 v7, v6  }
0x109: {  	s3 =	sadd.s32 $0x20, s3;
	v7 =	vld [tilespmem:s20+$0x0];
	[tilespmem:s15+$0x40] =	vst v11  }
0x10a: {  	[tilespmem:s14+$0xFFFFFF80] =	vst v12;
	v11 =	vld [tilespmem:s3+$0x0]  }
0x10b: {  	v12 =	vld [tilespmem:s20+$0xFFFFFFC0];
	[tilespmem:s8+$0x20] =	vst v13  }
0x10c: {  	s19 =	sadd.s32 $0x2, s19;
	v13 =	vld [tilespmem:s9+$0x20];
	[tilespmem:s15+$0xFFFFFFA0] =	vst v9  }
0x10d: {  	p0 =	slt.u32 s19, $0x3E;
	v8 =	vadd.f32 v10, v8;
	v9 =	vld [tilespmem:s5+$0x10];
	[tilespmem:s13+$0xFFFFFFB0] =	vst v6  }
0x10e: {  	[tilespmem:s14+$0x40] =	vst v7;
	v6 =	vld [tilespmem:s5+$0x1010]  }
0x10f: {  	s5 =	sadd.s32 $0x80, s5;
	v7 =	vld [tilespmem:s22+$0xFFFFFFF0];
	[tilespmem:s15+$0x50] =	vst v11;
	s22 =	smov.u32 s28;
	s28 =	smov.u32 s25  }
0x110: {  	[tilespmem:s14+$0xFFFFFFC0] =	vst v12;
	v10 =	vld [tilespmem:s5+$0xFFFFE040]  }
0x111: {  	v11 =	vld [tilespmem:s5+$0xFFFFF040];
	[tilespmem:s8+$0x60] =	vst v13  }
0x112: {  	v8 =	vadd.f32 v9, v8;
	v9 =	vld [tilespmem:s11+$0xFFFFE060];
	[tilespmem:s15+$0x60] =	vst v0  }
0x113: {  	v12 =	vld [tilespmem:s11+$0xFFFFF060]  }
0x114: {  	v13 =	vld [tilespmem:s5+$0x40];
	v6 =	vadd.f32 v6, v8;
	[tilespmem:s16+$0xFFFFFFB0] =	vst v7  }
0x115: {  	v7 =	vld [tilespmem:s11+$0x60]  }
0x116: {  	v8 =	vld [tilespmem:s5+$0x1040];
	[tilespmem:s6+$0xFFFFFF90] =	vst v6  }
0x117: {  	v6 =	vadd.f32 v11, v10;
	v10 =	vld [tilespmem:s11+$0x1060]  }
0x118: {  	v11 =	vld [tilespmem:s5+$0xFFFFE000];
	v9 =	vadd.f32 v12, v9  }
0x119: {  	v12 =	vld [tilespmem:s5+$0xFFFFF000];
	v6 =	vadd.f32 v13, v6  }
0x11a: {  	v13 =	vld [tilespmem:s5+$0x0];
	v7 =	vadd.f32 v7, v9  }
0x11b: {  	v9 =	vld [tilespmem:s5+$0x1000];
	v6 =	vadd.f32 v8, v6  }
0x11c: {  	s6 =	sadd.s32 $0x100, s6;
	v8 =	vld [tilespmem:s22+$0xFFFFFFE0];
	v7 =	vadd.f32 v10, v7  }
0x11d: {  	[tilespmem:s6+$0x0] =	vst v6;
	v6 =	vld [tilespmem:s23+$0xFFFFFFF0];
	s23 =	smov.u32 s9;
	s9 =	smov.u32 s20  }
0x11e: {  	v10 =	vadd.f32 v12, v11;
	v11 =	vld [tilespmem:s25+$0x10];
	[tilespmem:s1+$0x20] =	vst v7  }
0x11f: {  	v7 =	vld [tilespmem:s22+$0x30]  }
0x120: {  	v10 =	vadd.f32 v13, v10;
	v12 =	vld [tilespmem:s12+$0xFFFFFFF0];
	s12 =	smov.u32 s2  }
0x121: {  	[tilespmem:s8+$0xFFFFFFA0] =	vst v8;
	v8 =	vld [tilespmem:s26+$0xFFFFFFF0];
	s26 =	smov.u32 s10;
	s10 =	smov.u32 s3  }
0x122: {  	v9 =	vadd.f32 v9, v10;
	v10 =	vld [tilespmem:s23+$0xFFFFFFE0];
	[tilespmem:s16+$0xFFFFFFF0] =	vst v6;
	s16 =	smov.u32 s8;
	s8 =	smov.u32 s14  }
0x123: {  	[tilespmem:s14+$0x10] =	vst v11;
	v6 =	vld [tilespmem:s21+$0xFFFFE030]  }
0x124: {  	v11 =	vld [tilespmem:s20+$0x10];
	[tilespmem:s16+$0x30] =	vst v7  }
0x125: {  	[tilespmem:s6+$0xFFFFFF80] =	vst v9;
	v7 =	vld [tilespmem:s23+$0x30]  }
0x126: {  	v9 =	vld [tilespmem:s25+$0xFFFFFFD0];
	[tilespmem:s13+$0xFFFFFFC0] =	vst v12  }
0x127: {  	[tilespmem:s16+$0xFFFFFFE0] =	vst v10;
	v10 =	vld [tilespmem:s21+$0xFFFFF030]  }
0x128: {  	v12 =	vld [tilespmem:s11+$0xFFFFE020];
	[tilespmem:s0+$0xFFFFFFD0] =	vst v8  }
0x129: {  	[tilespmem:s14+$0x50] =	vst v11;
	v8 =	vld [tilespmem:s11+$0xFFFFF020]  }
0x12a: {  	v11 =	vld [tilespmem:s5+$0xFFFFE050];
	[tilespmem:s16+$0x70] =	vst v7  }
0x12b: {  	[tilespmem:s14+$0xFFFFFF90] =	vst v9;
	v7 =	vld [tilespmem:s11+$0xFFFFE070]  }
0x12c: {  	v13 =	vld [tilespmem:s11+$0xFFFFF070];
	v6 =	vadd.f32 v10, v6;
	[tilespmem:s0+$0xFFFFFFE0] =	vst v0;
	s0 =	smov.u32 s13;
	s13 =	smov.u32 s15;
	s15 =	smov.u32 s1  }
0x12d: {  	s1 =	smov.u32 s6;
	v10 =	vld [tilespmem:s5+$0xFFFFF050]  }
0x12e: {  	v9 =	vadd.f32 v8, v12;
	v8 =	vld [tilespmem:s11+$0x70]  }
0x12f: {  	v12 =	vld [tilespmem:s5+$0x50]  }
0x130: {  	v15 =	vld [tilespmem:s11+$0x1070]  }
0x131: {  	v16 =	vld [tilespmem:s20+$0xFFFFFFD0];
	v7 =	vadd.f32 v13, v7  }
.Ltmp0:
0x132: {  	v13 =	vld [tilespmem:s5+$0x1050];
	(pc) =	sbr.rel @p0 .LBB2_3-.Ltmp0, $4  }
0x133: {  	v14 =	vadd.f32 v10, v11;
	v11 =	vld [tilespmem:s11+$0x20];
	v7 =	vadd.f32 v8, v7  }
0x134: {  	v10 =	vld [tilespmem:s11+$0x1020]  }
0x135: {  	v14 =	vadd.f32 v12, v14;
	v12 =	vadd.f32 v15, v7;
	v8 =	vld [tilespmem:s21+$0x30]  }
0x136: {  	s25 =	sadd.s32 $0x80, s25;
	[tilespmem:s14+$0xFFFFFFD0] =	vst v16;
	v7 =	vld [tilespmem:s21+$0x1030];
	s21 =	smov.u32 s11;
	s11 =	smov.u32 s5  }
0x137: {  	v15 =	vld [tilespmem:s5+$0xFFFFE010]  }
0x138: {  	v13 =	vadd.f32 v13, v14;
	v14 =	vld [tilespmem:s5+$0xFFFFF010];
	_ =	sdelay $0x1  }
0x139: {  	[tilespmem:s6+$0x10] =	vst v13;
	v13 =	vld [tilespmem:s5+$0x10]  }
0x13a: {  	v17 =	vld [tilespmem:s5+$0x1010]  }
0x13b: {  	v16 =	vld [tilespmem:s28+$0x20]  }
0x13c: {  	v14 =	vadd.f32 v14, v15;
	_ =	sdelay $0x1  }
0x13d: {  	v13 =	vadd.f32 v13, v14;
	_ =	sdelay $0x1  }
0x13e: {  	[tilespmem:s8+$0x20] =	vst v16;
	v13 =	vadd.f32 v17, v13  }
0x13f: {  	v14 =	vld [tilespmem:s9+$0x20]  }
0x140: {  	[tilespmem:s6+$0xFFFFFF90] =	vst v13  }
0x141: {  	v13 =	vld [tilespmem:s28+$0xFFFFFFE0];
	_ =	sdelay $0x2  }
0x142: {  	[tilespmem:s8+$0x60] =	vst v14  }
0x143: {  	v14 =	vld [tilespmem:s11+$0xFFFFE060]  }
0x144: {  	v15 =	vld [tilespmem:s11+$0xFFFFF060];
	[tilespmem:s8+$0xFFFFFFA0] =	vst v13  }
0x145: {  	v13 =	vld [tilespmem:s9+$0xFFFFFFE0]  }
0x146: {  	v16 =	vld [tilespmem:s11+$0x60];
	_ =	sdelay $0x1  }
0x147: {  	v43 =	vld [tilespmem:s11+$0x1060]  }
0x148: {  	v14 =	vadd.f32 v15, v14  }
0x149: {  	[tilespmem:s8+$0xFFFFFFE0] =	vst v13  }
0x14a: {  	v14 =	vadd.f32 v16, v14;
	v13 =	vld [tilespmem:s11+$0xFFFFE020]  }
0x14b: {  	v15 =	vld [tilespmem:s11+$0xFFFFF020]  }
0x14c: {  	v9 =	vadd.f32 v11, v9;
	v14 =	vadd.f32 v43, v14  }
0x14d: {  	v11 =	vld [tilespmem:s11+$0x20]  }
0x14e: {  	v9 =	vadd.f32 v10, v9;
	v10 =	vld [tilespmem:s11+$0x1020];
	[tilespmem:s1+$0x20] =	vst v14  }
0x14f: {  	v14 =	vld [tilespmem:s28+$0x30]  }
0x150: {  	v13 =	vadd.f32 v15, v13  }
0x151: {  	[tilespmem:s15+$0xFFFFFFA0] =	vst v9  }
0x152: {  	[tilespmem:s15+$0x30] =	vst v12;
	s2 =	sadd.s32 $0x20, s2;
	v9 =	vld [tilespmem:s22+$0xFFFFFFF0];
	v11 =	vadd.f32 v11, v13  }
0x153: {  	v12 =	vld [tilespmem:s2+$0x0]  }
0x154: {  	[tilespmem:s8+$0x30] =	vst v14;
	v10 =	vadd.f32 v10, v11  }
0x155: {  	v11 =	vld [tilespmem:s9+$0x30]  }
0x156: {  	[tilespmem:s1+$0xFFFFFFA0] =	vst v10  }
0x157: {  	[tilespmem:s16+$0xFFFFFFB0] =	vst v9;
	v9 =	vld [tilespmem:s28+$0xFFFFFFF0]  }
0x158: {  	s3 =	sadd.s32 $0x20, s3;
	[tilespmem:s15+$0x40] =	vst v12  }
0x159: {  	v12 =	vld [tilespmem:s3+$0x0]  }
0x15a: {  	v10 =	vld [tilespmem:s23+$0xFFFFFFF0];
	[tilespmem:s8+$0x70] =	vst v11  }
0x15b: {  	v11 =	vld [tilespmem:s11+$0xFFFFE070]  }
0x15c: {  	v13 =	vld [tilespmem:s11+$0xFFFFF070];
	[tilespmem:s8+$0xFFFFFFB0] =	vst v9  }
0x15d: {  	v9 =	vld [tilespmem:s9+$0xFFFFFFF0]  }
0x15e: {  	v14 =	vld [tilespmem:s11+$0x70]  }
0x15f: {  	v44 =	vld [tilespmem:s11+$0x1070];
	[tilespmem:s16+$0xFFFFFFF0] =	vst v10  }
0x160: {  	v10 =	vld [tilespmem:s21+$0xFFFFE030]  }
0x161: {  	v15 =	vld [tilespmem:s21+$0xFFFFF030]  }
0x162: {  	v6 =	vadd.f32 v8, v6;
	v11 =	vadd.f32 v13, v11;
	v13 =	vld [tilespmem:s21+$0x30];
	[tilespmem:s8+$0xFFFFFFF0] =	vst v9  }
0x163: {  	v9 =	vld [tilespmem:s11+$0xFFFFE030]  }
0x164: {  	v6 =	vadd.f32 v7, v6;
	v11 =	vadd.f32 v14, v11;
	v14 =	vld [tilespmem:s11+$0xFFFFF030]  }
0x165: {  	v45 =	vld [tilespmem:s21+$0x1030]  }
0x166: {  	[tilespmem:s13+$0xFFFFFFB0] =	vst v6;
	v8 =	vadd.f32 v44, v11;
	v11 =	vld [tilespmem:s11+$0x30]  }
0x167: {  	v6 =	vld [tilespmem:s12+$0xFFFFFFF0];
	v10 =	vadd.f32 v15, v10  }
0x168: {  	s16 =	sadd.s32 $0x20, s2;
	v7 =	vld [tilespmem:s11+$0x1030];
	[tilespmem:s1+$0x30] =	vst v8  }
0x169: {  	v10 =	vadd.f32 v13, v10;
	v8 =	vld [tilespmem:s16+$0x0];
	v9 =	vadd.f32 v14, v9  }
0x16a: {  	[tilespmem:s15+$0x60] =	vst v0  }
0x16b: {  	[tilespmem:s15+$0x50] =	vst v12;
	v10 =	vadd.f32 v45, v10;
	v9 =	vadd.f32 v11, v9  }
0x16c: {  	[tilespmem:s13+$0xFFFFFFC0] =	vst v6  }
0x16d: {  	[tilespmem:s15+$0xFFFFFFB0] =	vst v10;
	v7 =	vadd.f32 v7, v9  }
0x16e: {  	v11 =	vld [tilespmem:s26+$0xFFFFFFF0];
	[tilespmem:s1+$0x40] =	vst v8  }
0x16f: {  	v8 =	vld [tilespmem:s2+$0xFFFFFFF0];
	[tilespmem:s1+$0xFFFFFFB0] =	vst v7  }
0x170: {  	s19 =	sadd.s32 $0x20, s3;
	[tilespmem:s0+$0xFFFFFFE0] =	vst v0;
	v6 =	vld [tilespmem:s16+$0xFFFFFFF0]  }
0x171: {  	v9 =	vld [tilespmem:s19+$0x0];
	[tilespmem:s1+$0x60] =	vst v0  }
0x172: {  	v7 =	vld [tilespmem:s10+$0xFFFFFFF0];
	[tilespmem:s13+$0xFFFFFFE0] =	vst v0  }
0x173: {  	[tilespmem:s0+$0xFFFFFFD0] =	vst v11  }
0x174: {  	[tilespmem:s15+$0xFFFFFFC0] =	vst v8  }
0x175: {  	v8 =	vld [tilespmem:s3+$0xFFFFFFF0];
	[tilespmem:s1+$0xFFFFFFC0] =	vst v6  }
0x176: {  	[tilespmem:s1+$0x50] =	vst v9;
	v6 =	vld [tilespmem:s19+$0xFFFFFFF0]  }
0x177: {  	[tilespmem:s15+$0xFFFFFFE0] =	vst v0  }
0x178: {  	[tilespmem:s13+$0xFFFFFFD0] =	vst v7  }
0x179: {  	[tilespmem:s1+$0xFFFFFFE0] =	vst v0  }
0x17a: {  	[tilespmem:s15+$0xFFFFFFD0] =	vst v8  }
0x17b: {  	[tilespmem:s1+$0xFFFFFFD0] =	vst v6  }
0x17c: {  	v6 =	vld [tilespmem:$0x200];
	_ =	sdelay $0x4  }
0x17d: {  	v6 =	vadd.s32 v1, v6;
	_ =	sdelay $0x3  }
0x17e: {  	s3 =	simm.s32 $0x11480  }
0x17f: {  	[tilespmem:v6+s3+$0x0] =	vst.idx.msk $0xffff, v2  }
0x180: {  	v6 =	vld [tilespmem:$0x210];
	_ =	sdelay $0x4  }
0x181: {  	v6 =	vadd.s32 v3, v6;
	_ =	sdelay $0x4  }
0x182: {  	[tilespmem:v6+s3+$0x0] =	vst.idx.msk $0xffff, v2  }
0x183: {  	v6 =	vld [tilespmem:$0x220];
	_ =	sdelay $0x4  }
0x184: {  	v6 =	vadd.s32 v4, v6;
	_ =	sdelay $0x4  }
0x185: {  	[tilespmem:v6+s3+$0x0] =	vst.idx.msk $0xffff, v2  }
0x186: {  	v6 =	vld [tilespmem:$0x230];
	_ =	sdelay $0x4  }
0x187: {  	v6 =	vadd.s32 v5, v6;
	_ =	sdelay $0x4  }
0x188: {  	s20 =	simm.s32 $0x2;
	[tilespmem:v6+s3+$0x0] =	vst.idx.msk $0xffff, v2  }
0x189: {  	_ =	swait.ge [sflag:s20], $0x240  }
0x18a: {  	p0 =	seq.s32 s29, $0x0;
	[sflag:s20] =	ssyncset.done $0x0  }
0x18b: {  	s0 =	simm.s32 @!p0 $0x6;
	[sflag:s20] =	ssyncadd.s32 $0xFFFFFDC0  }
0x18c: {  	_ =	swait.ge @!p0 [sflag:s0], $0x2000  }
0x18d: {  	[sflag:s0] =	ssyncset.done @!p0 $0x0  }
0x18e: {  	[sflag:s0] =	ssyncadd.s32 @!p0 $0xFFFFE000  }
0x18f: {  	_ =	swait.ge @!p0 [sflag:s0], $0x2000  }
0x190: {  	[sflag:s0] =	ssyncset.done @!p0 $0x0  }
0x191: {  	[sflag:s0] =	ssyncadd.s32 @!p0 $0xFFFFE000  }
0x192: {  	_ =	swait.ge @!p0 [sflag:s0], $0x40  }
0x193: {  	s25 =	smov.u32 s30;
	s22 =	simm.s32 $0x1480;
	[sflag:s0] =	ssyncset.done @!p0 $0x0  }
0x194: {  	s21 =	simm.s32 $0x240;
	[sflag:s0] =	ssyncadd.s32 @!p0 $0xFFFFFFC0;
	s0 =	simm.s32 $0x40  }
0x195: {  	[tilespmem:s22], [sflag:$0x4] =	stream.indirect.gather [hbm4b:s17+s0], $0x40, s21, s0, $0xb8;
	[tilespmem:$0x15500] =	vst v63  }
0x196: {  	s14 =	simm.s32 $0x3C0;
	s23 =	simm.s32 $0x280;
	s26 =	simm.s32 $0x3480  }
0x197: {  	[tilespmem:s26], [sflag:$0x4] =	stream.indirect.gather [hbm4b:s30+s0], $0x40, s23, s0, $0xb8;
	[tilespmem:$0x15500] =	vst v63  }
0x198: {  	s5 =	simm.s32 $0xC880;
	s6 =	simm.s32 $0x300;
	s2 =	simm.s32 $0x2C0  }
0x199: {  	[tilespmem:s5], [sflag:$0x4] =	stream.indirect.gather [hbm4b:s4+s0], $0x10, s2, s0, $0xb8;
	[tilespmem:$0x15500] =	vst v63  }
0x19a: {  	s8 =	simm.s32 $0xD080;
	s20 =	smov.u32 s17;
	s17 =	rddreg [dreg:$0x5]  }
0x19b: {  	[tilespmem:s8], [sflag:$0x4] =	stream.indirect.gather [hbm4b:s17+s0], $0x10, s6, s0, $0xb8;
	[tilespmem:$0x15500] =	vst v63  }
0x19c: {  	s9 =	simm.s32 $0x340;
	s11 =	simm.s32 $0x380;
	s10 =	simm.s32 $0x8480  }
0x19d: {  	[tilespmem:s10], [sflag:$0x4] =	stream.indirect.gather [hbm4b:s7+s0], $0x40, s9, s0, $0xb8;
	[tilespmem:$0x15500] =	vst v63  }
0x19e: {  	s16 =	simm.s32 $0x400;
	s13 =	simm.s32 $0x9480;
	s28 =	rddreg [dreg:$0x6]  }
0x19f: {  	[tilespmem:s13], [sflag:$0x4] =	stream.indirect.gather [hbm4b:s7+s0], $0x40, s11, s0, $0xb8;
	[tilespmem:$0x15500] =	vst v63  }
0x1a0: {  	s19 =	simm.s32 $0xB480;
	s15 =	simm.s32 $0xA480;
	s21 =	sadd.s32 s28, s31  }
0x1a1: {  	[tilespmem:s15], [sflag:$0x4] =	stream.indirect.gather [hbm4b:s7+s0], $0x40, s14, s0, $0xb8;
	[tilespmem:$0x15500] =	vst v63  }
0x1a2: {  	s22 =	sshll.u32 s21, $0xA;
	s30 =	rddreg [dreg:$0x7];
	s26 =	simm.s32 $0xD480  }
0x1a3: {  	[tilespmem:s19], [sflag:$0x4] =	stream.indirect.gather [hbm4b:s7+s0], $0x40, s16, s0, $0xb8;
	[tilespmem:$0x15500] =	vst v63  }
0x1a4: {  	s23 =	sadd.s32 s30, s22;
	s5 =	rddreg [dreg:$0x8];
	s14 =	simm.s32 $0x0  }
0x1a5: {  	[hbm4b:s23+s14] =	stream.linear.scatter [tilespmem:s26], [sflag:$0x5], $0x2000, $0x38;
	[tilespmem:$0x15500] =	vst v63  }
0x1a6: {  	s12 =	smov.u32 s4;
	s4 =	rddreg [dreg:$0x2];
	s1 =	sadd.s32 s5, s22  }
0x1a7: {  	[hbm4b:s1+s14] =	stream.linear.scatter [tilespmem:s3], [sflag:$0x5], $0x2000, $0x38;
	[tilespmem:$0x15500] =	vst v63  }
0x1a8: {  	p0 =	seq.s32 s29, $0x31;
	s1 =	rddreg [dreg:$0xa]  }
0x1a9: {  	s6 =	simm.s32 $0x15480;
	s0 =	sshll.u32 s21, $0x3;
	s1 =	sadd.s32 @!p0 s1, s31  }
0x1aa: {  	s19 =	rddreg [dreg:$0x4];
	s0 =	sadd.s32 s4, s0;
	s1 =	smul.u32 @!p0 $0x48, s1  }
0x1ab: {  	[hbm4b:s0+s14] =	stream.linear.scatter [tilespmem:s6], [sflag:$0x5], $0x40, $0x38;
	[tilespmem:$0x15500] =	vst v63  }
0x1ac: {  	s0 =	sadd.s32 @!p0 s19, s1;
	s1 =	simm.s32 @!p0 $0x0  }
0x1ad: {  	[tilespmem:s1], [sflag:$0x1] =	stream.linear.gather @!p0 [hbm4b:s0+s1], $0x240, $0x38;
	[tilespmem:$0x15500] =	vst v63  }
0x1ae: {  	_ =	swait.ge [sflag:s24], $0x1000  }
0x1af: {  	[sflag:s24] =	ssyncset.done $0x0  }
0x1b0: {  	[sflag:s24] =	ssyncadd.s32 $0xFFFFF000  }
0x1b1: {  	_ =	swait.ge [sflag:s24], $0x1000  }
0x1b2: {  	[sflag:s24] =	ssyncset.done $0x0  }
0x1b3: {  	[sflag:s24] =	ssyncadd.s32 $0xFFFFF000  }
0x1b4: {  	_ =	swait.ge [sflag:s24], $0x400  }
0x1b5: {  	[sflag:s24] =	ssyncset.done $0x0  }
0x1b6: {  	[sflag:s24] =	ssyncadd.s32 $0xFFFFFC00  }
0x1b7: {  	_ =	swait.ge [sflag:s24], $0x400  }
0x1b8: {  	[sflag:s24] =	ssyncset.done $0x0  }
0x1b9: {  	[sflag:s24] =	ssyncadd.s32 $0xFFFFFC00  }
0x1ba: {  	_ =	swait.ge [sflag:s24], $0x1000  }
0x1bb: {  	[sflag:s24] =	ssyncset.done $0x0  }
0x1bc: {  	[sflag:s24] =	ssyncadd.s32 $0xFFFFF000  }
0x1bd: {  	_ =	swait.ge [sflag:s24], $0x1000  }
0x1be: {  	[sflag:s24] =	ssyncset.done $0x0  }
0x1bf: {  	[sflag:s24] =	ssyncadd.s32 $0xFFFFF000  }
0x1c0: {  	_ =	swait.ge [sflag:s24], $0x1000  }
0x1c1: {  	[sflag:s24] =	ssyncset.done $0x0  }
0x1c2: {  	[sflag:s24] =	ssyncadd.s32 $0xFFFFF000  }
0x1c3: {  	_ =	swait.ge [sflag:s24], $0x1000  }
0x1c4: {  	[sflag:s24] =	ssyncset.done $0x0  }
0x1c5: {  	[sflag:s24] =	ssyncadd.s32 $0xFFFFF000  }
0x1c6: {  	v6 =	vld [tilespmem:$0x440]  }
0x1c7: {  	v7 =	vld [tilespmem:$0x450]  }
0x1c8: {  	v8 =	vld [tilespmem:$0x460]  }
0x1c9: {  	v9 =	vld [tilespmem:$0x470];
	_ =	sdelay $0x1  }
0x1ca: {  	vm0 =	veq.s32 v6, $0x0  }
0x1cb: {  	vm13 =	veq.s32 v7, $0x0;
	v6 =	vsel vm0, $0x3F800000, v0  }
0x1cc: {  	vm14 =	veq.s32 v8, $0x0;
	[tilespmem:$0x154C0] =	vst v6;
	v6 =	vsel vm13, $0x3F800000, v0  }
0x1cd: {  	vm15 =	veq.s32 v9, $0x0;
	[tilespmem:$0x154D0] =	vst v6;
	v6 =	vsel vm14, $0x3F800000, v0  }
0x1ce: {  	[tilespmem:$0x154E0] =	vst v6;
	v6 =	vsel vm15, $0x3F800000, v0  }
0x1cf: {  	s8 =	simm.s32 $0x0;
	[tilespmem:$0x154F0] =	vst v6  }
0x1d0: {  	v6 =	vld [tilespmem:s8+$0x14C0];
	_ =	sdelay $0x3  }
0x1d1: {  	s9 =	simm.s32 $0xF570  }
0x1d2: {  	[tilespmem:s9+$0xFFFFFF90] =	vst v6  }
0x1d3: {  	v6 =	vld [tilespmem:s8+$0x34C0];
	_ =	sdelay $0x4  }
0x1d4: {  	[tilespmem:s9+$0xFFFFFFD0] =	vst v6  }
0x1d5: {  	v6 =	vld [tilespmem:s8+$0x84C0]  }
0x1d6: {  	v7 =	vld [tilespmem:s8+$0x94C0];
	_ =	sdelay $0x1  }
0x1d7: {  	v8 =	vld [tilespmem:s8+$0xA4C0]  }
0x1d8: {  	v9 =	vld [tilespmem:s8+$0x1480]  }
0x1d9: {  	v10 =	vld [tilespmem:s8+$0xB4C0]  }
0x1da: {  	v6 =	vadd.f32 v7, v6;
	_ =	sdelay $0x1  }
0x1db: {  	v6 =	vadd.f32 v8, v6  }
0x1dc: {  	[tilespmem:s9+$0xFFFFFF10] =	vst v9  }
0x1dd: {  	v7 =	vld [tilespmem:s8+$0x3480];
	v6 =	vadd.f32 v10, v6  }
0x1de: {  	s0 =	simm.s32 $0x13560  }
0x1df: {  	[tilespmem:s0+$0xFFFFFFA0] =	vst v6  }
0x1e0: {  	v6 =	vld [tilespmem:s8+$0x14D0];
	_ =	sdelay $0x1  }
0x1e1: {  	[tilespmem:s9+$0xFFFFFF50] =	vst v7  }
0x1e2: {  	v7 =	vld [tilespmem:s8+$0x8480]  }
0x1e3: {  	v8 =	vld [tilespmem:s8+$0x9480]  }
0x1e4: {  	v9 =	vld [tilespmem:s8+$0xA480];
	[tilespmem:s9+$0xFFFFFFA0] =	vst v6  }
0x1e5: {  	v6 =	vld [tilespmem:s8+$0x34D0];
	_ =	sdelay $0x1  }
0x1e6: {  	v10 =	vld [tilespmem:s8+$0xB480]  }
0x1e7: {  	v7 =	vadd.f32 v8, v7;
	_ =	sdelay $0x1  }
0x1e8: {  	v7 =	vadd.f32 v9, v7;
	[tilespmem:s9+$0xFFFFFFE0] =	vst v6  }
0x1e9: {  	v6 =	vld [tilespmem:s8+$0x84D0]  }
0x1ea: {  	v7 =	vadd.f32 v10, v7;
	v8 =	vld [tilespmem:s8+$0x94D0];
	_ =	sdelay $0x1  }
0x1eb: {  	[tilespmem:s0+$0xFFFFFF20] =	vst v7;
	v7 =	vld [tilespmem:s8+$0xA4D0]  }
0x1ec: {  	v9 =	vld [tilespmem:s8+$0x1490]  }
0x1ed: {  	v10 =	vld [tilespmem:s8+$0xB4D0]  }
0x1ee: {  	v6 =	vadd.f32 v8, v6;
	_ =	sdelay $0x1  }
0x1ef: {  	s31 =	simm.s32 $0x80;
	v6 =	vadd.f32 v7, v6  }
0x1f0: {  	v8 =	vld [tilespmem:s31+$0x14C0]  }
0x1f1: {  	[tilespmem:s9+$0xFFFFFF20] =	vst v9;
	v6 =	vadd.f32 v10, v6  }
0x1f2: {  	v7 =	vld [tilespmem:s8+$0x3490]  }
0x1f3: {  	[tilespmem:s0+$0xFFFFFFB0] =	vst v6  }
0x1f4: {  	s10 =	simm.s32 $0xF670;
	v6 =	vld [tilespmem:s8+$0x14E0]  }
0x1f5: {  	v9 =	vld [tilespmem:s31+$0x1480];
	[tilespmem:s10+$0xFFFFFF90] =	vst v8  }
0x1f6: {  	v8 =	vld [tilespmem:s31+$0x34C0]  }
0x1f7: {  	[tilespmem:s9+$0xFFFFFF60] =	vst v7  }
0x1f8: {  	v7 =	vld [tilespmem:s8+$0x8490]  }
0x1f9: {  	v10 =	vld [tilespmem:s8+$0x9490];
	[tilespmem:s9+$0xFFFFFFB0] =	vst v6  }
0x1fa: {  	[tilespmem:s10+$0xFFFFFF10] =	vst v9;
	v6 =	vld [tilespmem:s8+$0x34E0]  }
0x1fb: {  	v9 =	vld [tilespmem:s31+$0x3480];
	[tilespmem:s10+$0xFFFFFFD0] =	vst v8  }
0x1fc: {  	v12 =	vld [tilespmem:s31+$0x84C0]  }
0x1fd: {  	v13 =	vld [tilespmem:s31+$0x94C0]  }
0x1fe: {  	v15 =	vld [tilespmem:s31+$0xA4C0]  }
0x1ff: {  	v7 =	vadd.f32 v10, v7;
	v10 =	vld [tilespmem:s31+$0xB4C0];
	[tilespmem:s9+$0xFFFFFFF0] =	vst v6  }
0x200: {  	v6 =	vld [tilespmem:s8+$0x84E0]  }
0x201: {  	v14 =	vld [tilespmem:s8+$0x94E0]  }
0x202: {  	v11 =	vld [tilespmem:s8+$0xA490];
	v12 =	vadd.f32 v13, v12  }
0x203: {  	v46 =	vld [tilespmem:s8+$0xA4E0]  }
0x204: {  	[tilespmem:s10+$0xFFFFFF50] =	vst v9;
	v8 =	vld [tilespmem:s8+$0xB490];
	v9 =	vadd.f32 v15, v12  }
0x205: {  	v13 =	vld [tilespmem:s8+$0xB4E0]  }
0x206: {  	v9 =	vadd.f32 v10, v9;
	v6 =	vadd.f32 v14, v6  }
0x207: {  	s13 =	simm.s32 $0x13660;
	v7 =	vadd.f32 v11, v7  }
0x208: {  	v11 =	vld [tilespmem:s31+$0x9480];
	[tilespmem:s13+$0xFFFFFFA0] =	vst v9;
	v6 =	vadd.f32 v46, v6  }
0x209: {  	v7 =	vadd.f32 v8, v7;
	v9 =	vld [tilespmem:s31+$0x14D0]  }
0x20a: {  	v8 =	vld [tilespmem:s31+$0x8480];
	v6 =	vadd.f32 v13, v6  }
0x20b: {  	[tilespmem:s0+$0xFFFFFF30] =	vst v7;
	v7 =	vld [tilespmem:s31+$0xA480]  }
0x20c: {  	v12 =	vld [tilespmem:s31+$0xB480];
	[tilespmem:s0+$0xFFFFFFC0] =	vst v6  }
0x20d: {  	v6 =	vld [tilespmem:s8+$0x14F0]  }
0x20e: {  	v10 =	vld [tilespmem:s8+$0x14A0];
	[tilespmem:s10+$0xFFFFFFA0] =	vst v9  }
0x20f: {  	v8 =	vadd.f32 v11, v8;
	v9 =	vld [tilespmem:s31+$0x34D0];
	_ =	sdelay $0x1  }
0x210: {  	s23 =	simm.s32 $0x180;
	v7 =	vadd.f32 v7, v8  }
0x211: {  	v54 =	vld [tilespmem:s23+$0x1480];
	[tilespmem:s9+$0xFFFFFFC0] =	vst v6  }
0x212: {  	[tilespmem:s9+$0xFFFFFF30] =	vst v10;
	v6 =	vadd.f32 v12, v7;
	v7 =	vld [tilespmem:s8+$0x34F0]  }
0x213: {  	v8 =	vld [tilespmem:s8+$0x34A0];
	[tilespmem:s10+$0xFFFFFFE0] =	vst v9  }
0x214: {  	v9 =	vld [tilespmem:s31+$0x84D0]  }
0x215: {  	v10 =	vld [tilespmem:s31+$0x94D0]  }
0x216: {  	v12 =	vld [tilespmem:s31+$0xA4D0];
	[tilespmem:s13+$0xFFFFFF20] =	vst v6  }
0x217: {  	v6 =	vld [tilespmem:s31+$0x1490];
	[tilespmem:s9+$0x0] =	vst v7  }
0x218: {  	v7 =	vld [tilespmem:s8+$0x84F0]  }
0x219: {  	v11 =	vld [tilespmem:s8+$0x94F0]  }
0x21a: {  	v14 =	vld [tilespmem:s31+$0xB4D0]  }
0x21b: {  	[tilespmem:s9+$0xFFFFFF70] =	vst v8;
	v13 =	vld [tilespmem:s8+$0xA4F0]  }
0x21c: {  	v8 =	vld [tilespmem:s8+$0x84A0];
	v9 =	vadd.f32 v10, v9  }
0x21d: {  	v15 =	vld [tilespmem:s8+$0xB4F0];
	[tilespmem:s10+$0xFFFFFF20] =	vst v6  }
0x21e: {  	v9 =	vadd.f32 v12, v9;
	v6 =	vadd.f32 v11, v7;
	v7 =	vld [tilespmem:s31+$0x3490]  }
0x21f: {  	s15 =	simm.s32 $0x100;
	v10 =	vld [tilespmem:s8+$0x94A0]  }
0x220: {  	v9 =	vadd.f32 v14, v9;
	v14 =	vld [tilespmem:s15+$0x1480];
	v6 =	vadd.f32 v13, v6  }
0x221: {  	v13 =	vld [tilespmem:s15+$0x14C0]  }
0x222: {  	[tilespmem:s13+$0xFFFFFFB0] =	vst v9;
	v11 =	vld [tilespmem:s8+$0xA4A0];
	v6 =	vadd.f32 v15, v6  }
0x223: {  	v12 =	vld [tilespmem:s8+$0xB4A0];
	[tilespmem:s10+$0xFFFFFF60] =	vst v7  }
0x224: {  	[tilespmem:s0+$0xFFFFFFD0] =	vst v6;
	v6 =	vld [tilespmem:s31+$0x14E0]  }
0x225: {  	s21 =	simm.s32 $0xF770;
	v8 =	vadd.f32 v10, v8;
	v9 =	vld [tilespmem:s31+$0x8490]  }
0x226: {  	v10 =	vld [tilespmem:s31+$0x9490];
	[tilespmem:s21+$0xFFFFFF90] =	vst v13  }
0x227: {  	[tilespmem:s21+$0xFFFFFF10] =	vst v14;
	v8 =	vadd.f32 v11, v8;
	v11 =	vld [tilespmem:s15+$0x34C0]  }
0x228: {  	v13 =	vld [tilespmem:s15+$0x3480]  }
0x229: {  	[tilespmem:s10+$0xFFFFFFB0] =	vst v6;
	v6 =	vadd.f32 v12, v8;
	v12 =	vld [tilespmem:s31+$0xA490]  }
0x22a: {  	v8 =	vld [tilespmem:s31+$0x34E0]  }
0x22b: {  	[tilespmem:s0+$0xFFFFFF40] =	vst v6;
	v6 =	vld [tilespmem:s31+$0xB490]  }
0x22c: {  	[tilespmem:s21+$0xFFFFFFD0] =	vst v11;
	v11 =	vld [tilespmem:s8+$0x14B0]  }
0x22d: {  	v14 =	vld [tilespmem:s15+$0x84C0]  }
0x22e: {  	v15 =	vld [tilespmem:s15+$0x94C0]  }
0x22f: {  	v48 =	vld [tilespmem:s15+$0xA4C0];
	[tilespmem:s10+$0xFFFFFFF0] =	vst v8  }
0x230: {  	v8 =	vld [tilespmem:s31+$0x84E0]  }
0x231: {  	v9 =	vadd.f32 v10, v9;
	v47 =	vld [tilespmem:s31+$0x94E0]  }
0x232: {  	v18 =	vld [tilespmem:s15+$0xB4C0]  }
0x233: {  	s11 =	simm.s32 $0xC890;
	v9 =	vadd.f32 v12, v9;
	v10 =	vld [tilespmem:s31+$0xA4E0];
	v12 =	vadd.f32 v15, v14  }
0x234: {  	v7 =	vld [tilespmem:s11+$0x0]  }
0x235: {  	[tilespmem:s21+$0xFFFFFF50] =	vst v13;
	v13 =	vld [tilespmem:s31+$0xB4E0];
	v6 =	vadd.f32 v6, v9;
	v12 =	vadd.f32 v48, v12  }
0x236: {  	v9 =	vld [tilespmem:s15+$0x9480];
	v8 =	vadd.f32 v47, v8  }
0x237: {  	v14 =	vld [tilespmem:s15+$0x8480];
	[tilespmem:s13+$0xFFFFFF30] =	vst v6;
	v6 =	vadd.f32 v18, v12  }
0x238: {  	s16 =	simm.s32 $0x13760;
	v15 =	vld [tilespmem:s15+$0xA480];
	[tilespmem:s9+$0xFFFFFF40] =	vst v11;
	v8 =	vadd.f32 v10, v8  }
0x239: {  	v11 =	vld [tilespmem:s31+$0x14A0];
	[tilespmem:s16+$0xFFFFFFA0] =	vst v6  }
0x23a: {  	s3 =	simm.s32 $0xF870;
	v8 =	vadd.f32 v13, v8;
	v13 =	vld [tilespmem:s15+$0x14D0]  }
0x23b: {  	[tilespmem:s3+$0xFFFFFF10] =	vst v54;
	v12 =	vld [tilespmem:s8+$0x34B0]  }
0x23c: {  	v10 =	vld [tilespmem:s15+$0xB480];
	[tilespmem:s13+$0xFFFFFFC0] =	vst v8  }
0x23d: {  	[tilespmem:s0+$0xFFFFFFE0] =	vst v7;
	v8 =	vadd.f32 v9, v14;
	v9 =	vld [tilespmem:s31+$0x14F0]  }
0x23e: {  	s22 =	simm.s32 $0xD090;
	v18 =	vld [tilespmem:s23+$0x3480];
	[tilespmem:s10+$0xFFFFFF30] =	vst v11  }
0x23f: {  	v6 =	vld [tilespmem:s22+$0x0];
	v7 =	vadd.f32 v15, v8;
	[tilespmem:s21+$0xFFFFFFA0] =	vst v13  }
0x240: {  	[tilespmem:s9+$0xFFFFFF80] =	vst v12;
	v11 =	vld [tilespmem:s15+$0x34D0]  }
0x241: {  	v52 =	vld [tilespmem:s8+$0xA4B0];
	v7 =	vadd.f32 v10, v7  }
0x242: {  	v53 =	vld [tilespmem:s8+$0xB4B0];
	[tilespmem:s10+$0xFFFFFFC0] =	vst v9  }
0x243: {  	[tilespmem:s16+$0xFFFFFF20] =	vst v7;
	v7 =	vld [tilespmem:s31+$0x34F0]  }
0x244: {  	v8 =	vld [tilespmem:s31+$0x34A0]  }
0x245: {  	v9 =	vld [tilespmem:s15+$0x1490];
	[tilespmem:s21+$0xFFFFFFE0] =	vst v11  }
0x246: {  	v13 =	vld [tilespmem:s15+$0x84D0]  }
0x247: {  	v15 =	vld [tilespmem:s15+$0x94D0]  }
0x248: {  	v50 =	vld [tilespmem:s15+$0xA4D0];
	[tilespmem:s10+$0x0] =	vst v7  }
0x249: {  	v7 =	vld [tilespmem:s31+$0x84F0]  }
0x24a: {  	v14 =	vld [tilespmem:s31+$0x94F0]  }
0x24b: {  	[tilespmem:s21+$0xFFFFFF20] =	vst v9;
	v9 =	vld [tilespmem:s15+$0xB4D0]  }
0x24c: {  	[tilespmem:s3+$0xFFFFFF50] =	vst v18;
	v49 =	vld [tilespmem:s31+$0xA4F0]  }
0x24d: {  	v57 =	vld [tilespmem:s23+$0x8480];
	v13 =	vadd.f32 v15, v13  }
0x24e: {  	[tilespmem:s10+$0xFFFFFF70] =	vst v8;
	v51 =	vld [tilespmem:s31+$0xB4F0]  }
0x24f: {  	v12 =	vld [tilespmem:s31+$0x84A0];
	v13 =	vadd.f32 v50, v13;
	v7 =	vadd.f32 v14, v7  }
0x250: {  	v11 =	vld [tilespmem:s31+$0x94A0]  }
0x251: {  	v9 =	vadd.f32 v9, v13;
	v13 =	vld [tilespmem:s23+$0x14C0];
	v7 =	vadd.f32 v49, v7  }
0x252: {  	v14 =	vld [tilespmem:s31+$0xA4A0]  }
0x253: {  	v19 =	vld [tilespmem:s15+$0x3490];
	v7 =	vadd.f32 v51, v7  }
0x254: {  	v10 =	vld [tilespmem:s8+$0x84B0];
	[tilespmem:s16+$0xFFFFFFB0] =	vst v9  }
0x255: {  	v11 =	vadd.f32 v11, v12;
	[tilespmem:s13+$0xFFFFFFD0] =	vst v7;
	v7 =	vld [tilespmem:s15+$0x14E0]  }
0x256: {  	v15 =	vld [tilespmem:s31+$0xB4A0];
	[tilespmem:s3+$0xFFFFFF90] =	vst v13  }
0x257: {  	v11 =	vadd.f32 v14, v11;
	v14 =	vld [tilespmem:s23+$0x34C0]  }
0x258: {  	v8 =	vld [tilespmem:s8+$0x94B0];
	[tilespmem:s21+$0xFFFFFF60] =	vst v19  }
0x259: {  	v12 =	vld [tilespmem:s15+$0x8490]  }
0x25a: {  	v13 =	vld [tilespmem:s15+$0x9490];
	[tilespmem:s21+$0xFFFFFFB0] =	vst v7  }
0x25b: {  	v7 =	vadd.f32 v15, v11;
	v11 =	vld [tilespmem:s15+$0x34E0]  }
0x25c: {  	v15 =	vld [tilespmem:s15+$0xA490];
	[tilespmem:s3+$0xFFFFFFD0] =	vst v14  }
0x25d: {  	[tilespmem:s13+$0xFFFFFF40] =	vst v7;
	v7 =	vld [tilespmem:s15+$0xB490]  }
0x25e: {  	v55 =	vld [tilespmem:s23+$0x84C0]  }
0x25f: {  	v20 =	vld [tilespmem:s23+$0x94C0]  }
0x260: {  	v22 =	vld [tilespmem:s23+$0xA4C0];
	[tilespmem:s21+$0xFFFFFFF0] =	vst v11  }
0x261: {  	v11 =	vld [tilespmem:s15+$0x84E0]  }
0x262: {  	v12 =	vadd.f32 v13, v12;
	v21 =	vld [tilespmem:s15+$0x94E0]  }
0x263: {  	v23 =	vld [tilespmem:s23+$0xB4C0]  }
0x264: {  	s2 =	simm.s32 $0xC8B0;
	v12 =	vadd.f32 v15, v12;
	v13 =	vld [tilespmem:s15+$0xA4E0]  }
0x265: {  	v9 =	vld [tilespmem:s2+$0x0];
	v15 =	vadd.f32 v20, v55  }
0x266: {  	v56 =	vld [tilespmem:s15+$0xB4E0];
	v7 =	vadd.f32 v7, v12  }
0x267: {  	v14 =	vld [tilespmem:s31+$0x14B0];
	v12 =	vadd.f32 v22, v15;
	v11 =	vadd.f32 v21, v11  }
0x268: {  	v8 =	vadd.f32 v8, v10;
	v15 =	vld [tilespmem:s23+$0x9480]  }
0x269: {  	[tilespmem:s16+$0xFFFFFF30] =	vst v7;
	v7 =	vld [tilespmem:s23+$0xB480];
	v12 =	vadd.f32 v23, v12;
	v10 =	vadd.f32 v13, v11  }
0x26a: {  	s6 =	simm.s32 $0x13860;
	v11 =	vld [tilespmem:s23+$0xA480]  }
0x26b: {  	v8 =	vadd.f32 v52, v8;
	[tilespmem:s6+$0xFFFFFFA0] =	vst v12;
	v13 =	vld [tilespmem:s15+$0x14A0];
	v10 =	vadd.f32 v56, v10  }
0x26c: {  	[tilespmem:s10+$0xFFFFFF40] =	vst v14;
	v14 =	vld [tilespmem:s23+$0x14D0]  }
0x26d: {  	v8 =	vadd.f32 v53, v8;
	v12 =	vld [tilespmem:s31+$0x34B0];
	[tilespmem:s16+$0xFFFFFFC0] =	vst v10  }
0x26e: {  	s26 =	simm.s32 $0xD0B0;
	[tilespmem:s13+$0xFFFFFFE0] =	vst v9;
	v9 =	vadd.f32 v15, v57;
	v10 =	vld [tilespmem:s15+$0x14F0]  }
0x26f: {  	[tilespmem:s0+$0xFFFFFF50] =	vst v8;
	v15 =	vld [tilespmem:s26+$0x0]  }
0x270: {  	v8 =	vadd.f32 v11, v9;
	v9 =	vld [tilespmem:s11+$0xFFFFFFF0];
	[tilespmem:s21+$0xFFFFFF30] =	vst v13  }
0x271: {  	[tilespmem:s3+$0xFFFFFFA0] =	vst v14;
	v11 =	vld [tilespmem:s15+$0x34A0]  }
0x272: {  	[tilespmem:s10+$0xFFFFFF80] =	vst v12;
	v12 =	vld [tilespmem:s23+$0x34D0];
	v7 =	vadd.f32 v7, v8  }
0x273: {  	v8 =	vld [tilespmem:s31+$0x84B0];
	[tilespmem:s21+$0xFFFFFFC0] =	vst v10  }
0x274: {  	[tilespmem:s6+$0xFFFFFF20] =	vst v7;
	v7 =	vld [tilespmem:s15+$0x34F0]  }
0x275: {  	v10 =	vld [tilespmem:s23+$0x1490]  }
0x276: {  	[tilespmem:s21+$0xFFFFFF70] =	vst v11;
	v11 =	vld [tilespmem:s31+$0x94B0]  }
0x277: {  	v14 =	vld [tilespmem:s15+$0x84A0]  }
0x278: {  	[tilespmem:s3+$0xFFFFFFE0] =	vst v12;
	v58 =	vld [tilespmem:s15+$0x94A0]  }
0x279: {  	v59 =	vld [tilespmem:s23+$0x84D0];
	[tilespmem:s21+$0x0] =	vst v7  }
0x27a: {  	v7 =	vld [tilespmem:s15+$0x84F0]  }
0x27b: {  	v12 =	vld [tilespmem:s15+$0x94F0]  }
0x27c: {  	v60 =	vld [tilespmem:s23+$0x94D0]  }
0x27d: {  	v61 =	vld [tilespmem:s15+$0xA4F0]  }
0x27e: {  	v62 =	vld [tilespmem:s23+$0xA4D0]  }
0x27f: {  	[tilespmem:s3+$0xFFFFFF20] =	vst v10;
	v63 =	vld [tilespmem:s15+$0xB4F0]  }
0x280: {  	[tilespmem:s0+$0xFFFFFFF0] =	vst v6;
	v13 =	vld [tilespmem:s23+$0x3490];
	v6 =	vadd.f32 v12, v7  }
0x281: {  	[tilespmem:s0+$0x0] =	vst v0;
	v12 =	vld [tilespmem:s23+$0xB4D0]  }
0x282: {  	[tilespmem:s13+$0xFFFFFFF0] =	vst v15;
	v10 =	vld [tilespmem:s15+$0xA4A0];
	v7 =	vadd.f32 v60, v59;
	v15 =	vadd.f32 v61, v6  }
0x283: {  	s5 =	simm.s32 $0xD0B0;
	s1 =	simm.s32 $0x13860;
	s9 =	simm.s32 $0x6;
	[tilespmem:s0+$0xFFFFFF60] =	vst v9;
	v9 =	vld [tilespmem:s15+$0xB4A0];
	v6 =	vadd.f32 v11, v8;
	v8 =	vadd.f32 v58, v14  }
0x284: {  	s8 =	simm.s32 $0xF870;
	[tilespmem:s13+$0x0] =	vst v0;
	s10 =	simm.s32 $0xC8B0;
	s11 =	simm.s32 $0x800;
	v14 =	vadd.f32 v62, v7;
	v7 =	vld [tilespmem:s31+$0xA4B0];
	v11 =	vadd.f32 v63, v15  }
.LBB2_5:
0x285: {  	[tilespmem:s3+$0xFFFFFF60] =	vst v13;
	v13 =	vld [tilespmem:s31+$0xB4B0];
	s31 =	smov.u32 s15;
	s15 =	smov.u32 s23;
	s23 =	sshra.s32 s11, $0x2  }
0x286: {  	s2 =	sadd.s32 $0x20, s2;
	v15 =	vld [tilespmem:s23+$0x14C0];
	v12 =	vadd.f32 v12, v14;
	[tilespmem:s16+$0xFFFFFFD0] =	vst v11  }
0x287: {  	v8 =	vadd.f32 v10, v8;
	v10 =	vld [tilespmem:s2+$0x0]  }
0x288: {  	v11 =	vld [tilespmem:s23+$0x1480];
	[tilespmem:s6+$0xFFFFFFB0] =	vst v12  }
0x289: {  	v12 =	vld [tilespmem:s15+$0x14E0];
	v8 =	vadd.f32 v9, v8;
	v6 =	vadd.f32 v7, v6  }
0x28a: {  	s3 =	sadd.s32 $0x100, s3;
	v7 =	vld [tilespmem:s15+$0x8490]  }
0x28b: {  	[tilespmem:s3+$0xFFFFFF90] =	vst v15;
	v9 =	vld [tilespmem:s15+$0x9490];
	v6 =	vadd.f32 v13, v6  }
0x28c: {  	s26 =	sadd.s32 $0x20, s26;
	v13 =	vld [tilespmem:s23+$0x34C0];
	[tilespmem:s16+$0xFFFFFFE0] =	vst v10  }
0x28d: {  	[tilespmem:s3+$0xFFFFFF10] =	vst v11;
	v10 =	vld [tilespmem:s26+$0x0]  }
0x28e: {  	s9 =	sadd.s32 $0x2, s9;
	v11 =	vld [tilespmem:s23+$0x3480];
	[tilespmem:s8+$0xFFFFFFB0] =	vst v12  }
0x28f: {  	p1 =	slt.u32 s9, $0x3E;
	v12 =	vld [tilespmem:s15+$0x34E0];
	[tilespmem:s16+$0xFFFFFF40] =	vst v8  }
0x290: {  	v7 =	vadd.f32 v9, v7;
	v8 =	vld [tilespmem:s15+$0xA490];
	[tilespmem:s13+$0xFFFFFF50] =	vst v6  }
0x291: {  	[tilespmem:s3+$0xFFFFFFD0] =	vst v13;
	v6 =	vld [tilespmem:s15+$0xB490]  }
0x292: {  	v9 =	vld [tilespmem:s31+$0x14B0];
	[tilespmem:s16+$0xFFFFFFF0] =	vst v10  }
0x293: {  	[tilespmem:s3+$0xFFFFFF50] =	vst v11;
	v10 =	vld [tilespmem:s23+$0x84C0]  }
0x294: {  	v11 =	vld [tilespmem:s23+$0x94C0];
	[tilespmem:s8+$0xFFFFFFF0] =	vst v12  }
0x295: {  	v7 =	vadd.f32 v8, v7;
	v8 =	vld [tilespmem:s15+$0x84E0];
	[tilespmem:s16+$0x0] =	vst v0  }
0x296: {  	v12 =	vld [tilespmem:s15+$0x94E0]  }
0x297: {  	v13 =	vld [tilespmem:s23+$0xA4C0];
	v6 =	vadd.f32 v6, v7;
	[tilespmem:s21+$0xFFFFFF40] =	vst v9  }
0x298: {  	v7 =	vld [tilespmem:s15+$0xA4E0]  }
0x299: {  	v9 =	vld [tilespmem:s23+$0xB4C0];
	[tilespmem:s6+$0xFFFFFF30] =	vst v6  }
0x29a: {  	v6 =	vadd.f32 v11, v10;
	v10 =	vld [tilespmem:s15+$0xB4E0]  }
0x29b: {  	v11 =	vld [tilespmem:s23+$0x8480];
	v8 =	vadd.f32 v12, v8  }
0x29c: {  	v12 =	vld [tilespmem:s23+$0x9480];
	v6 =	vadd.f32 v13, v6  }
0x29d: {  	v13 =	vld [tilespmem:s23+$0xA480];
	v7 =	vadd.f32 v7, v8  }
0x29e: {  	v8 =	vld [tilespmem:s23+$0xB480];
	v6 =	vadd.f32 v9, v6  }
0x29f: {  	s6 =	sadd.s32 $0x100, s6;
	v9 =	vld [tilespmem:s15+$0x14A0];
	v7 =	vadd.f32 v10, v7  }
0x2a0: {  	[tilespmem:s6+$0xFFFFFFA0] =	vst v6;
	v6 =	vld [tilespmem:s31+$0x34B0]  }
0x2a1: {  	v10 =	vadd.f32 v12, v11;
	v11 =	vld [tilespmem:s23+$0x14D0];
	[tilespmem:s1+$0xFFFFFFC0] =	vst v7  }
0x2a2: {  	v7 =	vld [tilespmem:s15+$0x14F0]  }
0x2a3: {  	v10 =	vadd.f32 v13, v10;
	v12 =	vld [tilespmem:s10+$0xFFFFFFF0];
	s10 =	smov.u32 s2  }
0x2a4: {  	[tilespmem:s8+$0xFFFFFF30] =	vst v9;
	v9 =	vld [tilespmem:s22+$0xFFFFFFF0];
	s22 =	smov.u32 s5;
	s5 =	smov.u32 s26  }
0x2a5: {  	v8 =	vadd.f32 v8, v10;
	v10 =	vld [tilespmem:s15+$0x34A0];
	[tilespmem:s21+$0xFFFFFF80] =	vst v6;
	s21 =	smov.u32 s8;
	s8 =	smov.u32 s3  }
0x2a6: {  	[tilespmem:s3+$0xFFFFFFA0] =	vst v11;
	v6 =	vld [tilespmem:s31+$0x84B0]  }
0x2a7: {  	v11 =	vld [tilespmem:s23+$0x34D0];
	[tilespmem:s21+$0xFFFFFFC0] =	vst v7  }
0x2a8: {  	[tilespmem:s6+$0xFFFFFF20] =	vst v8;
	v7 =	vld [tilespmem:s15+$0x34F0]  }
0x2a9: {  	v8 =	vld [tilespmem:s23+$0x1490];
	[tilespmem:s13+$0xFFFFFF60] =	vst v12  }
0x2aa: {  	[tilespmem:s21+$0xFFFFFF70] =	vst v10;
	v10 =	vld [tilespmem:s31+$0x94B0]  }
0x2ab: {  	v12 =	vld [tilespmem:s15+$0x84A0];
	[tilespmem:s0+$0xFFFFFF70] =	vst v9  }
0x2ac: {  	[tilespmem:s3+$0xFFFFFFE0] =	vst v11;
	v9 =	vld [tilespmem:s15+$0x94A0]  }
0x2ad: {  	v11 =	vld [tilespmem:s23+$0x84D0];
	[tilespmem:s21+$0x0] =	vst v7  }
0x2ae: {  	[tilespmem:s3+$0xFFFFFF20] =	vst v8;
	v7 =	vld [tilespmem:s15+$0x84F0]  }
0x2af: {  	v14 =	vld [tilespmem:s15+$0x94F0];
	v6 =	vadd.f32 v10, v6;
	[tilespmem:s0+$0xFFFFFF80] =	vst v0;
	s0 =	smov.u32 s13;
	s13 =	smov.u32 s16;
	s16 =	smov.u32 s1  }
0x2b0: {  	s1 =	smov.u32 s6;
	v10 =	vld [tilespmem:s23+$0x94D0]  }
0x2b1: {  	v8 =	vadd.f32 v9, v12;
	v9 =	vld [tilespmem:s15+$0xA4F0]  }
0x2b2: {  	v15 =	vld [tilespmem:s23+$0xA4D0]  }
0x2b3: {  	v16 =	vld [tilespmem:s15+$0xB4F0]  }
.Ltmp1:
0x2b4: {  	v13 =	vld [tilespmem:s23+$0x3490];
	v7 =	vadd.f32 v14, v7;
	(pc) =	sbr.rel @p1 .LBB2_5-.Ltmp1, $4  }
0x2b5: {  	v12 =	vld [tilespmem:s23+$0xB4D0]  }
0x2b6: {  	v11 =	vadd.f32 v10, v11;
	v10 =	vld [tilespmem:s15+$0xA4A0];
	v7 =	vadd.f32 v9, v7  }
0x2b7: {  	v9 =	vld [tilespmem:s15+$0xB4A0]  }
0x2b8: {  	s11 =	sadd.s32 $0x200, s11;
	v14 =	vadd.f32 v15, v11;
	v11 =	vadd.f32 v16, v7;
	v7 =	vld [tilespmem:s31+$0xA4B0]  }
0x2b9: {  	[tilespmem:s3+$0xFFFFFF60] =	vst v13  }
0x2ba: {  	v13 =	vld [tilespmem:s23+$0x8490]  }
0x2bb: {  	v38 =	vld [tilespmem:s23+$0x9490]  }
0x2bc: {  	v12 =	vadd.f32 v12, v14  }
0x2bd: {  	v39 =	vld [tilespmem:s23+$0xA490]  }
0x2be: {  	v16 =	vld [tilespmem:s23+$0xB490];
	[tilespmem:s6+$0xFFFFFFB0] =	vst v12  }
0x2bf: {  	v15 =	vld [tilespmem:s23+$0x14E0]  }
0x2c0: {  	v13 =	vadd.f32 v38, v13;
	_ =	sdelay $0x1  }
0x2c1: {  	v12 =	vadd.f32 v39, v13;
	_ =	sdelay $0x1  }
0x2c2: {  	[tilespmem:s8+$0xFFFFFFB0] =	vst v15;
	v12 =	vadd.f32 v16, v12  }
0x2c3: {  	v40 =	vld [tilespmem:s23+$0x34E0]  }
0x2c4: {  	[tilespmem:s6+$0xFFFFFF30] =	vst v12  }
0x2c5: {  	v12 =	vld [tilespmem:s23+$0x14A0];
	_ =	sdelay $0x2  }
0x2c6: {  	[tilespmem:s8+$0xFFFFFFF0] =	vst v40  }
0x2c7: {  	v13 =	vld [tilespmem:s23+$0x84E0]  }
0x2c8: {  	v41 =	vld [tilespmem:s23+$0x94E0];
	[tilespmem:s8+$0xFFFFFF30] =	vst v12  }
0x2c9: {  	v12 =	vld [tilespmem:s23+$0x34A0]  }
0x2ca: {  	v15 =	vld [tilespmem:s23+$0xA4E0];
	_ =	sdelay $0x1  }
0x2cb: {  	v42 =	vld [tilespmem:s23+$0xB4E0]  }
0x2cc: {  	v13 =	vadd.f32 v41, v13  }
0x2cd: {  	[tilespmem:s8+$0xFFFFFF70] =	vst v12  }
0x2ce: {  	v13 =	vadd.f32 v15, v13;
	v12 =	vld [tilespmem:s23+$0x84A0]  }
0x2cf: {  	v43 =	vld [tilespmem:s23+$0x94A0]  }
0x2d0: {  	v13 =	vadd.f32 v42, v13  }
0x2d1: {  	v8 =	vadd.f32 v10, v8;
	v44 =	vld [tilespmem:s23+$0xA4A0]  }
0x2d2: {  	v45 =	vld [tilespmem:s23+$0xB4A0];
	[tilespmem:s1+$0xFFFFFFC0] =	vst v13  }
0x2d3: {  	v8 =	vadd.f32 v9, v8;
	v13 =	vld [tilespmem:s23+$0x14F0]  }
0x2d4: {  	v12 =	vadd.f32 v43, v12  }
0x2d5: {  	[tilespmem:s16+$0xFFFFFF40] =	vst v8  }
0x2d6: {  	v8 =	vld [tilespmem:s15+$0x14B0];
	v10 =	vadd.f32 v44, v12;
	_ =	sdelay $0x1  }
0x2d7: {  	[tilespmem:s8+$0xFFFFFFC0] =	vst v13;
	v9 =	vadd.f32 v45, v10  }
0x2d8: {  	v46 =	vld [tilespmem:s23+$0x34F0]  }
0x2d9: {  	v47 =	vld [tilespmem:s31+$0xB4B0];
	[tilespmem:s1+$0xFFFFFF40] =	vst v9  }
0x2da: {  	[tilespmem:s21+$0xFFFFFF40] =	vst v8;
	v48 =	vld [tilespmem:s23+$0x14B0]  }
0x2db: {  	v49 =	vld [tilespmem:s15+$0x34B0]  }
0x2dc: {  	v50 =	vld [tilespmem:s22+$0xFFFFFFF0];
	s2 =	sadd.s32 $0x20, s2;
	[tilespmem:s16+$0xFFFFFFD0] =	vst v11  }
0x2dd: {  	v11 =	vld [tilespmem:s2+$0x0];
	[tilespmem:s8+$0x0] =	vst v46  }
0x2de: {  	v10 =	vld [tilespmem:s23+$0x84F0]  }
0x2df: {  	v51 =	vld [tilespmem:s23+$0x94F0];
	[tilespmem:s8+$0xFFFFFF40] =	vst v48  }
0x2e0: {  	[tilespmem:s21+$0xFFFFFF80] =	vst v49;
	v8 =	vld [tilespmem:s23+$0x34B0]  }
0x2e1: {  	v53 =	vld [tilespmem:s15+$0x94B0]  }
0x2e2: {  	v52 =	vld [tilespmem:s23+$0xA4F0]  }
0x2e3: {  	v9 =	vld [tilespmem:s15+$0x84B0]  }
0x2e4: {  	v17 =	vld [tilespmem:s23+$0xB4F0]  }
0x2e5: {  	v55 =	vld [tilespmem:s15+$0xA4B0];
	v54 =	vadd.f32 v51, v10;
	[tilespmem:s8+$0xFFFFFF80] =	vst v8  }
0x2e6: {  	v6 =	vadd.f32 v7, v6;
	v56 =	vld [tilespmem:s23+$0x84B0]  }
0x2e7: {  	v8 =	vadd.f32 v52, v54;
	v57 =	vld [tilespmem:s23+$0x94B0]  }
0x2e8: {  	v6 =	vadd.f32 v47, v6;
	v18 =	vld [tilespmem:s15+$0xB4B0]  }
0x2e9: {  	s9 =	sadd.s32 $0x20, s26;
	[tilespmem:s16+$0xFFFFFFE0] =	vst v11;
	v9 =	vadd.f32 v53, v9;
	v58 =	vld [tilespmem:s23+$0xA4B0];
	v7 =	vadd.f32 v17, v8  }
0x2ea: {  	[tilespmem:s13+$0xFFFFFF50] =	vst v6;
	v6 =	vld [tilespmem:s9+$0x0]  }
0x2eb: {  	v9 =	vadd.f32 v55, v9;
	[tilespmem:s1+$0xFFFFFFD0] =	vst v7;
	v7 =	vld [tilespmem:s23+$0xB4B0]  }
0x2ec: {  	v61 =	vld [tilespmem:s10+$0xFFFFFFF0];
	v60 =	vadd.f32 v57, v56  }
0x2ed: {  	[tilespmem:s0+$0xFFFFFF80] =	vst v0;
	v9 =	vadd.f32 v18, v9  }
0x2ee: {  	[tilespmem:s0+$0xFFFFFF70] =	vst v50;
	v8 =	vadd.f32 v58, v60  }
0x2ef: {  	[tilespmem:s16+$0xFFFFFF50] =	vst v9  }
0x2f0: {  	[tilespmem:s16+$0xFFFFFFF0] =	vst v6;
	s8 =	sadd.s32 $0x20, s2;
	v62 =	vld [tilespmem:s2+$0xFFFFFFF0];
	v7 =	vadd.f32 v7, v8  }
0x2f1: {  	[tilespmem:s13+$0xFFFFFF60] =	vst v61;
	v59 =	vld [tilespmem:s8+$0x0]  }
0x2f2: {  	v6 =	vld [tilespmem:s5+$0xFFFFFFF0];
	[tilespmem:s1+$0xFFFFFF50] =	vst v7  }
0x2f3: {  	[tilespmem:s16+$0x0] =	vst v0;
	v7 =	vld [tilespmem:s8+$0xFFFFFFF0]  }
0x2f4: {  	[tilespmem:s13+$0xFFFFFF80] =	vst v0  }
0x2f5: {  	[tilespmem:s16+$0xFFFFFF60] =	vst v62  }
0x2f6: {  	s11 =	sadd.s32 $0x20, s9;
	[tilespmem:s1+$0xFFFFFFE0] =	vst v59;
	v8 =	vld [tilespmem:s9+$0xFFFFFFF0]  }
0x2f7: {  	[tilespmem:s13+$0xFFFFFF70] =	vst v6;
	v63 =	vld [tilespmem:s11+$0x0]  }
0x2f8: {  	[tilespmem:s1+$0xFFFFFF60] =	vst v7  }
0x2f9: {  	[tilespmem:s16+$0xFFFFFF80] =	vst v0;
	v7 =	vld [tilespmem:s11+$0xFFFFFFF0]  }
0x2fa: {  	[tilespmem:s1+$0x0] =	vst v0  }
0x2fb: {  	[tilespmem:s16+$0xFFFFFF70] =	vst v8  }
0x2fc: {  	[tilespmem:s1+$0xFFFFFFF0] =	vst v63  }
0x2fd: {  	[tilespmem:s1+$0xFFFFFF80] =	vst v0  }
0x2fe: {  	[tilespmem:s1+$0xFFFFFF70] =	vst v7  }
0x2ff: {  	v6 =	vld [tilespmem:$0x440];
	_ =	sdelay $0x4  }
0x300: {  	v6 =	vadd.s32 v1, v6;
	_ =	sdelay $0x3  }
0x301: {  	s15 =	simm.s32 $0x13480  }
0x302: {  	[tilespmem:v6+s15+$0x0] =	vst.idx.msk $0xffff, v2  }
0x303: {  	v6 =	vld [tilespmem:$0x450];
	_ =	sdelay $0x4  }
0x304: {  	v6 =	vadd.s32 v3, v6;
	_ =	sdelay $0x4  }
0x305: {  	[tilespmem:v6+s15+$0x0] =	vst.idx.msk $0xffff, v2  }
0x306: {  	v6 =	vld [tilespmem:$0x460];
	_ =	sdelay $0x4  }
0x307: {  	v6 =	vadd.s32 v4, v6;
	_ =	sdelay $0x4  }
0x308: {  	[tilespmem:v6+s15+$0x0] =	vst.idx.msk $0xffff, v2  }
0x309: {  	v6 =	vld [tilespmem:$0x470];
	_ =	sdelay $0x4  }
0x30a: {  	v6 =	vadd.s32 v5, v6;
	_ =	sdelay $0x4  }
0x30b: {  	s0 =	simm.s32 @!p0 $0x1;
	[tilespmem:v6+s15+$0x0] =	vst.idx.msk $0xffff, v2  }
0x30c: {  	_ =	swait.ge @!p0 [sflag:s0], $0x240  }
0x30d: {  	[sflag:s0] =	ssyncset.done @!p0 $0x0  }
0x30e: {  	[sflag:s0] =	ssyncadd.s32 @!p0 $0xFFFFFDC0;
	s0 =	simm.s32 @!p0 $0x5  }
0x30f: {  	_ =	swait.ge @!p0 [sflag:s0], $0x2000  }
0x310: {  	[sflag:s0] =	ssyncset.done @!p0 $0x0  }
0x311: {  	[sflag:s0] =	ssyncadd.s32 @!p0 $0xFFFFE000  }
0x312: {  	_ =	swait.ge @!p0 [sflag:s0], $0x2000  }
0x313: {  	[sflag:s0] =	ssyncset.done @!p0 $0x0  }
0x314: {  	[sflag:s0] =	ssyncadd.s32 @!p0 $0xFFFFE000  }
0x315: {  	_ =	swait.ge @!p0 [sflag:s0], $0x40  }
0x316: {  	s2 =	simm.s32 @!p0 $0x480;
	[sflag:s0] =	ssyncset.done @!p0 $0x0  }
0x317: {  	s1 =	simm.s32 @!p0 $0x0;
	[sflag:s0] =	ssyncadd.s32 @!p0 $0xFFFFFFC0;
	s0 =	simm.s32 @!p0 $0x40  }
0x318: {  	[tilespmem:s2], [sflag:$0x3] =	stream.indirect.gather @!p0 [hbm4b:s20+s0], $0x40, s1, s0, $0xb8;
	[tilespmem:$0x15500] =	vst v63  }
0x319: {  	s1 =	simm.s32 @!p0 $0x2480  }
0x31a: {  	[tilespmem:s1], [sflag:$0x3] =	stream.indirect.gather @!p0 [hbm4b:s25+s0], $0x40, s0, s0, $0xb8;
	[tilespmem:$0x15500] =	vst v63  }
0x31b: {  	s2 =	simm.s32 @!p0 $0xC480;
	s1 =	simm.s32 @!p0 $0x80  }
0x31c: {  	[tilespmem:s2], [sflag:$0x3] =	stream.indirect.gather @!p0 [hbm4b:s12+s0], $0x10, s1, s0, $0xb8;
	[tilespmem:$0x15500] =	vst v63  }
0x31d: {  	s1 =	simm.s32 @!p0 $0xC0;
	s2 =	simm.s32 @!p0 $0xCC80  }
0x31e: {  	[tilespmem:s2], [sflag:$0x3] =	stream.indirect.gather @!p0 [hbm4b:s17+s0], $0x10, s1, s0, $0xb8;
	[tilespmem:$0x15500] =	vst v63  }
0x31f: {  	s1 =	simm.s32 @!p0 $0x100;
	s2 =	simm.s32 @!p0 $0x4480  }
0x320: {  	[tilespmem:s2], [sflag:$0x3] =	stream.indirect.gather @!p0 [hbm4b:s7+s0], $0x40, s1, s0, $0xb8;
	[tilespmem:$0x15500] =	vst v63  }
0x321: {  	s1 =	simm.s32 @!p0 $0x140;
	s2 =	simm.s32 @!p0 $0x5480  }
0x322: {  	[tilespmem:s2], [sflag:$0x3] =	stream.indirect.gather @!p0 [hbm4b:s7+s0], $0x40, s1, s0, $0xb8;
	[tilespmem:$0x15500] =	vst v63  }
0x323: {  	s16 =	rddreg [dreg:$0xd];
	s1 =	simm.s32 @!p0 $0x180;
	s2 =	simm.s32 @!p0 $0x6480  }
0x324: {  	[tilespmem:s2], [sflag:$0x3] =	stream.indirect.gather @!p0 [hbm4b:s7+s0], $0x40, s1, s0, $0xb8;
	[tilespmem:$0x15500] =	vst v63  }
0x325: {  	s21 =	sshll.u32 s16, $0xA;
	s1 =	simm.s32 @!p0 $0x1C0;
	s2 =	simm.s32 @!p0 $0x7480  }
0x326: {  	[tilespmem:s2], [sflag:$0x3] =	stream.indirect.gather @!p0 [hbm4b:s7+s0], $0x40, s1, s0, $0xb8;
	[tilespmem:$0x15500] =	vst v63  }
0x327: {  	s29 =	sadd.s32 $0x1, s29;
	s23 =	simm.s32 $0xF480;
	s0 =	sand.u32 $0x1FFFFC00, s21  }
0x328: {  	s26 =	rddreg [dreg:$0x8];
	p0 =	sne.s32 s29, $0x32;
	s22 =	sadd.s32 s30, s0  }
0x329: {  	[hbm4b:s22+s14] =	stream.linear.scatter [tilespmem:s23], [sflag:$0x6], $0x2000, $0x38;
	[tilespmem:$0x15500] =	vst v63  }
.Ltmp2:
0x32a: {  	s0 =	sadd.s32 s26, s0;
	s30 =	sshll.u32 s16, $0x3;
	(pc) =	sbr.rel @p0 .LBB2_2-.Ltmp2, $4  }
0x32b: {  	[hbm4b:s0+s14] =	stream.linear.scatter [tilespmem:s15], [sflag:$0x6], $0x2000, $0x38;
	[tilespmem:$0x15500] =	vst v63  }
0x32c: {  	s0 =	sand.u32 $0x1FFFFFF8, s30  }
0x32d: {  	s31 =	simm.s32 $0x154C0;
	s0 =	sadd.s32 s4, s0  }
0x32e: {  	[hbm4b:s0+s14] =	stream.linear.scatter [tilespmem:s31], [sflag:$0x6], $0x40, $0x38;
	[tilespmem:$0x15500] =	vst v63  }
0x32f: {  	s0 =	simm.s32 $0x5  }
0x330: {  	_ =	swait.ge [sflag:s0], $0x2000  }
0x331: {  	[sflag:s0] =	ssyncset.done $0x0  }
0x332: {  	[sflag:s0] =	ssyncadd.s32 $0xFFFFE000  }
0x333: {  	_ =	swait.ge [sflag:s0], $0x2000  }
0x334: {  	[sflag:s0] =	ssyncset.done $0x0  }
0x335: {  	[sflag:s0] =	ssyncadd.s32 $0xFFFFE000  }
0x336: {  	_ =	swait.ge [sflag:s0], $0x40  }
0x337: {  	[sflag:s0] =	ssyncset.done $0x0  }
0x338: {  	s1 =	simm.s32 $0x6;
	[sflag:s0] =	ssyncadd.s32 $0xFFFFFFC0  }
0x339: {  	_ =	swait.ge [sflag:s1], $0x2000  }
0x33a: {  	[sflag:s1] =	ssyncset.done $0x0  }
0x33b: {  	[sflag:s1] =	ssyncadd.s32 $0xFFFFE000  }
0x33c: {  	_ =	swait.ge [sflag:s1], $0x2000  }
0x33d: {  	[sflag:s1] =	ssyncset.done $0x0  }
0x33e: {  	[sflag:s1] =	ssyncadd.s32 $0xFFFFE000  }
0x33f: {  	_ =	swait.ge [sflag:s1], $0x40  }
0x340: {  	s2 =	rddreg [dreg:$0xc]  }
0x341: {  	s31 =	rddreg [dreg:$0xb];
	s2 =	sadd.s32 $0x1, s2  }
0x342: {  	p0 =	sne.s32 s2, s31  }
.Ltmp3:
0x343: {  	_ = 	snop;
	(pc) =	sbr.rel @p0 .LBB2_1-.Ltmp3, $3  }
0x344: {  	_ =	sdelay $0x1  }
0x345: {  	[sflag:s1] =	ssyncset.done $0x0  }
0x346: {  	[sflag:s1] =	ssyncadd.s32 $0xFFFFFFC0  }
0x347: {  	_ =	sfence.sel $0x180000  }
0x348: {  	[bflag:$0x0] =	sbarrier.arrive $0xFFFF  }
0x349: {  	_ =	strace $0x90000047  }
0x34a: {  	s0 =	stileid.u32;
	[bflag:$0x2] =	sbarrier.arrive $0xFFFF  }
0x34b: {  	p0 =	sne.s32 s0, $0x0;
	s0 =	rddreg [dreg:$0x3]  }
0x34c: {  	s0 =	sadd.s32 @!p0 $0x100000, s0  }
0x34d: {  	[sflag:s0] =	ssyncadd.tile.s32 @!p0 $0x1;
	_ =	shalt  }
.Lfunc_end2:
_tile_overlayer_lowered:
.L_overlay_start_2:
0x34e: {  	(tag) =	ssettag $0x2  }
0x34f: {  	s0 =	rddreg [dreg:$0x0];
	s2 =	stileid.u32  }
0x350: {  	s1 =	rddreg [dreg:$0x1];
	p0 =	sne.s32 s2, $0x0  }
0x351: {  	s3 =	rddreg [dreg:$0x2];
	[bflag:$0x3] =	sbarrier.arrive $0xFFFF;
	s2 =	simm.s32 @!p0 $0x1C07  }
0x352: {  	[timem:s3], [sflag:s2] =	dma.local @!p0 [hbm:s0], s1  }
0x353: {  	s0 =	simm.s32 @!p0 $0x7  }
0x354: {  	_ =	swait.ge @!p0 [sflag:s0], s1  }
0x355: {  	s1 =	ssub.s32 @!p0 $0x0, s1;
	[sflag:s0] =	ssyncset.done @!p0 $0x0  }
0x356: {  	[sflag:s0] =	ssyncadd.s32 @!p0 s1  }
0x357: {  	[bflag:$0x3] =	sbarrier.arrive $0xFFFF  }
0x358: {  	_ =	shalt  }

</sc_bundles>
